<compile_context>
chip_gen: v7x
topology: tpu7x:2x2x1
jax: 0.10.2.dev20260603
libtpu: 0.0.44.dev20260713+nightly
codegen_flags: <defaults>
</compile_context>

<pallas_src>
import functools

import jax
import jax.numpy as jnp
from jax import lax
from jax.experimental import pallas as pl
from jax.experimental.pallas import tpu as pltpu
from jax.experimental.pallas import tpu_sc as plsc

_B = 4
_N = 50000
_K = 32
_EMB = 8
_FEAT = 4
_SLOPE = 0.2
_BF = _B * _FEAT

_NC = 2
_NS = 16
_NW = _NC * _NS

_NB = 16
_NBLK = 98
_NBLK_LAST = 87
_CH = _NB * _NBLK

_TB = _N // 5


def _tc_body(e_ref, m_ref, o_ref):
    z = jnp.dot(e_ref[...], m_ref[...], preferred_element_type=jnp.float32)
    o_ref[...] = jnp.where(z >= 0, z, _SLOPE * z)


def _sc_body(f_hbm, nbr_hbm, w_hbm,
             idx0, idx1, g0, g1, wo0, wo1, gs0, gs1, os0, os1):
    idx = (idx0, idx1)
    gv = (g0, g1)
    wo = (wo0, wo1)
    gs = (gs0, gs1)
    osem = (os0, os1)
    wid = lax.axis_index("s") * _NC + lax.axis_index("c")
    base0 = wid * _CH
    nblk = jnp.where(wid == _NW - 1, _NBLK_LAST, _NBLK)
    i16 = lax.iota(jnp.int32, 16)

    def fill_and_fire(p, blk):
        base = base0 + blk * _NB
        pltpu.sync_copy(nbr_hbm.at[pl.ds(base * _K, _NB * _K)],
                        idx[p].at[pl.ds(0, _NB * _K)])
        idx[p][pl.ds(_NB * _K, _NB)] = base + i16
        pltpu.async_copy(f_hbm.at[idx[p]], gv[p], gs[p])

    fill_and_fire(0, 0)
    fill_and_fire(1, 1)

    def one(p, i):
        blk = 2 * i + p

        @pl.when(blk < nblk)
        def _guarded():
            _one_body(p, blk)

    def _one_body(p, blk):
        base = base0 + blk * _NB
        pltpu.make_async_copy(f_hbm.at[idx[p]], gv[p], gs[p]).wait()

        @pl.when(blk >= 2)
        def _():
            pltpu.make_async_copy(
                wo[p], w_hbm.at[pl.ds(0, _NB * _K)], osem[p]
            ).wait()

        @plsc.parallel_loop(0, _NB, unroll=2)
        def node(j):
            jr = jnp.full((16,), _NB * _K + j, jnp.int32)
            rows0 = i16 + (j * _K)
            rows1 = i16 + (j * _K + 16)
            acc = [None] * (2 * _B)
            for c in range(_BF):
                cs = plsc.load_gather(gv[p], [jr, jnp.full((16,), c, jnp.int32)])
                b = c // _FEAT
                for h in range(2):
                    gc = plsc.load_gather(
                        gv[p],
                        [rows0 if h == 0 else rows1,
                         jnp.full((16,), c, jnp.int32)])
                    d = cs - gc
                    s = d * d
                    a = 2 * b + h
                    acc[a] = s if acc[a] is None else acc[a] + s
            for h in range(2):
                w16 = (jnp.exp(-acc[h]) + jnp.exp(-acc[2 + h])
                       + jnp.exp(-acc[4 + h]) + jnp.exp(-acc[6 + h])) * (1.0 / _B)
                krow = idx[p][pl.ds(j * _K + h * 16, 16)]
                w16 = jnp.where(krow != -1, w16, 0.0)
                wo[p][pl.ds(j * _K + h * 16, 16)] = w16

        pltpu.async_copy(wo[p], w_hbm.at[pl.ds(base * _K, _NB * _K)], osem[p])

        @pl.when(blk + 2 < nblk)
        def _():
            fill_and_fire(p, blk + 2)

    def iteration(i, carry):
        one(0, i)
        one(1, i)
        return carry

    lax.fori_loop(0, _NBLK // 2, iteration, 0)
    pltpu.make_async_copy(wo[0], w_hbm.at[pl.ds(0, _NB * _K)], osem[0]).wait()
    pltpu.make_async_copy(wo[1], w_hbm.at[pl.ds(0, _NB * _K)], osem[1]).wait()


_sc_call = functools.partial(
    pl.kernel,
    out_type=jax.ShapeDtypeStruct((_N * _K,), jnp.float32),
    mesh=plsc.VectorSubcoreMesh(core_axis_name="c", subcore_axis_name="s"),
    scratch_types=[
        pltpu.VMEM((_NB * _K + _NB,), jnp.int32),
        pltpu.VMEM((_NB * _K + _NB,), jnp.int32),
        pltpu.VMEM((_NB * _K + _NB, _BF), jnp.float32),
        pltpu.VMEM((_NB * _K + _NB, _BF), jnp.float32),
        pltpu.VMEM((_NB * _K,), jnp.float32),
        pltpu.VMEM((_NB * _K,), jnp.float32),
        pltpu.SemaphoreType.DMA,
        pltpu.SemaphoreType.DMA,
        pltpu.SemaphoreType.DMA,
        pltpu.SemaphoreType.DMA,
    ],
    compiler_params=pltpu.CompilerParams(
        needs_layout_passes=False, use_tc_tiling_on_sc=False
    ),
)(_sc_body)


def kernel(x, node_embeddings, fc_weight, fc_bias, theta, neighbor_list):
    scale = lax.rsqrt(2.0 * theta.astype(jnp.float32))
    w0 = fc_weight[:, 0]
    we = fc_weight[:, 1:]
    m = jnp.concatenate(
        [
            jnp.kron(jnp.eye(_B, dtype=jnp.float32), w0[None, :]),
            jnp.tile(we.T, (1, _B)),
            jnp.tile(fc_bias, _B)[None, :],
            jnp.zeros((3, _BF), dtype=jnp.float32),
        ],
        axis=0,
    ) * scale
    e = jnp.concatenate(
        [
            x.T,
            node_embeddings,
            jnp.ones((_N, 1), dtype=jnp.float32),
            jnp.zeros((_N, 3), dtype=jnp.float32),
        ],
        axis=1,
    )
    f_rows = pl.pallas_call(
        _tc_body,
        grid=(_N // _TB,),
        in_specs=[
            pl.BlockSpec((_TB, _BF), lambda i: (i, 0)),
            pl.BlockSpec((_BF, _BF), lambda i: (0, 0)),
        ],
        out_specs=pl.BlockSpec((_TB, _BF), lambda i: (i, 0)),
        out_shape=jax.ShapeDtypeStruct((_N, _BF), jnp.float32),
    )(e, m)

    w_full = _sc_call(f_rows, neighbor_list.reshape(-1))
    return w_full.reshape(_N, _K)

# --- scband reference (transcript-rebuilt; emitter-appended) ---
"""Pipeline reference for scband-graph-learning-module-4209067950483 (READ-ONLY COPY).

The authoritative reference and input builder live on the scoring server;
editing this copy changes nothing except your own understanding.
"""

import jax, jax.numpy as jnp
import numpy as np

B = 4
N = 50000
K = 32
EMB = 8
FEAT = 4
NEG_SLOPE = 0.2


def setup_inputs(seed: int = 0) -> dict:
    key = jax.random.key(seed)
    k1, k2, k3, k4, k5 = jax.random.split(key, 5)
    x = jax.random.normal(k1, (B, N), dtype=jnp.float32)
    neighbor_list = jax.random.randint(k2, (N, K), 0, N, dtype=jnp.int32)
    node_embeddings = jax.random.normal(k3, (N, EMB), dtype=jnp.float32)
    fc_weight = jax.random.normal(k4, (FEAT, EMB + 1), dtype=jnp.float32) * (1.0 / np.sqrt(EMB + 1))
    fc_bias = jax.random.normal(k5, (FEAT,), dtype=jnp.float32) * 0.01
    theta = jnp.asarray(0.5, dtype=jnp.float32)
    return {
        "x": x,
        "node_embeddings": node_embeddings,
        "fc_weight": fc_weight,
        "fc_bias": fc_bias,
        "theta": theta,
        "neighbor_list": neighbor_list,
    }


def reference(x, node_embeddings, fc_weight, fc_bias, theta, neighbor_list):
    b, n = x.shape
    k = neighbor_list.shape[1]
    # e = cat([x.unsqueeze(-1), node_embeddings broadcast over batch], dim=-1)
    emb = jnp.broadcast_to(node_embeddings[None, :, :], (b, n, node_embeddings.shape[1]))
    e = jnp.concatenate([x[..., None], emb], axis=-1)  # (B, N, EMB+1)
    # f = LeakyReLU(Linear(e))
    f = e @ fc_weight.T + fc_bias  # (B, N, FEAT)
    f = jnp.where(f >= 0, f, NEG_SLOPE * f)
    feat = f.shape[-1]
    # gather neighbor features: f[:, neighbor_list.view(-1)].reshape(B, N, K, FEAT)
    gathered = jnp.take(f, neighbor_list.reshape(-1), axis=1).reshape(b, n, k, feat)
    df = f[:, :, None, :] - gathered  # (B, N, K, FEAT)
    w = jnp.exp(-jnp.sum(df ** 2, axis=-1) / (2.0 * theta)).mean(axis=0)  # (N, K)
    mask = (neighbor_list != -1).astype(w.dtype)
    w = w * mask
    return w

if __name__ == "__main__":
    import jax
    _d = setup_inputs()
    print(jax.jit(kernel)(*tuple(_d.values())))

</pallas_src>

<mosaic_0001>
#map = affine_map<(d0, d1) -> (0, 0)>
#map1 = affine_map<(d0, d1) -> (0)>
module attributes {stable_mosaic.version = 14 : i64} {
  func.func @_sc_body(%arg0: i32, %arg1: i32, %arg2: memref<50000x16xf32, #tpu.memory_space<hbm>>, %arg3: memref<1600000xi32, #tpu.memory_space<hbm>>, %arg4: memref<1600000xf32, #tpu.memory_space<hbm>>, %arg5: memref<528xi32, #tpu.memory_space<vmem>>, %arg6: memref<528xi32, #tpu.memory_space<vmem>>, %arg7: memref<528x16xf32, #tpu.memory_space<vmem>>, %arg8: memref<528x16xf32, #tpu.memory_space<vmem>>, %arg9: memref<512xf32, #tpu.memory_space<vmem>>, %arg10: memref<512xf32, #tpu.memory_space<vmem>>, %arg11: memref<!tpu.dma_semaphore, #tpu.memory_space<semaphore_mem>>, %arg12: memref<!tpu.dma_semaphore, #tpu.memory_space<semaphore_mem>>, %arg13: memref<!tpu.dma_semaphore, #tpu.memory_space<semaphore_mem>>, %arg14: memref<!tpu.dma_semaphore, #tpu.memory_space<semaphore_mem>>) attributes {dimension_semantics = [#tpu.dimension_semantics<core_parallel>, #tpu.dimension_semantics<subcore_parallel>], iteration_bounds = array<i64: 2, 16>, scalar_prefetch = 0 : i64, scratch_operands = 10 : i64, tpu.core_type = #tpu.core_type<sc_vector_subcore>, window_params = [{transform_indices = #map}, {transform_indices = #map1}, {transform_indices = #map1}]} {
    %mul3A = arith.constant 2 : i32
    %mul3A_0 = arith.muli %arg1, %mul3A : i32
    %add3A = arith.addi %mul3A_0, %arg0 : i32
    %mul3A_1 = arith.constant 1568 : i32
    %mul3A_2 = arith.muli %add3A, %mul3A_1 : i32
    %eq3A = arith.constant 31 : i32
    %eq3A_3 = arith.cmpi eq, %add3A, %eq3A : i32
    %jit3A = arith.constant 87 : i32
    %jit3A_4 = arith.constant 98 : i32
    %select_n3A = arith.select %eq3A_3, %jit3A, %jit3A_4 : i32
    %iota3A = tpu.iota {dimensions = array<i32: 0>} : vector<16xi32>
    %add3A_5 = arith.constant 0 : i32
    %add3A_6 = arith.addi %mul3A_2, %add3A_5 : i32
    %mul3A_7 = arith.constant 32 : i32
    %mul3A_8 = arith.muli %add3A_6, %mul3A_7 : i32
    "tpu.region"() ({
      %run_scoped3A = tpu.sem_alloc : memref<!tpu.dma_semaphore, #tpu.memory_space<semaphore_mem>>
      %dma_start3A_37 = arith.constant 0 : i32
      %dma_start3A_38 = tpu.memref_slice %arg5[%dma_start3A_37] : memref<528xi32, #tpu.memory_space<vmem>> -> memref<512xi32, #tpu.memory_space<vmem>>
      %dma_start3A_39 = tpu.memref_slice %arg3[%mul3A_8] : memref<1600000xi32, #tpu.memory_space<hbm>> -> memref<512xi32, #tpu.memory_space<hbm>>
      %dma_start3A_40 = arith.constant 0 : i32
      %dma_start3A_41 = tpu.memref_slice %arg5[%dma_start3A_40] : memref<528xi32, #tpu.memory_space<vmem>> -> memref<512xi32, #tpu.memory_space<vmem>>
      %dma_start3A_42 = tpu.memref_slice %arg3[%mul3A_8] : memref<1600000xi32, #tpu.memory_space<hbm>> -> memref<512xi32, #tpu.memory_space<hbm>>
      tpu.enqueue_dma source(%dma_start3A_42 : memref<512xi32, #tpu.memory_space<hbm>>) target(%dma_start3A_41 : memref<512xi32, #tpu.memory_space<vmem>>) target_semaphore(%run_scoped3A : memref<!tpu.dma_semaphore, #tpu.memory_space<semaphore_mem>>)
      %dma_wait3A_43 = arith.constant 0 : i32
      %dma_wait3A_44 = tpu.memref_slice %arg5[%dma_wait3A_43] : memref<528xi32, #tpu.memory_space<vmem>> -> memref<512xi32, #tpu.memory_space<vmem>>
      %dma_wait3A_45 = tpu.memref_slice %arg3[%mul3A_8] : memref<1600000xi32, #tpu.memory_space<hbm>> -> memref<512xi32, #tpu.memory_space<hbm>>
      %dma_wait3A_46 = arith.constant 0 : i32
      %dma_wait3A_47 = tpu.memref_slice %arg5[%dma_wait3A_46] : memref<528xi32, #tpu.memory_space<vmem>> -> memref<512xi32, #tpu.memory_space<vmem>>
      %dma_wait3A_48 = tpu.memref_slice %arg3[%mul3A_8] : memref<1600000xi32, #tpu.memory_space<hbm>> -> memref<512xi32, #tpu.memory_space<hbm>>
      tpu.wait_dma2 semaphore(%run_scoped3A : memref<!tpu.dma_semaphore, #tpu.memory_space<semaphore_mem>>) src(%dma_wait3A_48 : memref<512xi32, #tpu.memory_space<hbm>>) dst(%dma_wait3A_47 : memref<512xi32, #tpu.memory_space<vmem>>)
      tpu.yield
    }) : () -> ()
    %add3A_9 = vector.broadcast %add3A_6 : i32 to vector<16xi32>
    %add3A_10 = arith.addi %add3A_9, %iota3A : vector<16xi32>
    %swap3A = arith.constant 512 : index
    %swap3A_11 = tpu.vector_load %arg5[%swap3A] {strides = array<i32>} : memref<528xi32, #tpu.memory_space<vmem>>, vector<16xi32>,
    tpu.vector_store %arg5[%swap3A], %add3A_10 {strides = array<i32>} : memref<528xi32, #tpu.memory_space<vmem>>, vector<16xi32>,
    %dma_start3A = arith.constant 0 : i32
    %dma_start3A_12 = arith.constant 0 : i32
    %dma_start3A_13 = tpu.memref_slice %arg2[%dma_start3A, %dma_start3A_12] : memref<50000x16xf32, #tpu.memory_space<hbm>> -> memref<50000x16xf32, #tpu.memory_space<hbm>>
    tpu.enqueue_indirect_dma source(%dma_start3A_13 : memref<50000x16xf32, #tpu.memory_space<hbm>>) target(%arg7 : memref<528x16xf32, #tpu.memory_space<vmem>>) offsets(%arg5 : memref<528xi32, #tpu.memory_space<vmem>>) semaphore(%arg11 : memref<!tpu.dma_semaphore, #tpu.memory_space<semaphore_mem>>)
    %add3A_14 = arith.constant 16 : i32
    %add3A_15 = arith.addi %mul3A_2, %add3A_14 : i32
    %mul3A_16 = arith.constant 32 : i32
    %mul3A_17 = arith.muli %add3A_15, %mul3A_16 : i32
    "tpu.region"() ({
      %run_scoped3A = tpu.sem_alloc : memref<!tpu.dma_semaphore, #tpu.memory_space<semaphore_mem>>
      %dma_start3A_37 = arith.constant 0 : i32
      %dma_start3A_38 = tpu.memref_slice %arg6[%dma_start3A_37] : memref<528xi32, #tpu.memory_space<vmem>> -> memref<512xi32, #tpu.memory_space<vmem>>
      %dma_start3A_39 = tpu.memref_slice %arg3[%mul3A_17] : memref<1600000xi32, #tpu.memory_space<hbm>> -> memref<512xi32, #tpu.memory_space<hbm>>
      %dma_start3A_40 = arith.constant 0 : i32
      %dma_start3A_41 = tpu.memref_slice %arg6[%dma_start3A_40] : memref<528xi32, #tpu.memory_space<vmem>> -> memref<512xi32, #tpu.memory_space<vmem>>
      %dma_start3A_42 = tpu.memref_slice %arg3[%mul3A_17] : memref<1600000xi32, #tpu.memory_space<hbm>> -> memref<512xi32, #tpu.memory_space<hbm>>
      tpu.enqueue_dma source(%dma_start3A_42 : memref<512xi32, #tpu.memory_space<hbm>>) target(%dma_start3A_41 : memref<512xi32, #tpu.memory_space<vmem>>) target_semaphore(%run_scoped3A : memref<!tpu.dma_semaphore, #tpu.memory_space<semaphore_mem>>)
      %dma_wait3A_43 = arith.constant 0 : i32
      %dma_wait3A_44 = tpu.memref_slice %arg6[%dma_wait3A_43] : memref<528xi32, #tpu.memory_space<vmem>> -> memref<512xi32, #tpu.memory_space<vmem>>
      %dma_wait3A_45 = tpu.memref_slice %arg3[%mul3A_17] : memref<1600000xi32, #tpu.memory_space<hbm>> -> memref<512xi32, #tpu.memory_space<hbm>>
      %dma_wait3A_46 = arith.constant 0 : i32
      %dma_wait3A_47 = tpu.memref_slice %arg6[%dma_wait3A_46] : memref<528xi32, #tpu.memory_space<vmem>> -> memref<512xi32, #tpu.memory_space<vmem>>
      %dma_wait3A_48 = tpu.memref_slice %arg3[%mul3A_17] : memref<1600000xi32, #tpu.memory_space<hbm>> -> memref<512xi32, #tpu.memory_space<hbm>>
      tpu.wait_dma2 semaphore(%run_scoped3A : memref<!tpu.dma_semaphore, #tpu.memory_space<semaphore_mem>>) src(%dma_wait3A_48 : memref<512xi32, #tpu.memory_space<hbm>>) dst(%dma_wait3A_47 : memref<512xi32, #tpu.memory_space<vmem>>)
      tpu.yield
    }) : () -> ()
    %add3A_18 = vector.broadcast %add3A_15 : i32 to vector<16xi32>
    %add3A_19 = arith.addi %add3A_18, %iota3A : vector<16xi32>
    %swap3A_20 = arith.constant 512 : index
    %swap3A_21 = tpu.vector_load %arg6[%swap3A_20] {strides = array<i32>} : memref<528xi32, #tpu.memory_space<vmem>>, vector<16xi32>,
    tpu.vector_store %arg6[%swap3A_20], %add3A_19 {strides = array<i32>} : memref<528xi32, #tpu.memory_space<vmem>>, vector<16xi32>,
    %dma_start3A_22 = arith.constant 0 : i32
    %dma_start3A_23 = arith.constant 0 : i32
    %dma_start3A_24 = tpu.memref_slice %arg2[%dma_start3A_22, %dma_start3A_23] : memref<50000x16xf32, #tpu.memory_space<hbm>> -> memref<50000x16xf32, #tpu.memory_space<hbm>>
    tpu.enqueue_indirect_dma source(%dma_start3A_24 : memref<50000x16xf32, #tpu.memory_space<hbm>>) target(%arg8 : memref<528x16xf32, #tpu.memory_space<vmem>>) offsets(%arg6 : memref<528xi32, #tpu.memory_space<vmem>>) semaphore(%arg12 : memref<!tpu.dma_semaphore, #tpu.memory_space<semaphore_mem>>)
    %scan3A = arith.constant 0 : i32
    %scan3A_25 = arith.constant 0 : i32
    %scan3A_26 = arith.constant 49 : i32
    %scan3A_27 = arith.addi %scan3A_25, %scan3A_26 : i32
    %scan3A_28 = arith.constant 1 : i32
    scf.for %scan3A_37 = %scan3A_25 to %scan3A_27 step %scan3A_28  : i32 {
      %mul3A_38 = arith.constant 2 : i32
      %mul3A_39 = arith.muli %mul3A_38, %scan3A_37 : i32
      %add3A_40 = arith.constant 0 : i32
      %add3A_41 = arith.addi %mul3A_39, %add3A_40 : i32
      %lt3A = arith.cmpi slt, %add3A_41, %select_n3A : i32
      %convert_element_type3A = arith.extui %lt3A : i1 to i32
      %cond3A = arith.constant 0 : i32
      %cond3A_42 = arith.cmpi ne, %convert_element_type3A, %cond3A : i32
      scf.if %cond3A_42 {
        %mul3A_51 = arith.constant 16 : i32
        %mul3A_52 = arith.muli %add3A_41, %mul3A_51 : i32
        %add3A_53 = arith.addi %mul3A_2, %mul3A_52 : i32
        %dma_wait3A_54 = arith.constant 0 : i32
        %dma_wait3A_55 = arith.constant 0 : i32
        %dma_wait3A_56 = tpu.memref_slice %arg2[%dma_wait3A_54, %dma_wait3A_55] : memref<50000x16xf32, #tpu.memory_space<hbm>> -> memref<50000x16xf32, #tpu.memory_space<hbm>>
        tpu.wait_indirect_dma semaphore(%arg11 : memref<!tpu.dma_semaphore, #tpu.memory_space<semaphore_mem>>) src(%dma_wait3A_56 : memref<50000x16xf32, #tpu.memory_space<hbm>>) dst(%arg7 : memref<528x16xf32, #tpu.memory_space<vmem>>)
        %ge3A = arith.constant 2 : i32
        %ge3A_57 = arith.cmpi sge, %add3A_41, %ge3A : i32
        %convert_element_type3A_58 = arith.extui %ge3A_57 : i1 to i32
        %cond3A_59 = arith.constant 0 : i32
        %cond3A_60 = arith.cmpi ne, %convert_element_type3A_58, %cond3A_59 : i32
        scf.if %cond3A_60 {
          %dma_wait3A_73 = arith.constant 0 : i32
          %dma_wait3A_74 = tpu.memref_slice %arg4[%dma_wait3A_73] : memref<1600000xf32, #tpu.memory_space<hbm>> -> memref<512xf32, #tpu.memory_space<hbm>>
          %dma_wait3A_75 = arith.constant 0 : i32
          %dma_wait3A_76 = tpu.memref_slice %arg4[%dma_wait3A_75] : memref<1600000xf32, #tpu.memory_space<hbm>> -> memref<512xf32, #tpu.memory_space<hbm>>
          tpu.wait_dma2 semaphore(%arg13 : memref<!tpu.dma_semaphore, #tpu.memory_space<semaphore_mem>>) src(%arg9 : memref<512xf32, #tpu.memory_space<vmem>>) dst(%dma_wait3A_76 : memref<512xf32, #tpu.memory_space<hbm>>)
        } else {
        }
        %parallel_loop3A = arith.constant 0 : i32
        %parallel_loop3A_61 = arith.constant 16 : i32
        %parallel_loop3A_62 = arith.constant 1 : i32
        scf.for %parallel_loop3A_73 = %parallel_loop3A to %parallel_loop3A_61 step %parallel_loop3A_62  : i32 {
          %parallel_loop3A_74 = arith.constant 512 : i32
          %parallel_loop3A_75 = arith.addi %parallel_loop3A_74, %parallel_loop3A_73 : i32
          %parallel_loop3A_76 = vector.broadcast %parallel_loop3A_75 : i32 to vector<16xi32>
          %parallel_loop3A_77 = arith.constant 32 : i32
          %parallel_loop3A_78 = arith.muli %parallel_loop3A_73, %parallel_loop3A_77 : i32
          %parallel_loop3A_79 = vector.broadcast %parallel_loop3A_78 : i32 to vector<16xi32>
          %parallel_loop3A_80 = arith.addi %iota3A, %parallel_loop3A_79 : vector<16xi32>
          %parallel_loop3A_81 = arith.constant 32 : i32
          %parallel_loop3A_82 = arith.muli %parallel_loop3A_73, %parallel_loop3A_81 : i32
          %parallel_loop3A_83 = arith.constant 16 : i32
          %parallel_loop3A_84 = arith.addi %parallel_loop3A_82, %parallel_loop3A_83 : i32
          %parallel_loop3A_85 = vector.broadcast %parallel_loop3A_84 : i32 to vector<16xi32>
          %parallel_loop3A_86 = arith.addi %iota3A, %parallel_loop3A_85 : vector<16xi32>
          %parallel_loop3A_87 = arith.constant 0 : i32
          %parallel_loop3A_88 = vector.broadcast %parallel_loop3A_87 : i32 to vector<16xi32>
          %parallel_loop3A_89 = tpu.vector_load_idx %arg7[%parallel_loop3A_76, %parallel_loop3A_88] : memref<528x16xf32, #tpu.memory_space<vmem>>[vector<16xi32>, vector<16xi32>], vector<16xf32>,
          %parallel_loop3A_90 = arith.constant 0 : i32
          %parallel_loop3A_91 = vector.broadcast %parallel_loop3A_90 : i32 to vector<16xi32>
          %parallel_loop3A_92 = tpu.vector_load_idx %arg7[%parallel_loop3A_80, %parallel_loop3A_91] : memref<528x16xf32, #tpu.memory_space<vmem>>[vector<16xi32>, vector<16xi32>], vector<16xf32>,
          %parallel_loop3A_93 = arith.subf %parallel_loop3A_89, %parallel_loop3A_92 : vector<16xf32>
          %parallel_loop3A_94 = arith.mulf %parallel_loop3A_93, %parallel_loop3A_93 : vector<16xf32>
          %parallel_loop3A_95 = arith.constant 0 : i32
          %parallel_loop3A_96 = vector.broadcast %parallel_loop3A_95 : i32 to vector<16xi32>
          %parallel_loop3A_97 = tpu.vector_load_idx %arg7[%parallel_loop3A_86, %parallel_loop3A_96] : memref<528x16xf32, #tpu.memory_space<vmem>>[vector<16xi32>, vector<16xi32>], vector<16xf32>,
          %parallel_loop3A_98 = arith.subf %parallel_loop3A_89, %parallel_loop3A_97 : vector<16xf32>
          %parallel_loop3A_99 = arith.mulf %parallel_loop3A_98, %parallel_loop3A_98 : vector<16xf32>
          %parallel_loop3A_100 = arith.constant 1 : i32
          %parallel_loop3A_101 = vector.broadcast %parallel_loop3A_100 : i32 to vector<16xi32>
          %parallel_loop3A_102 = tpu.vector_load_idx %arg7[%parallel_loop3A_76, %parallel_loop3A_101] : memref<528x16xf32, #tpu.memory_space<vmem>>[vector<16xi32>, vector<16xi32>], vector<16xf32>,
          %parallel_loop3A_103 = arith.constant 1 : i32
          %parallel_loop3A_104 = vector.broadcast %parallel_loop3A_103 : i32 to vector<16xi32>
          %parallel_loop3A_105 = tpu.vector_load_idx %arg7[%parallel_loop3A_80, %parallel_loop3A_104] : memref<528x16xf32, #tpu.memory_space<vmem>>[vector<16xi32>, vector<16xi32>], vector<16xf32>,
          %parallel_loop3A_106 = arith.subf %parallel_loop3A_102, %parallel_loop3A_105 : vector<16xf32>
          %parallel_loop3A_107 = arith.mulf %parallel_loop3A_106, %parallel_loop3A_106 : vector<16xf32>
          %parallel_loop3A_108 = arith.addf %parallel_loop3A_94, %parallel_loop3A_107 : vector<16xf32>
          %parallel_loop3A_109 = arith.constant 1 : i32
          %parallel_loop3A_110 = vector.broadcast %parallel_loop3A_109 : i32 to vector<16xi32>
          %parallel_loop3A_111 = tpu.vector_load_idx %arg7[%parallel_loop3A_86, %parallel_loop3A_110] : memref<528x16xf32, #tpu.memory_space<vmem>>[vector<16xi32>, vector<16xi32>], vector<16xf32>,
          %parallel_loop3A_112 = arith.subf %parallel_loop3A_102, %parallel_loop3A_111 : vector<16xf32>
          %parallel_loop3A_113 = arith.mulf %parallel_loop3A_112, %parallel_loop3A_112 : vector<16xf32>
          %parallel_loop3A_114 = arith.addf %parallel_loop3A_99, %parallel_loop3A_113 : vector<16xf32>
          %parallel_loop3A_115 = arith.constant 2 : i32
          %parallel_loop3A_116 = vector.broadcast %parallel_loop3A_115 : i32 to vector<16xi32>
          %parallel_loop3A_117 = tpu.vector_load_idx %arg7[%parallel_loop3A_76, %parallel_loop3A_116] : memref<528x16xf32, #tpu.memory_space<vmem>>[vector<16xi32>, vector<16xi32>], vector<16xf32>,
          %parallel_loop3A_118 = arith.constant 2 : i32
          %parallel_loop3A_119 = vector.broadcast %parallel_loop3A_118 : i32 to vector<16xi32>
          %parallel_loop3A_120 = tpu.vector_load_idx %arg7[%parallel_loop3A_80, %parallel_loop3A_119] : memref<528x16xf32, #tpu.memory_space<vmem>>[vector<16xi32>, vector<16xi32>], vector<16xf32>,
          %parallel_loop3A_121 = arith.subf %parallel_loop3A_117, %parallel_loop3A_120 : vector<16xf32>
          %parallel_loop3A_122 = arith.mulf %parallel_loop3A_121, %parallel_loop3A_121 : vector<16xf32>
          %parallel_loop3A_123 = arith.addf %parallel_loop3A_108, %parallel_loop3A_122 : vector<16xf32>
          %parallel_loop3A_124 = arith.constant 2 : i32
          %parallel_loop3A_125 = vector.broadcast %parallel_loop3A_124 : i32 to vector<16xi32>
          %parallel_loop3A_126 = tpu.vector_load_idx %arg7[%parallel_loop3A_86, %parallel_loop3A_125] : memref<528x16xf32, #tpu.memory_space<vmem>>[vector<16xi32>, vector<16xi32>], vector<16xf32>,
          %parallel_loop3A_127 = arith.subf %parallel_loop3A_117, %parallel_loop3A_126 : vector<16xf32>
          %parallel_loop3A_128 = arith.mulf %parallel_loop3A_127, %parallel_loop3A_127 : vector<16xf32>
          %parallel_loop3A_129 = arith.addf %parallel_loop3A_114, %parallel_loop3A_128 : vector<16xf32>
          %parallel_loop3A_130 = arith.constant 3 : i32
          %parallel_loop3A_131 = vector.broadcast %parallel_loop3A_130 : i32 to vector<16xi32>
          %parallel_loop3A_132 = tpu.vector_load_idx %arg7[%parallel_loop3A_76, %parallel_loop3A_131] : memref<528x16xf32, #tpu.memory_space<vmem>>[vector<16xi32>, vector<16xi32>], vector<16xf32>,
          %parallel_loop3A_133 = arith.constant 3 : i32
          %parallel_loop3A_134 = vector.broadcast %parallel_loop3A_133 : i32 to vector<16xi32>
          %parallel_loop3A_135 = tpu.vector_load_idx %arg7[%parallel_loop3A_80, %parallel_loop3A_134] : memref<528x16xf32, #tpu.memory_space<vmem>>[vector<16xi32>, vector<16xi32>], vector<16xf32>,
          %parallel_loop3A_136 = arith.subf %parallel_loop3A_132, %parallel_loop3A_135 : vector<16xf32>
          %parallel_loop3A_137 = arith.mulf %parallel_loop3A_136, %parallel_loop3A_136 : vector<16xf32>
          %parallel_loop3A_138 = arith.addf %parallel_loop3A_123, %parallel_loop3A_137 : vector<16xf32>
          %parallel_loop3A_139 = arith.constant 3 : i32
          %parallel_loop3A_140 = vector.broadcast %parallel_loop3A_139 : i32 to vector<16xi32>
          %parallel_loop3A_141 = tpu.vector_load_idx %arg7[%parallel_loop3A_86, %parallel_loop3A_140] : memref<528x16xf32, #tpu.memory_space<vmem>>[vector<16xi32>, vector<16xi32>], vector<16xf32>,
          %parallel_loop3A_142 = arith.subf %parallel_loop3A_132, %parallel_loop3A_141 : vector<16xf32>
          %parallel_loop3A_143 = arith.mulf %parallel_loop3A_142, %parallel_loop3A_142 : vector<16xf32>
          %parallel_loop3A_144 = arith.addf %parallel_loop3A_129, %parallel_loop3A_143 : vector<16xf32>
          %parallel_loop3A_145 = arith.constant 4 : i32
          %parallel_loop3A_146 = vector.broadcast %parallel_loop3A_145 : i32 to vector<16xi32>
          %parallel_loop3A_147 = tpu.vector_load_idx %arg7[%parallel_loop3A_76, %parallel_loop3A_146] : memref<528x16xf32, #tpu.memory_space<vmem>>[vector<16xi32>, vector<16xi32>], vector<16xf32>,
          %parallel_loop3A_148 = arith.constant 4 : i32
          %parallel_loop3A_149 = vector.broadcast %parallel_loop3A_148 : i32 to vector<16xi32>
          %parallel_loop3A_150 = tpu.vector_load_idx %arg7[%parallel_loop3A_80, %parallel_loop3A_149] : memref<528x16xf32, #tpu.memory_space<vmem>>[vector<16xi32>, vector<16xi32>], vector<16xf32>,
          %parallel_loop3A_151 = arith.subf %parallel_loop3A_147, %parallel_loop3A_150 : vector<16xf32>
          %parallel_loop3A_152 = arith.mulf %parallel_loop3A_151, %parallel_loop3A_151 : vector<16xf32>
          %parallel_loop3A_153 = arith.constant 4 : i32
          %parallel_loop3A_154 = vector.broadcast %parallel_loop3A_153 : i32 to vector<16xi32>
          %parallel_loop3A_155 = tpu.vector_load_idx %arg7[%parallel_loop3A_86, %parallel_loop3A_154] : memref<528x16xf32, #tpu.memory_space<vmem>>[vector<16xi32>, vector<16xi32>], vector<16xf32>,
          %parallel_loop3A_156 = arith.subf %parallel_loop3A_147, %parallel_loop3A_155 : vector<16xf32>
          %parallel_loop3A_157 = arith.mulf %parallel_loop3A_156, %parallel_loop3A_156 : vector<16xf32>
          %parallel_loop3A_158 = arith.constant 5 : i32
          %parallel_loop3A_159 = vector.broadcast %parallel_loop3A_158 : i32 to vector<16xi32>
          %parallel_loop3A_160 = tpu.vector_load_idx %arg7[%parallel_loop3A_76, %parallel_loop3A_159] : memref<528x16xf32, #tpu.memory_space<vmem>>[vector<16xi32>, vector<16xi32>], vector<16xf32>,
          %parallel_loop3A_161 = arith.constant 5 : i32
          %parallel_loop3A_162 = vector.broadcast %parallel_loop3A_161 : i32 to vector<16xi32>
          %parallel_loop3A_163 = tpu.vector_load_idx %arg7[%parallel_loop3A_80, %parallel_loop3A_162] : memref<528x16xf32, #tpu.memory_space<vmem>>[vector<16xi32>, vector<16xi32>], vector<16xf32>,
          %parallel_loop3A_164 = arith.subf %parallel_loop3A_160, %parallel_loop3A_163 : vector<16xf32>
          %parallel_loop3A_165 = arith.mulf %parallel_loop3A_164, %parallel_loop3A_164 : vector<16xf32>
          %parallel_loop3A_166 = arith.addf %parallel_loop3A_152, %parallel_loop3A_165 : vector<16xf32>
          %parallel_loop3A_167 = arith.constant 5 : i32
          %parallel_loop3A_168 = vector.broadcast %parallel_loop3A_167 : i32 to vector<16xi32>
          %parallel_loop3A_169 = tpu.vector_load_idx %arg7[%parallel_loop3A_86, %parallel_loop3A_168] : memref<528x16xf32, #tpu.memory_space<vmem>>[vector<16xi32>, vector<16xi32>], vector<16xf32>,
          %parallel_loop3A_170 = arith.subf %parallel_loop3A_160, %parallel_loop3A_169 : vector<16xf32>
          %parallel_loop3A_171 = arith.mulf %parallel_loop3A_170, %parallel_loop3A_170 : vector<16xf32>
          %parallel_loop3A_172 = arith.addf %parallel_loop3A_157, %parallel_loop3A_171 : vector<16xf32>
          %parallel_loop3A_173 = arith.constant 6 : i32
          %parallel_loop3A_174 = vector.broadcast %parallel_loop3A_173 : i32 to vector<16xi32>
          %parallel_loop3A_175 = tpu.vector_load_idx %arg7[%parallel_loop3A_76, %parallel_loop3A_174] : memref<528x16xf32, #tpu.memory_space<vmem>>[vector<16xi32>, vector<16xi32>], vector<16xf32>,
          %parallel_loop3A_176 = arith.constant 6 : i32
          %parallel_loop3A_177 = vector.broadcast %parallel_loop3A_176 : i32 to vector<16xi32>
          %parallel_loop3A_178 = tpu.vector_load_idx %arg7[%parallel_loop3A_80, %parallel_loop3A_177] : memref<528x16xf32, #tpu.memory_space<vmem>>[vector<16xi32>, vector<16xi32>], vector<16xf32>,
          %parallel_loop3A_179 = arith.subf %parallel_loop3A_175, %parallel_loop3A_178 : vector<16xf32>
          %parallel_loop3A_180 = arith.mulf %parallel_loop3A_179, %parallel_loop3A_179 : vector<16xf32>
          %parallel_loop3A_181 = arith.addf %parallel_loop3A_166, %parallel_loop3A_180 : vector<16xf32>
          %parallel_loop3A_182 = arith.constant 6 : i32
          %parallel_loop3A_183 = vector.broadcast %parallel_loop3A_182 : i32 to vector<16xi32>
          %parallel_loop3A_184 = tpu.vector_load_idx %arg7[%parallel_loop3A_86, %parallel_loop3A_183] : memref<528x16xf32, #tpu.memory_space<vmem>>[vector<16xi32>, vector<16xi32>], vector<16xf32>,
          %parallel_loop3A_185 = arith.subf %parallel_loop3A_175, %parallel_loop3A_184 : vector<16xf32>
          %parallel_loop3A_186 = arith.mulf %parallel_loop3A_185, %parallel_loop3A_185 : vector<16xf32>
          %parallel_loop3A_187 = arith.addf %parallel_loop3A_172, %parallel_loop3A_186 : vector<16xf32>
          %parallel_loop3A_188 = arith.constant 7 : i32
          %parallel_loop3A_189 = vector.broadcast %parallel_loop3A_188 : i32 to vector<16xi32>
          %parallel_loop3A_190 = tpu.vector_load_idx %arg7[%parallel_loop3A_76, %parallel_loop3A_189] : memref<528x16xf32, #tpu.memory_space<vmem>>[vector<16xi32>, vector<16xi32>], vector<16xf32>,
          %parallel_loop3A_191 = arith.constant 7 : i32
          %parallel_loop3A_192 = vector.broadcast %parallel_loop3A_191 : i32 to vector<16xi32>
          %parallel_loop3A_193 = tpu.vector_load_idx %arg7[%parallel_loop3A_80, %parallel_loop3A_192] : memref<528x16xf32, #tpu.memory_space<vmem>>[vector<16xi32>, vector<16xi32>], vector<16xf32>,
          %parallel_loop3A_194 = arith.subf %parallel_loop3A_190, %parallel_loop3A_193 : vector<16xf32>
          %parallel_loop3A_195 = arith.mulf %parallel_loop3A_194, %parallel_loop3A_194 : vector<16xf32>
          %parallel_loop3A_196 = arith.addf %parallel_loop3A_181, %parallel_loop3A_195 : vector<16xf32>
          %parallel_loop3A_197 = arith.constant 7 : i32
          %parallel_loop3A_198 = vector.broadcast %parallel_loop3A_197 : i32 to vector<16xi32>
          %parallel_loop3A_199 = tpu.vector_load_idx %arg7[%parallel_loop3A_86, %parallel_loop3A_198] : memref<528x16xf32, #tpu.memory_space<vmem>>[vector<16xi32>, vector<16xi32>], vector<16xf32>,
          %parallel_loop3A_200 = arith.subf %parallel_loop3A_190, %parallel_loop3A_199 : vector<16xf32>
          %parallel_loop3A_201 = arith.mulf %parallel_loop3A_200, %parallel_loop3A_200 : vector<16xf32>
          %parallel_loop3A_202 = arith.addf %parallel_loop3A_187, %parallel_loop3A_201 : vector<16xf32>
          %parallel_loop3A_203 = arith.constant 8 : i32
          %parallel_loop3A_204 = vector.broadcast %parallel_loop3A_203 : i32 to vector<16xi32>
          %parallel_loop3A_205 = tpu.vector_load_idx %arg7[%parallel_loop3A_76, %parallel_loop3A_204] : memref<528x16xf32, #tpu.memory_space<vmem>>[vector<16xi32>, vector<16xi32>], vector<16xf32>,
          %parallel_loop3A_206 = arith.constant 8 : i32
          %parallel_loop3A_207 = vector.broadcast %parallel_loop3A_206 : i32 to vector<16xi32>
          %parallel_loop3A_208 = tpu.vector_load_idx %arg7[%parallel_loop3A_80, %parallel_loop3A_207] : memref<528x16xf32, #tpu.memory_space<vmem>>[vector<16xi32>, vector<16xi32>], vector<16xf32>,
          %parallel_loop3A_209 = arith.subf %parallel_loop3A_205, %parallel_loop3A_208 : vector<16xf32>
          %parallel_loop3A_210 = arith.mulf %parallel_loop3A_209, %parallel_loop3A_209 : vector<16xf32>
          %parallel_loop3A_211 = arith.constant 8 : i32
          %parallel_loop3A_212 = vector.broadcast %parallel_loop3A_211 : i32 to vector<16xi32>
          %parallel_loop3A_213 = tpu.vector_load_idx %arg7[%parallel_loop3A_86, %parallel_loop3A_212] : memref<528x16xf32, #tpu.memory_space<vmem>>[vector<16xi32>, vector<16xi32>], vector<16xf32>,
          %parallel_loop3A_214 = arith.subf %parallel_loop3A_205, %parallel_loop3A_213 : vector<16xf32>
          %parallel_loop3A_215 = arith.mulf %parallel_loop3A_214, %parallel_loop3A_214 : vector<16xf32>
          %parallel_loop3A_216 = arith.constant 9 : i32
          %parallel_loop3A_217 = vector.broadcast %parallel_loop3A_216 : i32 to vector<16xi32>
          %parallel_loop3A_218 = tpu.vector_load_idx %arg7[%parallel_loop3A_76, %parallel_loop3A_217] : memref<528x16xf32, #tpu.memory_space<vmem>>[vector<16xi32>, vector<16xi32>], vector<16xf32>,
          %parallel_loop3A_219 = arith.constant 9 : i32
          %parallel_loop3A_220 = vector.broadcast %parallel_loop3A_219 : i32 to vector<16xi32>
          %parallel_loop3A_221 = tpu.vector_load_idx %arg7[%parallel_loop3A_80, %parallel_loop3A_220] : memref<528x16xf32, #tpu.memory_space<vmem>>[vector<16xi32>, vector<16xi32>], vector<16xf32>,
          %parallel_loop3A_222 = arith.subf %parallel_loop3A_218, %parallel_loop3A_221 : vector<16xf32>
          %parallel_loop3A_223 = arith.mulf %parallel_loop3A_222, %parallel_loop3A_222 : vector<16xf32>
          %parallel_loop3A_224 = arith.addf %parallel_loop3A_210, %parallel_loop3A_223 : vector<16xf32>
          %parallel_loop3A_225 = arith.constant 9 : i32
          %parallel_loop3A_226 = vector.broadcast %parallel_loop3A_225 : i32 to vector<16xi32>
          %parallel_loop3A_227 = tpu.vector_load_idx %arg7[%parallel_loop3A_86, %parallel_loop3A_226] : memref<528x16xf32, #tpu.memory_space<vmem>>[vector<16xi32>, vector<16xi32>], vector<16xf32>,
          %parallel_loop3A_228 = arith.subf %parallel_loop3A_218, %parallel_loop3A_227 : vector<16xf32>
          %parallel_loop3A_229 = arith.mulf %parallel_loop3A_228, %parallel_loop3A_228 : vector<16xf32>
          %parallel_loop3A_230 = arith.addf %parallel_loop3A_215, %parallel_loop3A_229 : vector<16xf32>
          %parallel_loop3A_231 = arith.constant 10 : i32
          %parallel_loop3A_232 = vector.broadcast %parallel_loop3A_231 : i32 to vector<16xi32>
          %parallel_loop3A_233 = tpu.vector_load_idx %arg7[%parallel_loop3A_76, %parallel_loop3A_232] : memref<528x16xf32, #tpu.memory_space<vmem>>[vector<16xi32>, vector<16xi32>], vector<16xf32>,
          %parallel_loop3A_234 = arith.constant 10 : i32
          %parallel_loop3A_235 = vector.broadcast %parallel_loop3A_234 : i32 to vector<16xi32>
          %parallel_loop3A_236 = tpu.vector_load_idx %arg7[%parallel_loop3A_80, %parallel_loop3A_235] : memref<528x16xf32, #tpu.memory_space<vmem>>[vector<16xi32>, vector<16xi32>], vector<16xf32>,
          %parallel_loop3A_237 = arith.subf %parallel_loop3A_233, %parallel_loop3A_236 : vector<16xf32>
          %parallel_loop3A_238 = arith.mulf %parallel_loop3A_237, %parallel_loop3A_237 : vector<16xf32>
          %parallel_loop3A_239 = arith.addf %parallel_loop3A_224, %parallel_loop3A_238 : vector<16xf32>
          %parallel_loop3A_240 = arith.constant 10 : i32
          %parallel_loop3A_241 = vector.broadcast %parallel_loop3A_240 : i32 to vector<16xi32>
          %parallel_loop3A_242 = tpu.vector_load_idx %arg7[%parallel_loop3A_86, %parallel_loop3A_241] : memref<528x16xf32, #tpu.memory_space<vmem>>[vector<16xi32>, vector<16xi32>], vector<16xf32>,
          %parallel_loop3A_243 = arith.subf %parallel_loop3A_233, %parallel_loop3A_242 : vector<16xf32>
          %parallel_loop3A_244 = arith.mulf %parallel_loop3A_243, %parallel_loop3A_243 : vector<16xf32>
          %parallel_loop3A_245 = arith.addf %parallel_loop3A_230, %parallel_loop3A_244 : vector<16xf32>
          %parallel_loop3A_246 = arith.constant 11 : i32
          %parallel_loop3A_247 = vector.broadcast %parallel_loop3A_246 : i32 to vector<16xi32>
          %parallel_loop3A_248 = tpu.vector_load_idx %arg7[%parallel_loop3A_76, %parallel_loop3A_247] : memref<528x16xf32, #tpu.memory_space<vmem>>[vector<16xi32>, vector<16xi32>], vector<16xf32>,
          %parallel_loop3A_249 = arith.constant 11 : i32
          %parallel_loop3A_250 = vector.broadcast %parallel_loop3A_249 : i32 to vector<16xi32>
          %parallel_loop3A_251 = tpu.vector_load_idx %arg7[%parallel_loop3A_80, %parallel_loop3A_250] : memref<528x16xf32, #tpu.memory_space<vmem>>[vector<16xi32>, vector<16xi32>], vector<16xf32>,
          %parallel_loop3A_252 = arith.subf %parallel_loop3A_248, %parallel_loop3A_251 : vector<16xf32>
          %parallel_loop3A_253 = arith.mulf %parallel_loop3A_252, %parallel_loop3A_252 : vector<16xf32>
          %parallel_loop3A_254 = arith.addf %parallel_loop3A_239, %parallel_loop3A_253 : vector<16xf32>
          %parallel_loop3A_255 = arith.constant 11 : i32
          %parallel_loop3A_256 = vector.broadcast %parallel_loop3A_255 : i32 to vector<16xi32>
          %parallel_loop3A_257 = tpu.vector_load_idx %arg7[%parallel_loop3A_86, %parallel_loop3A_256] : memref<528x16xf32, #tpu.memory_space<vmem>>[vector<16xi32>, vector<16xi32>], vector<16xf32>,
          %parallel_loop3A_258 = arith.subf %parallel_loop3A_248, %parallel_loop3A_257 : vector<16xf32>
          %parallel_loop3A_259 = arith.mulf %parallel_loop3A_258, %parallel_loop3A_258 : vector<16xf32>
          %parallel_loop3A_260 = arith.addf %parallel_loop3A_245, %parallel_loop3A_259 : vector<16xf32>
          %parallel_loop3A_261 = arith.constant 12 : i32
          %parallel_loop3A_262 = vector.broadcast %parallel_loop3A_261 : i32 to vector<16xi32>
          %parallel_loop3A_263 = tpu.vector_load_idx %arg7[%parallel_loop3A_76, %parallel_loop3A_262] : memref<528x16xf32, #tpu.memory_space<vmem>>[vector<16xi32>, vector<16xi32>], vector<16xf32>,
          %parallel_loop3A_264 = arith.constant 12 : i32
          %parallel_loop3A_265 = vector.broadcast %parallel_loop3A_264 : i32 to vector<16xi32>
          %parallel_loop3A_266 = tpu.vector_load_idx %arg7[%parallel_loop3A_80, %parallel_loop3A_265] : memref<528x16xf32, #tpu.memory_space<vmem>>[vector<16xi32>, vector<16xi32>], vector<16xf32>,
          %parallel_loop3A_267 = arith.subf %parallel_loop3A_263, %parallel_loop3A_266 : vector<16xf32>
          %parallel_loop3A_268 = arith.mulf %parallel_loop3A_267, %parallel_loop3A_267 : vector<16xf32>
          %parallel_loop3A_269 = arith.constant 12 : i32
          %parallel_loop3A_270 = vector.broadcast %parallel_loop3A_269 : i32 to vector<16xi32>
          %parallel_loop3A_271 = tpu.vector_load_idx %arg7[%parallel_loop3A_86, %parallel_loop3A_270] : memref<528x16xf32, #tpu.memory_space<vmem>>[vector<16xi32>, vector<16xi32>], vector<16xf32>,
          %parallel_loop3A_272 = arith.subf %parallel_loop3A_263, %parallel_loop3A_271 : vector<16xf32>
          %parallel_loop3A_273 = arith.mulf %parallel_loop3A_272, %parallel_loop3A_272 : vector<16xf32>
          %parallel_loop3A_274 = arith.constant 13 : i32
          %parallel_loop3A_275 = vector.broadcast %parallel_loop3A_274 : i32 to vector<16xi32>
          %parallel_loop3A_276 = tpu.vector_load_idx %arg7[%parallel_loop3A_76, %parallel_loop3A_275] : memref<528x16xf32, #tpu.memory_space<vmem>>[vector<16xi32>, vector<16xi32>], vector<16xf32>,
          %parallel_loop3A_277 = arith.constant 13 : i32
          %parallel_loop3A_278 = vector.broadcast %parallel_loop3A_277 : i32 to vector<16xi32>
          %parallel_loop3A_279 = tpu.vector_load_idx %arg7[%parallel_loop3A_80, %parallel_loop3A_278] : memref<528x16xf32, #tpu.memory_space<vmem>>[vector<16xi32>, vector<16xi32>], vector<16xf32>,
          %parallel_loop3A_280 = arith.subf %parallel_loop3A_276, %parallel_loop3A_279 : vector<16xf32>
          %parallel_loop3A_281 = arith.mulf %parallel_loop3A_280, %parallel_loop3A_280 : vector<16xf32>
          %parallel_loop3A_282 = arith.addf %parallel_loop3A_268, %parallel_loop3A_281 : vector<16xf32>
          %parallel_loop3A_283 = arith.constant 13 : i32
          %parallel_loop3A_284 = vector.broadcast %parallel_loop3A_283 : i32 to vector<16xi32>
          %parallel_loop3A_285 = tpu.vector_load_idx %arg7[%parallel_loop3A_86, %parallel_loop3A_284] : memref<528x16xf32, #tpu.memory_space<vmem>>[vector<16xi32>, vector<16xi32>], vector<16xf32>,
          %parallel_loop3A_286 = arith.subf %parallel_loop3A_276, %parallel_loop3A_285 : vector<16xf32>
          %parallel_loop3A_287 = arith.mulf %parallel_loop3A_286, %parallel_loop3A_286 : vector<16xf32>
          %parallel_loop3A_288 = arith.addf %parallel_loop3A_273, %parallel_loop3A_287 : vector<16xf32>
          %parallel_loop3A_289 = arith.constant 14 : i32
          %parallel_loop3A_290 = vector.broadcast %parallel_loop3A_289 : i32 to vector<16xi32>
          %parallel_loop3A_291 = tpu.vector_load_idx %arg7[%parallel_loop3A_76, %parallel_loop3A_290] : memref<528x16xf32, #tpu.memory_space<vmem>>[vector<16xi32>, vector<16xi32>], vector<16xf32>,
          %parallel_loop3A_292 = arith.constant 14 : i32
          %parallel_loop3A_293 = vector.broadcast %parallel_loop3A_292 : i32 to vector<16xi32>
          %parallel_loop3A_294 = tpu.vector_load_idx %arg7[%parallel_loop3A_80, %parallel_loop3A_293] : memref<528x16xf32, #tpu.memory_space<vmem>>[vector<16xi32>, vector<16xi32>], vector<16xf32>,
          %parallel_loop3A_295 = arith.subf %parallel_loop3A_291, %parallel_loop3A_294 : vector<16xf32>
          %parallel_loop3A_296 = arith.mulf %parallel_loop3A_295, %parallel_loop3A_295 : vector<16xf32>
          %parallel_loop3A_297 = arith.addf %parallel_loop3A_282, %parallel_loop3A_296 : vector<16xf32>
          %parallel_loop3A_298 = arith.constant 14 : i32
          %parallel_loop3A_299 = vector.broadcast %parallel_loop3A_298 : i32 to vector<16xi32>
          %parallel_loop3A_300 = tpu.vector_load_idx %arg7[%parallel_loop3A_86, %parallel_loop3A_299] : memref<528x16xf32, #tpu.memory_space<vmem>>[vector<16xi32>, vector<16xi32>], vector<16xf32>,
          %parallel_loop3A_301 = arith.subf %parallel_loop3A_291, %parallel_loop3A_300 : vector<16xf32>
          %parallel_loop3A_302 = arith.mulf %parallel_loop3A_301, %parallel_loop3A_301 : vector<16xf32>
          %parallel_loop3A_303 = arith.addf %parallel_loop3A_288, %parallel_loop3A_302 : vector<16xf32>
          %parallel_loop3A_304 = arith.constant 15 : i32
          %parallel_loop3A_305 = vector.broadcast %parallel_loop3A_304 : i32 to vector<16xi32>
          %parallel_loop3A_306 = tpu.vector_load_idx %arg7[%parallel_loop3A_76, %parallel_loop3A_305] : memref<528x16xf32, #tpu.memory_space<vmem>>[vector<16xi32>, vector<16xi32>], vector<16xf32>,
          %parallel_loop3A_307 = arith.constant 15 : i32
          %parallel_loop3A_308 = vector.broadcast %parallel_loop3A_307 : i32 to vector<16xi32>
          %parallel_loop3A_309 = tpu.vector_load_idx %arg7[%parallel_loop3A_80, %parallel_loop3A_308] : memref<528x16xf32, #tpu.memory_space<vmem>>[vector<16xi32>, vector<16xi32>], vector<16xf32>,
          %parallel_loop3A_310 = arith.subf %parallel_loop3A_306, %parallel_loop3A_309 : vector<16xf32>
          %parallel_loop3A_311 = arith.mulf %parallel_loop3A_310, %parallel_loop3A_310 : vector<16xf32>
          %parallel_loop3A_312 = arith.addf %parallel_loop3A_297, %parallel_loop3A_311 : vector<16xf32>
          %parallel_loop3A_313 = arith.constant 15 : i32
          %parallel_loop3A_314 = vector.broadcast %parallel_loop3A_313 : i32 to vector<16xi32>
          %parallel_loop3A_315 = tpu.vector_load_idx %arg7[%parallel_loop3A_86, %parallel_loop3A_314] : memref<528x16xf32, #tpu.memory_space<vmem>>[vector<16xi32>, vector<16xi32>], vector<16xf32>,
          %parallel_loop3A_316 = arith.subf %parallel_loop3A_306, %parallel_loop3A_315 : vector<16xf32>
          %parallel_loop3A_317 = arith.mulf %parallel_loop3A_316, %parallel_loop3A_316 : vector<16xf32>
          %parallel_loop3A_318 = arith.addf %parallel_loop3A_303, %parallel_loop3A_317 : vector<16xf32>
          %parallel_loop3A_319 = arith.constant 0.000000e+00 : f32
          %parallel_loop3A_320 = vector.broadcast %parallel_loop3A_319 : f32 to vector<16xf32>
          %parallel_loop3A_321 = arith.subf %parallel_loop3A_320, %parallel_loop3A_138 : vector<16xf32>
          %parallel_loop3A_322 = math.exp %parallel_loop3A_321 : vector<16xf32>
          %parallel_loop3A_323 = arith.constant 0.000000e+00 : f32
          %parallel_loop3A_324 = vector.broadcast %parallel_loop3A_323 : f32 to vector<16xf32>
          %parallel_loop3A_325 = arith.subf %parallel_loop3A_324, %parallel_loop3A_196 : vector<16xf32>
          %parallel_loop3A_326 = math.exp %parallel_loop3A_325 : vector<16xf32>
          %parallel_loop3A_327 = arith.addf %parallel_loop3A_322, %parallel_loop3A_326 : vector<16xf32>
          %parallel_loop3A_328 = arith.constant 0.000000e+00 : f32
          %parallel_loop3A_329 = vector.broadcast %parallel_loop3A_328 : f32 to vector<16xf32>
          %parallel_loop3A_330 = arith.subf %parallel_loop3A_329, %parallel_loop3A_254 : vector<16xf32>
          %parallel_loop3A_331 = math.exp %parallel_loop3A_330 : vector<16xf32>
          %parallel_loop3A_332 = arith.addf %parallel_loop3A_327, %parallel_loop3A_331 : vector<16xf32>
          %parallel_loop3A_333 = arith.constant 0.000000e+00 : f32
          %parallel_loop3A_334 = vector.broadcast %parallel_loop3A_333 : f32 to vector<16xf32>
          %parallel_loop3A_335 = arith.subf %parallel_loop3A_334, %parallel_loop3A_312 : vector<16xf32>
          %parallel_loop3A_336 = math.exp %parallel_loop3A_335 : vector<16xf32>
          %parallel_loop3A_337 = arith.addf %parallel_loop3A_332, %parallel_loop3A_336 : vector<16xf32>
          %parallel_loop3A_338 = arith.constant 2.500000e-01 : f32
          %parallel_loop3A_339 = vector.broadcast %parallel_loop3A_338 : f32 to vector<16xf32>
          %parallel_loop3A_340 = arith.mulf %parallel_loop3A_337, %parallel_loop3A_339 : vector<16xf32>
          %parallel_loop3A_341 = arith.constant 32 : i32
          %parallel_loop3A_342 = arith.muli %parallel_loop3A_73, %parallel_loop3A_341 : i32
          %parallel_loop3A_343 = arith.constant 0 : i32
          %parallel_loop3A_344 = arith.addi %parallel_loop3A_342, %parallel_loop3A_343 : i32
          %parallel_loop3A_345 = arith.index_cast %parallel_loop3A_344 : i32 to index
          %parallel_loop3A_346 = tpu.vector_load %arg5[%parallel_loop3A_345] {strides = array<i32>} : memref<528xi32, #tpu.memory_space<vmem>>, vector<16xi32>,
          %parallel_loop3A_347 = arith.constant -1 : i32
          %parallel_loop3A_348 = vector.broadcast %parallel_loop3A_347 : i32 to vector<16xi32>
          %parallel_loop3A_349 = arith.cmpi ne, %parallel_loop3A_346, %parallel_loop3A_348 : vector<16xi32>
          %parallel_loop3A_350 = arith.constant 0.000000e+00 : f32
          %parallel_loop3A_351 = vector.broadcast %parallel_loop3A_350 : f32 to vector<16xf32>
          %parallel_loop3A_352 = arith.select %parallel_loop3A_349, %parallel_loop3A_340, %parallel_loop3A_351 : vector<16xi1>, vector<16xf32>
          %parallel_loop3A_353 = arith.constant 32 : i32
          %parallel_loop3A_354 = arith.muli %parallel_loop3A_73, %parallel_loop3A_353 : i32
          %parallel_loop3A_355 = arith.constant 0 : i32
          %parallel_loop3A_356 = arith.addi %parallel_loop3A_354, %parallel_loop3A_355 : i32
          %parallel_loop3A_357 = arith.index_cast %parallel_loop3A_356 : i32 to index
          %parallel_loop3A_358 = tpu.vector_load %arg9[%parallel_loop3A_357] {strides = array<i32>} : memref<512xf32, #tpu.memory_space<vmem>>, vector<16xf32>,
          tpu.vector_store %arg9[%parallel_loop3A_357], %parallel_loop3A_352 {strides = array<i32>} : memref<512xf32, #tpu.memory_space<vmem>>, vector<16xf32>,
          %parallel_loop3A_359 = arith.constant 0.000000e+00 : f32
          %parallel_loop3A_360 = vector.broadcast %parallel_loop3A_359 : f32 to vector<16xf32>
          %parallel_loop3A_361 = arith.subf %parallel_loop3A_360, %parallel_loop3A_144 : vector<16xf32>
          %parallel_loop3A_362 = math.exp %parallel_loop3A_361 : vector<16xf32>
          %parallel_loop3A_363 = arith.constant 0.000000e+00 : f32
          %parallel_loop3A_364 = vector.broadcast %parallel_loop3A_363 : f32 to vector<16xf32>
          %parallel_loop3A_365 = arith.subf %parallel_loop3A_364, %parallel_loop3A_202 : vector<16xf32>
          %parallel_loop3A_366 = math.exp %parallel_loop3A_365 : vector<16xf32>
          %parallel_loop3A_367 = arith.addf %parallel_loop3A_362, %parallel_loop3A_366 : vector<16xf32>
          %parallel_loop3A_368 = arith.constant 0.000000e+00 : f32
          %parallel_loop3A_369 = vector.broadcast %parallel_loop3A_368 : f32 to vector<16xf32>
          %parallel_loop3A_370 = arith.subf %parallel_loop3A_369, %parallel_loop3A_260 : vector<16xf32>
          %parallel_loop3A_371 = math.exp %parallel_loop3A_370 : vector<16xf32>
          %parallel_loop3A_372 = arith.addf %parallel_loop3A_367, %parallel_loop3A_371 : vector<16xf32>
          %parallel_loop3A_373 = arith.constant 0.000000e+00 : f32
          %parallel_loop3A_374 = vector.broadcast %parallel_loop3A_373 : f32 to vector<16xf32>
          %parallel_loop3A_375 = arith.subf %parallel_loop3A_374, %parallel_loop3A_318 : vector<16xf32>
          %parallel_loop3A_376 = math.exp %parallel_loop3A_375 : vector<16xf32>
          %parallel_loop3A_377 = arith.addf %parallel_loop3A_372, %parallel_loop3A_376 : vector<16xf32>
          %parallel_loop3A_378 = arith.constant 2.500000e-01 : f32
          %parallel_loop3A_379 = vector.broadcast %parallel_loop3A_378 : f32 to vector<16xf32>
          %parallel_loop3A_380 = arith.mulf %parallel_loop3A_377, %parallel_loop3A_379 : vector<16xf32>
          %parallel_loop3A_381 = arith.constant 32 : i32
          %parallel_loop3A_382 = arith.muli %parallel_loop3A_73, %parallel_loop3A_381 : i32
          %parallel_loop3A_383 = arith.constant 16 : i32
          %parallel_loop3A_384 = arith.addi %parallel_loop3A_382, %parallel_loop3A_383 : i32
          %parallel_loop3A_385 = arith.index_cast %parallel_loop3A_384 : i32 to index
          %parallel_loop3A_386 = tpu.vector_load %arg5[%parallel_loop3A_385] {strides = array<i32>} : memref<528xi32, #tpu.memory_space<vmem>>, vector<16xi32>,
          %parallel_loop3A_387 = arith.constant -1 : i32
          %parallel_loop3A_388 = vector.broadcast %parallel_loop3A_387 : i32 to vector<16xi32>
          %parallel_loop3A_389 = arith.cmpi ne, %parallel_loop3A_386, %parallel_loop3A_388 : vector<16xi32>
          %parallel_loop3A_390 = arith.constant 0.000000e+00 : f32
          %parallel_loop3A_391 = vector.broadcast %parallel_loop3A_390 : f32 to vector<16xf32>
          %parallel_loop3A_392 = arith.select %parallel_loop3A_389, %parallel_loop3A_380, %parallel_loop3A_391 : vector<16xi1>, vector<16xf32>
          %parallel_loop3A_393 = arith.constant 32 : i32
          %parallel_loop3A_394 = arith.muli %parallel_loop3A_73, %parallel_loop3A_393 : i32
          %parallel_loop3A_395 = arith.constant 16 : i32
          %parallel_loop3A_396 = arith.addi %parallel_loop3A_394, %parallel_loop3A_395 : i32
          %parallel_loop3A_397 = arith.index_cast %parallel_loop3A_396 : i32 to index
          %parallel_loop3A_398 = tpu.vector_load %arg9[%parallel_loop3A_397] {strides = array<i32>} : memref<512xf32, #tpu.memory_space<vmem>>, vector<16xf32>,
          tpu.vector_store %arg9[%parallel_loop3A_397], %parallel_loop3A_392 {strides = array<i32>} : memref<512xf32, #tpu.memory_space<vmem>>, vector<16xf32>,
        } {sc.loop_unroll_factor = 2 : i64, sc.parallel_access}
        %mul3A_63 = arith.constant 32 : i32
        %mul3A_64 = arith.muli %add3A_53, %mul3A_63 : i32
        %dma_start3A_65 = tpu.memref_slice %arg4[%mul3A_64] : memref<1600000xf32, #tpu.memory_space<hbm>> -> memref<512xf32, #tpu.memory_space<hbm>>
        %dma_start3A_66 = tpu.memref_slice %arg4[%mul3A_64] : memref<1600000xf32, #tpu.memory_space<hbm>> -> memref<512xf32, #tpu.memory_space<hbm>>
        tpu.enqueue_dma source(%arg9 : memref<512xf32, #tpu.memory_space<vmem>>) target(%dma_start3A_66 : memref<512xf32, #tpu.memory_space<hbm>>) target_semaphore(%arg13 : memref<!tpu.dma_semaphore, #tpu.memory_space<semaphore_mem>>)
        %add3A_67 = arith.constant 2 : i32
        %add3A_68 = arith.addi %add3A_41, %add3A_67 : i32
        %lt3A_69 = arith.cmpi slt, %add3A_68, %select_n3A : i32
        %convert_element_type3A_70 = arith.extui %lt3A_69 : i1 to i32
        %cond3A_71 = arith.constant 0 : i32
        %cond3A_72 = arith.cmpi ne, %convert_element_type3A_70, %cond3A_71 : i32
        scf.if %cond3A_72 {
          %add3A_73 = arith.constant 2 : i32
          %add3A_74 = arith.addi %add3A_41, %add3A_73 : i32
          %mul3A_75 = arith.constant 16 : i32
          %mul3A_76 = arith.muli %add3A_74, %mul3A_75 : i32
          %add3A_77 = arith.addi %mul3A_2, %mul3A_76 : i32
          %mul3A_78 = arith.constant 32 : i32
          %mul3A_79 = arith.muli %add3A_77, %mul3A_78 : i32
          "tpu.region"() ({
            %run_scoped3A = tpu.sem_alloc : memref<!tpu.dma_semaphore, #tpu.memory_space<semaphore_mem>>
            %dma_start3A_87 = arith.constant 0 : i32
            %dma_start3A_88 = tpu.memref_slice %arg5[%dma_start3A_87] : memref<528xi32, #tpu.memory_space<vmem>> -> memref<512xi32, #tpu.memory_space<vmem>>
            %dma_start3A_89 = tpu.memref_slice %arg3[%mul3A_79] : memref<1600000xi32, #tpu.memory_space<hbm>> -> memref<512xi32, #tpu.memory_space<hbm>>
            %dma_start3A_90 = arith.constant 0 : i32
            %dma_start3A_91 = tpu.memref_slice %arg5[%dma_start3A_90] : memref<528xi32, #tpu.memory_space<vmem>> -> memref<512xi32, #tpu.memory_space<vmem>>
            %dma_start3A_92 = tpu.memref_slice %arg3[%mul3A_79] : memref<1600000xi32, #tpu.memory_space<hbm>> -> memref<512xi32, #tpu.memory_space<hbm>>
            tpu.enqueue_dma source(%dma_start3A_92 : memref<512xi32, #tpu.memory_space<hbm>>) target(%dma_start3A_91 : memref<512xi32, #tpu.memory_space<vmem>>) target_semaphore(%run_scoped3A : memref<!tpu.dma_semaphore, #tpu.memory_space<semaphore_mem>>)
            %dma_wait3A_93 = arith.constant 0 : i32
            %dma_wait3A_94 = tpu.memref_slice %arg5[%dma_wait3A_93] : memref<528xi32, #tpu.memory_space<vmem>> -> memref<512xi32, #tpu.memory_space<vmem>>
            %dma_wait3A_95 = tpu.memref_slice %arg3[%mul3A_79] : memref<1600000xi32, #tpu.memory_space<hbm>> -> memref<512xi32, #tpu.memory_space<hbm>>
            %dma_wait3A_96 = arith.constant 0 : i32
            %dma_wait3A_97 = tpu.memref_slice %arg5[%dma_wait3A_96] : memref<528xi32, #tpu.memory_space<vmem>> -> memref<512xi32, #tpu.memory_space<vmem>>
            %dma_wait3A_98 = tpu.memref_slice %arg3[%mul3A_79] : memref<1600000xi32, #tpu.memory_space<hbm>> -> memref<512xi32, #tpu.memory_space<hbm>>
            tpu.wait_dma2 semaphore(%run_scoped3A : memref<!tpu.dma_semaphore, #tpu.memory_space<semaphore_mem>>) src(%dma_wait3A_98 : memref<512xi32, #tpu.memory_space<hbm>>) dst(%dma_wait3A_97 : memref<512xi32, #tpu.memory_space<vmem>>)
            tpu.yield
          }) : () -> ()
          %add3A_80 = vector.broadcast %add3A_77 : i32 to vector<16xi32>
          %add3A_81 = arith.addi %add3A_80, %iota3A : vector<16xi32>
          %swap3A_82 = arith.constant 512 : index
          %swap3A_83 = tpu.vector_load %arg5[%swap3A_82] {strides = array<i32>} : memref<528xi32, #tpu.memory_space<vmem>>, vector<16xi32>,
          tpu.vector_store %arg5[%swap3A_82], %add3A_81 {strides = array<i32>} : memref<528xi32, #tpu.memory_space<vmem>>, vector<16xi32>,
          %dma_start3A_84 = arith.constant 0 : i32
          %dma_start3A_85 = arith.constant 0 : i32
          %dma_start3A_86 = tpu.memref_slice %arg2[%dma_start3A_84, %dma_start3A_85] : memref<50000x16xf32, #tpu.memory_space<hbm>> -> memref<50000x16xf32, #tpu.memory_space<hbm>>
          tpu.enqueue_indirect_dma source(%dma_start3A_86 : memref<50000x16xf32, #tpu.memory_space<hbm>>) target(%arg7 : memref<528x16xf32, #tpu.memory_space<vmem>>) offsets(%arg5 : memref<528xi32, #tpu.memory_space<vmem>>) semaphore(%arg11 : memref<!tpu.dma_semaphore, #tpu.memory_space<semaphore_mem>>)
        } else {
        }
      } else {
      }
      %mul3A_43 = arith.constant 2 : i32
      %mul3A_44 = arith.muli %mul3A_43, %scan3A_37 : i32
      %add3A_45 = arith.constant 1 : i32
      %add3A_46 = arith.addi %mul3A_44, %add3A_45 : i32
      %lt3A_47 = arith.cmpi slt, %add3A_46, %select_n3A : i32
      %convert_element_type3A_48 = arith.extui %lt3A_47 : i1 to i32
      %cond3A_49 = arith.constant 0 : i32
      %cond3A_50 = arith.cmpi ne, %convert_element_type3A_48, %cond3A_49 : i32
      scf.if %cond3A_50 {
        %mul3A_51 = arith.constant 16 : i32
        %mul3A_52 = arith.muli %add3A_46, %mul3A_51 : i32
        %add3A_53 = arith.addi %mul3A_2, %mul3A_52 : i32
        %dma_wait3A_54 = arith.constant 0 : i32
        %dma_wait3A_55 = arith.constant 0 : i32
        %dma_wait3A_56 = tpu.memref_slice %arg2[%dma_wait3A_54, %dma_wait3A_55] : memref<50000x16xf32, #tpu.memory_space<hbm>> -> memref<50000x16xf32, #tpu.memory_space<hbm>>
        tpu.wait_indirect_dma semaphore(%arg12 : memref<!tpu.dma_semaphore, #tpu.memory_space<semaphore_mem>>) src(%dma_wait3A_56 : memref<50000x16xf32, #tpu.memory_space<hbm>>) dst(%arg8 : memref<528x16xf32, #tpu.memory_space<vmem>>)
        %ge3A = arith.constant 2 : i32
        %ge3A_57 = arith.cmpi sge, %add3A_46, %ge3A : i32
        %convert_element_type3A_58 = arith.extui %ge3A_57 : i1 to i32
        %cond3A_59 = arith.constant 0 : i32
        %cond3A_60 = arith.cmpi ne, %convert_element_type3A_58, %cond3A_59 : i32
        scf.if %cond3A_60 {
          %dma_wait3A_73 = arith.constant 0 : i32
          %dma_wait3A_74 = tpu.memref_slice %arg4[%dma_wait3A_73] : memref<1600000xf32, #tpu.memory_space<hbm>> -> memref<512xf32, #tpu.memory_space<hbm>>
          %dma_wait3A_75 = arith.constant 0 : i32
          %dma_wait3A_76 = tpu.memref_slice %arg4[%dma_wait3A_75] : memref<1600000xf32, #tpu.memory_space<hbm>> -> memref<512xf32, #tpu.memory_space<hbm>>
          tpu.wait_dma2 semaphore(%arg14 : memref<!tpu.dma_semaphore, #tpu.memory_space<semaphore_mem>>) src(%arg10 : memref<512xf32, #tpu.memory_space<vmem>>) dst(%dma_wait3A_76 : memref<512xf32, #tpu.memory_space<hbm>>)
        } else {
        }
        %parallel_loop3A = arith.constant 0 : i32
        %parallel_loop3A_61 = arith.constant 16 : i32
        %parallel_loop3A_62 = arith.constant 1 : i32
        scf.for %parallel_loop3A_73 = %parallel_loop3A to %parallel_loop3A_61 step %parallel_loop3A_62  : i32 {
          %parallel_loop3A_74 = arith.constant 512 : i32
          %parallel_loop3A_75 = arith.addi %parallel_loop3A_74, %parallel_loop3A_73 : i32
          %parallel_loop3A_76 = vector.broadcast %parallel_loop3A_75 : i32 to vector<16xi32>
          %parallel_loop3A_77 = arith.constant 32 : i32
          %parallel_loop3A_78 = arith.muli %parallel_loop3A_73, %parallel_loop3A_77 : i32
          %parallel_loop3A_79 = vector.broadcast %parallel_loop3A_78 : i32 to vector<16xi32>
          %parallel_loop3A_80 = arith.addi %iota3A, %parallel_loop3A_79 : vector<16xi32>
          %parallel_loop3A_81 = arith.constant 32 : i32
          %parallel_loop3A_82 = arith.muli %parallel_loop3A_73, %parallel_loop3A_81 : i32
          %parallel_loop3A_83 = arith.constant 16 : i32
          %parallel_loop3A_84 = arith.addi %parallel_loop3A_82, %parallel_loop3A_83 : i32
          %parallel_loop3A_85 = vector.broadcast %parallel_loop3A_84 : i32 to vector<16xi32>
          %parallel_loop3A_86 = arith.addi %iota3A, %parallel_loop3A_85 : vector<16xi32>
          %parallel_loop3A_87 = arith.constant 0 : i32
          %parallel_loop3A_88 = vector.broadcast %parallel_loop3A_87 : i32 to vector<16xi32>
          %parallel_loop3A_89 = tpu.vector_load_idx %arg8[%parallel_loop3A_76, %parallel_loop3A_88] : memref<528x16xf32, #tpu.memory_space<vmem>>[vector<16xi32>, vector<16xi32>], vector<16xf32>,
          %parallel_loop3A_90 = arith.constant 0 : i32
          %parallel_loop3A_91 = vector.broadcast %parallel_loop3A_90 : i32 to vector<16xi32>
          %parallel_loop3A_92 = tpu.vector_load_idx %arg8[%parallel_loop3A_80, %parallel_loop3A_91] : memref<528x16xf32, #tpu.memory_space<vmem>>[vector<16xi32>, vector<16xi32>], vector<16xf32>,
          %parallel_loop3A_93 = arith.subf %parallel_loop3A_89, %parallel_loop3A_92 : vector<16xf32>
          %parallel_loop3A_94 = arith.mulf %parallel_loop3A_93, %parallel_loop3A_93 : vector<16xf32>
          %parallel_loop3A_95 = arith.constant 0 : i32
          %parallel_loop3A_96 = vector.broadcast %parallel_loop3A_95 : i32 to vector<16xi32>
          %parallel_loop3A_97 = tpu.vector_load_idx %arg8[%parallel_loop3A_86, %parallel_loop3A_96] : memref<528x16xf32, #tpu.memory_space<vmem>>[vector<16xi32>, vector<16xi32>], vector<16xf32>,
          %parallel_loop3A_98 = arith.subf %parallel_loop3A_89, %parallel_loop3A_97 : vector<16xf32>
          %parallel_loop3A_99 = arith.mulf %parallel_loop3A_98, %parallel_loop3A_98 : vector<16xf32>
          %parallel_loop3A_100 = arith.constant 1 : i32
          %parallel_loop3A_101 = vector.broadcast %parallel_loop3A_100 : i32 to vector<16xi32>
          %parallel_loop3A_102 = tpu.vector_load_idx %arg8[%parallel_loop3A_76, %parallel_loop3A_101] : memref<528x16xf32, #tpu.memory_space<vmem>>[vector<16xi32>, vector<16xi32>], vector<16xf32>,
          %parallel_loop3A_103 = arith.constant 1 : i32
          %parallel_loop3A_104 = vector.broadcast %parallel_loop3A_103 : i32 to vector<16xi32>
          %parallel_loop3A_105 = tpu.vector_load_idx %arg8[%parallel_loop3A_80, %parallel_loop3A_104] : memref<528x16xf32, #tpu.memory_space<vmem>>[vector<16xi32>, vector<16xi32>], vector<16xf32>,
          %parallel_loop3A_106 = arith.subf %parallel_loop3A_102, %parallel_loop3A_105 : vector<16xf32>
          %parallel_loop3A_107 = arith.mulf %parallel_loop3A_106, %parallel_loop3A_106 : vector<16xf32>
          %parallel_loop3A_108 = arith.addf %parallel_loop3A_94, %parallel_loop3A_107 : vector<16xf32>
          %parallel_loop3A_109 = arith.constant 1 : i32
          %parallel_loop3A_110 = vector.broadcast %parallel_loop3A_109 : i32 to vector<16xi32>
          %parallel_loop3A_111 = tpu.vector_load_idx %arg8[%parallel_loop3A_86, %parallel_loop3A_110] : memref<528x16xf32, #tpu.memory_space<vmem>>[vector<16xi32>, vector<16xi32>], vector<16xf32>,
          %parallel_loop3A_112 = arith.subf %parallel_loop3A_102, %parallel_loop3A_111 : vector<16xf32>
          %parallel_loop3A_113 = arith.mulf %parallel_loop3A_112, %parallel_loop3A_112 : vector<16xf32>
          %parallel_loop3A_114 = arith.addf %parallel_loop3A_99, %parallel_loop3A_113 : vector<16xf32>
          %parallel_loop3A_115 = arith.constant 2 : i32
          %parallel_loop3A_116 = vector.broadcast %parallel_loop3A_115 : i32 to vector<16xi32>
          %parallel_loop3A_117 = tpu.vector_load_idx %arg8[%parallel_loop3A_76, %parallel_loop3A_116] : memref<528x16xf32, #tpu.memory_space<vmem>>[vector<16xi32>, vector<16xi32>], vector<16xf32>,
          %parallel_loop3A_118 = arith.constant 2 : i32
          %parallel_loop3A_119 = vector.broadcast %parallel_loop3A_118 : i32 to vector<16xi32>
          %parallel_loop3A_120 = tpu.vector_load_idx %arg8[%parallel_loop3A_80, %parallel_loop3A_119] : memref<528x16xf32, #tpu.memory_space<vmem>>[vector<16xi32>, vector<16xi32>], vector<16xf32>,
          %parallel_loop3A_121 = arith.subf %parallel_loop3A_117, %parallel_loop3A_120 : vector<16xf32>
          %parallel_loop3A_122 = arith.mulf %parallel_loop3A_121, %parallel_loop3A_121 : vector<16xf32>
          %parallel_loop3A_123 = arith.addf %parallel_loop3A_108, %parallel_loop3A_122 : vector<16xf32>
          %parallel_loop3A_124 = arith.constant 2 : i32
          %parallel_loop3A_125 = vector.broadcast %parallel_loop3A_124 : i32 to vector<16xi32>
          %parallel_loop3A_126 = tpu.vector_load_idx %arg8[%parallel_loop3A_86, %parallel_loop3A_125] : memref<528x16xf32, #tpu.memory_space<vmem>>[vector<16xi32>, vector<16xi32>], vector<16xf32>,
          %parallel_loop3A_127 = arith.subf %parallel_loop3A_117, %parallel_loop3A_126 : vector<16xf32>
          %parallel_loop3A_128 = arith.mulf %parallel_loop3A_127, %parallel_loop3A_127 : vector<16xf32>
          %parallel_loop3A_129 = arith.addf %parallel_loop3A_114, %parallel_loop3A_128 : vector<16xf32>
          %parallel_loop3A_130 = arith.constant 3 : i32
          %parallel_loop3A_131 = vector.broadcast %parallel_loop3A_130 : i32 to vector<16xi32>
          %parallel_loop3A_132 = tpu.vector_load_idx %arg8[%parallel_loop3A_76, %parallel_loop3A_131] : memref<528x16xf32, #tpu.memory_space<vmem>>[vector<16xi32>, vector<16xi32>], vector<16xf32>,
          %parallel_loop3A_133 = arith.constant 3 : i32
          %parallel_loop3A_134 = vector.broadcast %parallel_loop3A_133 : i32 to vector<16xi32>
          %parallel_loop3A_135 = tpu.vector_load_idx %arg8[%parallel_loop3A_80, %parallel_loop3A_134] : memref<528x16xf32, #tpu.memory_space<vmem>>[vector<16xi32>, vector<16xi32>], vector<16xf32>,
          %parallel_loop3A_136 = arith.subf %parallel_loop3A_132, %parallel_loop3A_135 : vector<16xf32>
          %parallel_loop3A_137 = arith.mulf %parallel_loop3A_136, %parallel_loop3A_136 : vector<16xf32>
          %parallel_loop3A_138 = arith.addf %parallel_loop3A_123, %parallel_loop3A_137 : vector<16xf32>
          %parallel_loop3A_139 = arith.constant 3 : i32
          %parallel_loop3A_140 = vector.broadcast %parallel_loop3A_139 : i32 to vector<16xi32>
          %parallel_loop3A_141 = tpu.vector_load_idx %arg8[%parallel_loop3A_86, %parallel_loop3A_140] : memref<528x16xf32, #tpu.memory_space<vmem>>[vector<16xi32>, vector<16xi32>], vector<16xf32>,
          %parallel_loop3A_142 = arith.subf %parallel_loop3A_132, %parallel_loop3A_141 : vector<16xf32>
          %parallel_loop3A_143 = arith.mulf %parallel_loop3A_142, %parallel_loop3A_142 : vector<16xf32>
          %parallel_loop3A_144 = arith.addf %parallel_loop3A_129, %parallel_loop3A_143 : vector<16xf32>
          %parallel_loop3A_145 = arith.constant 4 : i32
          %parallel_loop3A_146 = vector.broadcast %parallel_loop3A_145 : i32 to vector<16xi32>
          %parallel_loop3A_147 = tpu.vector_load_idx %arg8[%parallel_loop3A_76, %parallel_loop3A_146] : memref<528x16xf32, #tpu.memory_space<vmem>>[vector<16xi32>, vector<16xi32>], vector<16xf32>,
          %parallel_loop3A_148 = arith.constant 4 : i32
          %parallel_loop3A_149 = vector.broadcast %parallel_loop3A_148 : i32 to vector<16xi32>
          %parallel_loop3A_150 = tpu.vector_load_idx %arg8[%parallel_loop3A_80, %parallel_loop3A_149] : memref<528x16xf32, #tpu.memory_space<vmem>>[vector<16xi32>, vector<16xi32>], vector<16xf32>,
          %parallel_loop3A_151 = arith.subf %parallel_loop3A_147, %parallel_loop3A_150 : vector<16xf32>
          %parallel_loop3A_152 = arith.mulf %parallel_loop3A_151, %parallel_loop3A_151 : vector<16xf32>
          %parallel_loop3A_153 = arith.constant 4 : i32
          %parallel_loop3A_154 = vector.broadcast %parallel_loop3A_153 : i32 to vector<16xi32>
          %parallel_loop3A_155 = tpu.vector_load_idx %arg8[%parallel_loop3A_86, %parallel_loop3A_154] : memref<528x16xf32, #tpu.memory_space<vmem>>[vector<16xi32>, vector<16xi32>], vector<16xf32>,
          %parallel_loop3A_156 = arith.subf %parallel_loop3A_147, %parallel_loop3A_155 : vector<16xf32>
          %parallel_loop3A_157 = arith.mulf %parallel_loop3A_156, %parallel_loop3A_156 : vector<16xf32>
          %parallel_loop3A_158 = arith.constant 5 : i32
          %parallel_loop3A_159 = vector.broadcast %parallel_loop3A_158 : i32 to vector<16xi32>
          %parallel_loop3A_160 = tpu.vector_load_idx %arg8[%parallel_loop3A_76, %parallel_loop3A_159] : memref<528x16xf32, #tpu.memory_space<vmem>>[vector<16xi32>, vector<16xi32>], vector<16xf32>,
          %parallel_loop3A_161 = arith.constant 5 : i32
          %parallel_loop3A_162 = vector.broadcast %parallel_loop3A_161 : i32 to vector<16xi32>
          %parallel_loop3A_163 = tpu.vector_load_idx %arg8[%parallel_loop3A_80, %parallel_loop3A_162] : memref<528x16xf32, #tpu.memory_space<vmem>>[vector<16xi32>, vector<16xi32>], vector<16xf32>,
          %parallel_loop3A_164 = arith.subf %parallel_loop3A_160, %parallel_loop3A_163 : vector<16xf32>
          %parallel_loop3A_165 = arith.mulf %parallel_loop3A_164, %parallel_loop3A_164 : vector<16xf32>
          %parallel_loop3A_166 = arith.addf %parallel_loop3A_152, %parallel_loop3A_165 : vector<16xf32>
          %parallel_loop3A_167 = arith.constant 5 : i32
          %parallel_loop3A_168 = vector.broadcast %parallel_loop3A_167 : i32 to vector<16xi32>
          %parallel_loop3A_169 = tpu.vector_load_idx %arg8[%parallel_loop3A_86, %parallel_loop3A_168] : memref<528x16xf32, #tpu.memory_space<vmem>>[vector<16xi32>, vector<16xi32>], vector<16xf32>,
          %parallel_loop3A_170 = arith.subf %parallel_loop3A_160, %parallel_loop3A_169 : vector<16xf32>
          %parallel_loop3A_171 = arith.mulf %parallel_loop3A_170, %parallel_loop3A_170 : vector<16xf32>
          %parallel_loop3A_172 = arith.addf %parallel_loop3A_157, %parallel_loop3A_171 : vector<16xf32>
          %parallel_loop3A_173 = arith.constant 6 : i32
          %parallel_loop3A_174 = vector.broadcast %parallel_loop3A_173 : i32 to vector<16xi32>
          %parallel_loop3A_175 = tpu.vector_load_idx %arg8[%parallel_loop3A_76, %parallel_loop3A_174] : memref<528x16xf32, #tpu.memory_space<vmem>>[vector<16xi32>, vector<16xi32>], vector<16xf32>,
          %parallel_loop3A_176 = arith.constant 6 : i32
          %parallel_loop3A_177 = vector.broadcast %parallel_loop3A_176 : i32 to vector<16xi32>
          %parallel_loop3A_178 = tpu.vector_load_idx %arg8[%parallel_loop3A_80, %parallel_loop3A_177] : memref<528x16xf32, #tpu.memory_space<vmem>>[vector<16xi32>, vector<16xi32>], vector<16xf32>,
          %parallel_loop3A_179 = arith.subf %parallel_loop3A_175, %parallel_loop3A_178 : vector<16xf32>
          %parallel_loop3A_180 = arith.mulf %parallel_loop3A_179, %parallel_loop3A_179 : vector<16xf32>
          %parallel_loop3A_181 = arith.addf %parallel_loop3A_166, %parallel_loop3A_180 : vector<16xf32>
          %parallel_loop3A_182 = arith.constant 6 : i32
          %parallel_loop3A_183 = vector.broadcast %parallel_loop3A_182 : i32 to vector<16xi32>
          %parallel_loop3A_184 = tpu.vector_load_idx %arg8[%parallel_loop3A_86, %parallel_loop3A_183] : memref<528x16xf32, #tpu.memory_space<vmem>>[vector<16xi32>, vector<16xi32>], vector<16xf32>,
          %parallel_loop3A_185 = arith.subf %parallel_loop3A_175, %parallel_loop3A_184 : vector<16xf32>
          %parallel_loop3A_186 = arith.mulf %parallel_loop3A_185, %parallel_loop3A_185 : vector<16xf32>
          %parallel_loop3A_187 = arith.addf %parallel_loop3A_172, %parallel_loop3A_186 : vector<16xf32>
          %parallel_loop3A_188 = arith.constant 7 : i32
          %parallel_loop3A_189 = vector.broadcast %parallel_loop3A_188 : i32 to vector<16xi32>
          %parallel_loop3A_190 = tpu.vector_load_idx %arg8[%parallel_loop3A_76, %parallel_loop3A_189] : memref<528x16xf32, #tpu.memory_space<vmem>>[vector<16xi32>, vector<16xi32>], vector<16xf32>,
          %parallel_loop3A_191 = arith.constant 7 : i32
          %parallel_loop3A_192 = vector.broadcast %parallel_loop3A_191 : i32 to vector<16xi32>
          %parallel_loop3A_193 = tpu.vector_load_idx %arg8[%parallel_loop3A_80, %parallel_loop3A_192] : memref<528x16xf32, #tpu.memory_space<vmem>>[vector<16xi32>, vector<16xi32>], vector<16xf32>,
          %parallel_loop3A_194 = arith.subf %parallel_loop3A_190, %parallel_loop3A_193 : vector<16xf32>
          %parallel_loop3A_195 = arith.mulf %parallel_loop3A_194, %parallel_loop3A_194 : vector<16xf32>
          %parallel_loop3A_196 = arith.addf %parallel_loop3A_181, %parallel_loop3A_195 : vector<16xf32>
          %parallel_loop3A_197 = arith.constant 7 : i32
          %parallel_loop3A_198 = vector.broadcast %parallel_loop3A_197 : i32 to vector<16xi32>
          %parallel_loop3A_199 = tpu.vector_load_idx %arg8[%parallel_loop3A_86, %parallel_loop3A_198] : memref<528x16xf32, #tpu.memory_space<vmem>>[vector<16xi32>, vector<16xi32>], vector<16xf32>,
          %parallel_loop3A_200 = arith.subf %parallel_loop3A_190, %parallel_loop3A_199 : vector<16xf32>
          %parallel_loop3A_201 = arith.mulf %parallel_loop3A_200, %parallel_loop3A_200 : vector<16xf32>
          %parallel_loop3A_202 = arith.addf %parallel_loop3A_187, %parallel_loop3A_201 : vector<16xf32>
          %parallel_loop3A_203 = arith.constant 8 : i32
          %parallel_loop3A_204 = vector.broadcast %parallel_loop3A_203 : i32 to vector<16xi32>
          %parallel_loop3A_205 = tpu.vector_load_idx %arg8[%parallel_loop3A_76, %parallel_loop3A_204] : memref<528x16xf32, #tpu.memory_space<vmem>>[vector<16xi32>, vector<16xi32>], vector<16xf32>,
          %parallel_loop3A_206 = arith.constant 8 : i32
          %parallel_loop3A_207 = vector.broadcast %parallel_loop3A_206 : i32 to vector<16xi32>
          %parallel_loop3A_208 = tpu.vector_load_idx %arg8[%parallel_loop3A_80, %parallel_loop3A_207] : memref<528x16xf32, #tpu.memory_space<vmem>>[vector<16xi32>, vector<16xi32>], vector<16xf32>,
          %parallel_loop3A_209 = arith.subf %parallel_loop3A_205, %parallel_loop3A_208 : vector<16xf32>
          %parallel_loop3A_210 = arith.mulf %parallel_loop3A_209, %parallel_loop3A_209 : vector<16xf32>
          %parallel_loop3A_211 = arith.constant 8 : i32
          %parallel_loop3A_212 = vector.broadcast %parallel_loop3A_211 : i32 to vector<16xi32>
          %parallel_loop3A_213 = tpu.vector_load_idx %arg8[%parallel_loop3A_86, %parallel_loop3A_212] : memref<528x16xf32, #tpu.memory_space<vmem>>[vector<16xi32>, vector<16xi32>], vector<16xf32>,
          %parallel_loop3A_214 = arith.subf %parallel_loop3A_205, %parallel_loop3A_213 : vector<16xf32>
          %parallel_loop3A_215 = arith.mulf %parallel_loop3A_214, %parallel_loop3A_214 : vector<16xf32>
          %parallel_loop3A_216 = arith.constant 9 : i32
          %parallel_loop3A_217 = vector.broadcast %parallel_loop3A_216 : i32 to vector<16xi32>
          %parallel_loop3A_218 = tpu.vector_load_idx %arg8[%parallel_loop3A_76, %parallel_loop3A_217] : memref<528x16xf32, #tpu.memory_space<vmem>>[vector<16xi32>, vector<16xi32>], vector<16xf32>,
          %parallel_loop3A_219 = arith.constant 9 : i32
          %parallel_loop3A_220 = vector.broadcast %parallel_loop3A_219 : i32 to vector<16xi32>
          %parallel_loop3A_221 = tpu.vector_load_idx %arg8[%parallel_loop3A_80, %parallel_loop3A_220] : memref<528x16xf32, #tpu.memory_space<vmem>>[vector<16xi32>, vector<16xi32>], vector<16xf32>,
          %parallel_loop3A_222 = arith.subf %parallel_loop3A_218, %parallel_loop3A_221 : vector<16xf32>
          %parallel_loop3A_223 = arith.mulf %parallel_loop3A_222, %parallel_loop3A_222 : vector<16xf32>
          %parallel_loop3A_224 = arith.addf %parallel_loop3A_210, %parallel_loop3A_223 : vector<16xf32>
          %parallel_loop3A_225 = arith.constant 9 : i32
          %parallel_loop3A_226 = vector.broadcast %parallel_loop3A_225 : i32 to vector<16xi32>
          %parallel_loop3A_227 = tpu.vector_load_idx %arg8[%parallel_loop3A_86, %parallel_loop3A_226] : memref<528x16xf32, #tpu.memory_space<vmem>>[vector<16xi32>, vector<16xi32>], vector<16xf32>,
          %parallel_loop3A_228 = arith.subf %parallel_loop3A_218, %parallel_loop3A_227 : vector<16xf32>
          %parallel_loop3A_229 = arith.mulf %parallel_loop3A_228, %parallel_loop3A_228 : vector<16xf32>
          %parallel_loop3A_230 = arith.addf %parallel_loop3A_215, %parallel_loop3A_229 : vector<16xf32>
          %parallel_loop3A_231 = arith.constant 10 : i32
          %parallel_loop3A_232 = vector.broadcast %parallel_loop3A_231 : i32 to vector<16xi32>
          %parallel_loop3A_233 = tpu.vector_load_idx %arg8[%parallel_loop3A_76, %parallel_loop3A_232] : memref<528x16xf32, #tpu.memory_space<vmem>>[vector<16xi32>, vector<16xi32>], vector<16xf32>,
          %parallel_loop3A_234 = arith.constant 10 : i32
          %parallel_loop3A_235 = vector.broadcast %parallel_loop3A_234 : i32 to vector<16xi32>
          %parallel_loop3A_236 = tpu.vector_load_idx %arg8[%parallel_loop3A_80, %parallel_loop3A_235] : memref<528x16xf32, #tpu.memory_space<vmem>>[vector<16xi32>, vector<16xi32>], vector<16xf32>,
          %parallel_loop3A_237 = arith.subf %parallel_loop3A_233, %parallel_loop3A_236 : vector<16xf32>
          %parallel_loop3A_238 = arith.mulf %parallel_loop3A_237, %parallel_loop3A_237 : vector<16xf32>
          %parallel_loop3A_239 = arith.addf %parallel_loop3A_224, %parallel_loop3A_238 : vector<16xf32>
          %parallel_loop3A_240 = arith.constant 10 : i32
          %parallel_loop3A_241 = vector.broadcast %parallel_loop3A_240 : i32 to vector<16xi32>
          %parallel_loop3A_242 = tpu.vector_load_idx %arg8[%parallel_loop3A_86, %parallel_loop3A_241] : memref<528x16xf32, #tpu.memory_space<vmem>>[vector<16xi32>, vector<16xi32>], vector<16xf32>,
          %parallel_loop3A_243 = arith.subf %parallel_loop3A_233, %parallel_loop3A_242 : vector<16xf32>
          %parallel_loop3A_244 = arith.mulf %parallel_loop3A_243, %parallel_loop3A_243 : vector<16xf32>
          %parallel_loop3A_245 = arith.addf %parallel_loop3A_230, %parallel_loop3A_244 : vector<16xf32>
          %parallel_loop3A_246 = arith.constant 11 : i32
          %parallel_loop3A_247 = vector.broadcast %parallel_loop3A_246 : i32 to vector<16xi32>
          %parallel_loop3A_248 = tpu.vector_load_idx %arg8[%parallel_loop3A_76, %parallel_loop3A_247] : memref<528x16xf32, #tpu.memory_space<vmem>>[vector<16xi32>, vector<16xi32>], vector<16xf32>,
          %parallel_loop3A_249 = arith.constant 11 : i32
          %parallel_loop3A_250 = vector.broadcast %parallel_loop3A_249 : i32 to vector<16xi32>
          %parallel_loop3A_251 = tpu.vector_load_idx %arg8[%parallel_loop3A_80, %parallel_loop3A_250] : memref<528x16xf32, #tpu.memory_space<vmem>>[vector<16xi32>, vector<16xi32>], vector<16xf32>,
          %parallel_loop3A_252 = arith.subf %parallel_loop3A_248, %parallel_loop3A_251 : vector<16xf32>
          %parallel_loop3A_253 = arith.mulf %parallel_loop3A_252, %parallel_loop3A_252 : vector<16xf32>
          %parallel_loop3A_254 = arith.addf %parallel_loop3A_239, %parallel_loop3A_253 : vector<16xf32>
          %parallel_loop3A_255 = arith.constant 11 : i32
          %parallel_loop3A_256 = vector.broadcast %parallel_loop3A_255 : i32 to vector<16xi32>
          %parallel_loop3A_257 = tpu.vector_load_idx %arg8[%parallel_loop3A_86, %parallel_loop3A_256] : memref<528x16xf32, #tpu.memory_space<vmem>>[vector<16xi32>, vector<16xi32>], vector<16xf32>,
          %parallel_loop3A_258 = arith.subf %parallel_loop3A_248, %parallel_loop3A_257 : vector<16xf32>
          %parallel_loop3A_259 = arith.mulf %parallel_loop3A_258, %parallel_loop3A_258 : vector<16xf32>
          %parallel_loop3A_260 = arith.addf %parallel_loop3A_245, %parallel_loop3A_259 : vector<16xf32>
          %parallel_loop3A_261 = arith.constant 12 : i32
          %parallel_loop3A_262 = vector.broadcast %parallel_loop3A_261 : i32 to vector<16xi32>
          %parallel_loop3A_263 = tpu.vector_load_idx %arg8[%parallel_loop3A_76, %parallel_loop3A_262] : memref<528x16xf32, #tpu.memory_space<vmem>>[vector<16xi32>, vector<16xi32>], vector<16xf32>,
          %parallel_loop3A_264 = arith.constant 12 : i32
          %parallel_loop3A_265 = vector.broadcast %parallel_loop3A_264 : i32 to vector<16xi32>
          %parallel_loop3A_266 = tpu.vector_load_idx %arg8[%parallel_loop3A_80, %parallel_loop3A_265] : memref<528x16xf32, #tpu.memory_space<vmem>>[vector<16xi32>, vector<16xi32>], vector<16xf32>,
          %parallel_loop3A_267 = arith.subf %parallel_loop3A_263, %parallel_loop3A_266 : vector<16xf32>
          %parallel_loop3A_268 = arith.mulf %parallel_loop3A_267, %parallel_loop3A_267 : vector<16xf32>
          %parallel_loop3A_269 = arith.constant 12 : i32
          %parallel_loop3A_270 = vector.broadcast %parallel_loop3A_269 : i32 to vector<16xi32>
          %parallel_loop3A_271 = tpu.vector_load_idx %arg8[%parallel_loop3A_86, %parallel_loop3A_270] : memref<528x16xf32, #tpu.memory_space<vmem>>[vector<16xi32>, vector<16xi32>], vector<16xf32>,
          %parallel_loop3A_272 = arith.subf %parallel_loop3A_263, %parallel_loop3A_271 : vector<16xf32>
          %parallel_loop3A_273 = arith.mulf %parallel_loop3A_272, %parallel_loop3A_272 : vector<16xf32>
          %parallel_loop3A_274 = arith.constant 13 : i32
          %parallel_loop3A_275 = vector.broadcast %parallel_loop3A_274 : i32 to vector<16xi32>
          %parallel_loop3A_276 = tpu.vector_load_idx %arg8[%parallel_loop3A_76, %parallel_loop3A_275] : memref<528x16xf32, #tpu.memory_space<vmem>>[vector<16xi32>, vector<16xi32>], vector<16xf32>,
          %parallel_loop3A_277 = arith.constant 13 : i32
          %parallel_loop3A_278 = vector.broadcast %parallel_loop3A_277 : i32 to vector<16xi32>
          %parallel_loop3A_279 = tpu.vector_load_idx %arg8[%parallel_loop3A_80, %parallel_loop3A_278] : memref<528x16xf32, #tpu.memory_space<vmem>>[vector<16xi32>, vector<16xi32>], vector<16xf32>,
          %parallel_loop3A_280 = arith.subf %parallel_loop3A_276, %parallel_loop3A_279 : vector<16xf32>
          %parallel_loop3A_281 = arith.mulf %parallel_loop3A_280, %parallel_loop3A_280 : vector<16xf32>
          %parallel_loop3A_282 = arith.addf %parallel_loop3A_268, %parallel_loop3A_281 : vector<16xf32>
          %parallel_loop3A_283 = arith.constant 13 : i32
          %parallel_loop3A_284 = vector.broadcast %parallel_loop3A_283 : i32 to vector<16xi32>
          %parallel_loop3A_285 = tpu.vector_load_idx %arg8[%parallel_loop3A_86, %parallel_loop3A_284] : memref<528x16xf32, #tpu.memory_space<vmem>>[vector<16xi32>, vector<16xi32>], vector<16xf32>,
          %parallel_loop3A_286 = arith.subf %parallel_loop3A_276, %parallel_loop3A_285 : vector<16xf32>
          %parallel_loop3A_287 = arith.mulf %parallel_loop3A_286, %parallel_loop3A_286 : vector<16xf32>
          %parallel_loop3A_288 = arith.addf %parallel_loop3A_273, %parallel_loop3A_287 : vector<16xf32>
          %parallel_loop3A_289 = arith.constant 14 : i32
          %parallel_loop3A_290 = vector.broadcast %parallel_loop3A_289 : i32 to vector<16xi32>
          %parallel_loop3A_291 = tpu.vector_load_idx %arg8[%parallel_loop3A_76, %parallel_loop3A_290] : memref<528x16xf32, #tpu.memory_space<vmem>>[vector<16xi32>, vector<16xi32>], vector<16xf32>,
          %parallel_loop3A_292 = arith.constant 14 : i32
          %parallel_loop3A_293 = vector.broadcast %parallel_loop3A_292 : i32 to vector<16xi32>
          %parallel_loop3A_294 = tpu.vector_load_idx %arg8[%parallel_loop3A_80, %parallel_loop3A_293] : memref<528x16xf32, #tpu.memory_space<vmem>>[vector<16xi32>, vector<16xi32>], vector<16xf32>,
          %parallel_loop3A_295 = arith.subf %parallel_loop3A_291, %parallel_loop3A_294 : vector<16xf32>
          %parallel_loop3A_296 = arith.mulf %parallel_loop3A_295, %parallel_loop3A_295 : vector<16xf32>
          %parallel_loop3A_297 = arith.addf %parallel_loop3A_282, %parallel_loop3A_296 : vector<16xf32>
          %parallel_loop3A_298 = arith.constant 14 : i32
          %parallel_loop3A_299 = vector.broadcast %parallel_loop3A_298 : i32 to vector<16xi32>
          %parallel_loop3A_300 = tpu.vector_load_idx %arg8[%parallel_loop3A_86, %parallel_loop3A_299] : memref<528x16xf32, #tpu.memory_space<vmem>>[vector<16xi32>, vector<16xi32>], vector<16xf32>,
          %parallel_loop3A_301 = arith.subf %parallel_loop3A_291, %parallel_loop3A_300 : vector<16xf32>
          %parallel_loop3A_302 = arith.mulf %parallel_loop3A_301, %parallel_loop3A_301 : vector<16xf32>
          %parallel_loop3A_303 = arith.addf %parallel_loop3A_288, %parallel_loop3A_302 : vector<16xf32>
          %parallel_loop3A_304 = arith.constant 15 : i32
          %parallel_loop3A_305 = vector.broadcast %parallel_loop3A_304 : i32 to vector<16xi32>
          %parallel_loop3A_306 = tpu.vector_load_idx %arg8[%parallel_loop3A_76, %parallel_loop3A_305] : memref<528x16xf32, #tpu.memory_space<vmem>>[vector<16xi32>, vector<16xi32>], vector<16xf32>,
          %parallel_loop3A_307 = arith.constant 15 : i32
          %parallel_loop3A_308 = vector.broadcast %parallel_loop3A_307 : i32 to vector<16xi32>
          %parallel_loop3A_309 = tpu.vector_load_idx %arg8[%parallel_loop3A_80, %parallel_loop3A_308] : memref<528x16xf32, #tpu.memory_space<vmem>>[vector<16xi32>, vector<16xi32>], vector<16xf32>,
          %parallel_loop3A_310 = arith.subf %parallel_loop3A_306, %parallel_loop3A_309 : vector<16xf32>
          %parallel_loop3A_311 = arith.mulf %parallel_loop3A_310, %parallel_loop3A_310 : vector<16xf32>
          %parallel_loop3A_312 = arith.addf %parallel_loop3A_297, %parallel_loop3A_311 : vector<16xf32>
          %parallel_loop3A_313 = arith.constant 15 : i32
          %parallel_loop3A_314 = vector.broadcast %parallel_loop3A_313 : i32 to vector<16xi32>
          %parallel_loop3A_315 = tpu.vector_load_idx %arg8[%parallel_loop3A_86, %parallel_loop3A_314] : memref<528x16xf32, #tpu.memory_space<vmem>>[vector<16xi32>, vector<16xi32>], vector<16xf32>,
          %parallel_loop3A_316 = arith.subf %parallel_loop3A_306, %parallel_loop3A_315 : vector<16xf32>
          %parallel_loop3A_317 = arith.mulf %parallel_loop3A_316, %parallel_loop3A_316 : vector<16xf32>
          %parallel_loop3A_318 = arith.addf %parallel_loop3A_303, %parallel_loop3A_317 : vector<16xf32>
          %parallel_loop3A_319 = arith.constant 0.000000e+00 : f32
          %parallel_loop3A_320 = vector.broadcast %parallel_loop3A_319 : f32 to vector<16xf32>
          %parallel_loop3A_321 = arith.subf %parallel_loop3A_320, %parallel_loop3A_138 : vector<16xf32>
          %parallel_loop3A_322 = math.exp %parallel_loop3A_321 : vector<16xf32>
          %parallel_loop3A_323 = arith.constant 0.000000e+00 : f32
          %parallel_loop3A_324 = vector.broadcast %parallel_loop3A_323 : f32 to vector<16xf32>
          %parallel_loop3A_325 = arith.subf %parallel_loop3A_324, %parallel_loop3A_196 : vector<16xf32>
          %parallel_loop3A_326 = math.exp %parallel_loop3A_325 : vector<16xf32>
          %parallel_loop3A_327 = arith.addf %parallel_loop3A_322, %parallel_loop3A_326 : vector<16xf32>
          %parallel_loop3A_328 = arith.constant 0.000000e+00 : f32
          %parallel_loop3A_329 = vector.broadcast %parallel_loop3A_328 : f32 to vector<16xf32>
          %parallel_loop3A_330 = arith.subf %parallel_loop3A_329, %parallel_loop3A_254 : vector<16xf32>
          %parallel_loop3A_331 = math.exp %parallel_loop3A_330 : vector<16xf32>
          %parallel_loop3A_332 = arith.addf %parallel_loop3A_327, %parallel_loop3A_331 : vector<16xf32>
          %parallel_loop3A_333 = arith.constant 0.000000e+00 : f32
          %parallel_loop3A_334 = vector.broadcast %parallel_loop3A_333 : f32 to vector<16xf32>
          %parallel_loop3A_335 = arith.subf %parallel_loop3A_334, %parallel_loop3A_312 : vector<16xf32>
          %parallel_loop3A_336 = math.exp %parallel_loop3A_335 : vector<16xf32>
          %parallel_loop3A_337 = arith.addf %parallel_loop3A_332, %parallel_loop3A_336 : vector<16xf32>
          %parallel_loop3A_338 = arith.constant 2.500000e-01 : f32
          %parallel_loop3A_339 = vector.broadcast %parallel_loop3A_338 : f32 to vector<16xf32>
          %parallel_loop3A_340 = arith.mulf %parallel_loop3A_337, %parallel_loop3A_339 : vector<16xf32>
          %parallel_loop3A_341 = arith.constant 32 : i32
          %parallel_loop3A_342 = arith.muli %parallel_loop3A_73, %parallel_loop3A_341 : i32
          %parallel_loop3A_343 = arith.constant 0 : i32
          %parallel_loop3A_344 = arith.addi %parallel_loop3A_342, %parallel_loop3A_343 : i32
          %parallel_loop3A_345 = arith.index_cast %parallel_loop3A_344 : i32 to index
          %parallel_loop3A_346 = tpu.vector_load %arg6[%parallel_loop3A_345] {strides = array<i32>} : memref<528xi32, #tpu.memory_space<vmem>>, vector<16xi32>,
          %parallel_loop3A_347 = arith.constant -1 : i32
          %parallel_loop3A_348 = vector.broadcast %parallel_loop3A_347 : i32 to vector<16xi32>
          %parallel_loop3A_349 = arith.cmpi ne, %parallel_loop3A_346, %parallel_loop3A_348 : vector<16xi32>
          %parallel_loop3A_350 = arith.constant 0.000000e+00 : f32
          %parallel_loop3A_351 = vector.broadcast %parallel_loop3A_350 : f32 to vector<16xf32>
          %parallel_loop3A_352 = arith.select %parallel_loop3A_349, %parallel_loop3A_340, %parallel_loop3A_351 : vector<16xi1>, vector<16xf32>
          %parallel_loop3A_353 = arith.constant 32 : i32
          %parallel_loop3A_354 = arith.muli %parallel_loop3A_73, %parallel_loop3A_353 : i32
          %parallel_loop3A_355 = arith.constant 0 : i32
          %parallel_loop3A_356 = arith.addi %parallel_loop3A_354, %parallel_loop3A_355 : i32
          %parallel_loop3A_357 = arith.index_cast %parallel_loop3A_356 : i32 to index
          %parallel_loop3A_358 = tpu.vector_load %arg10[%parallel_loop3A_357] {strides = array<i32>} : memref<512xf32, #tpu.memory_space<vmem>>, vector<16xf32>,
          tpu.vector_store %arg10[%parallel_loop3A_357], %parallel_loop3A_352 {strides = array<i32>} : memref<512xf32, #tpu.memory_space<vmem>>, vector<16xf32>,
          %parallel_loop3A_359 = arith.constant 0.000000e+00 : f32
          %parallel_loop3A_360 = vector.broadcast %parallel_loop3A_359 : f32 to vector<16xf32>
          %parallel_loop3A_361 = arith.subf %parallel_loop3A_360, %parallel_loop3A_144 : vector<16xf32>
          %parallel_loop3A_362 = math.exp %parallel_loop3A_361 : vector<16xf32>
          %parallel_loop3A_363 = arith.constant 0.000000e+00 : f32
          %parallel_loop3A_364 = vector.broadcast %parallel_loop3A_363 : f32 to vector<16xf32>
          %parallel_loop3A_365 = arith.subf %parallel_loop3A_364, %parallel_loop3A_202 : vector<16xf32>
          %parallel_loop3A_366 = math.exp %parallel_loop3A_365 : vector<16xf32>
          %parallel_loop3A_367 = arith.addf %parallel_loop3A_362, %parallel_loop3A_366 : vector<16xf32>
          %parallel_loop3A_368 = arith.constant 0.000000e+00 : f32
          %parallel_loop3A_369 = vector.broadcast %parallel_loop3A_368 : f32 to vector<16xf32>
          %parallel_loop3A_370 = arith.subf %parallel_loop3A_369, %parallel_loop3A_260 : vector<16xf32>
          %parallel_loop3A_371 = math.exp %parallel_loop3A_370 : vector<16xf32>
          %parallel_loop3A_372 = arith.addf %parallel_loop3A_367, %parallel_loop3A_371 : vector<16xf32>
          %parallel_loop3A_373 = arith.constant 0.000000e+00 : f32
          %parallel_loop3A_374 = vector.broadcast %parallel_loop3A_373 : f32 to vector<16xf32>
          %parallel_loop3A_375 = arith.subf %parallel_loop3A_374, %parallel_loop3A_318 : vector<16xf32>
          %parallel_loop3A_376 = math.exp %parallel_loop3A_375 : vector<16xf32>
          %parallel_loop3A_377 = arith.addf %parallel_loop3A_372, %parallel_loop3A_376 : vector<16xf32>
          %parallel_loop3A_378 = arith.constant 2.500000e-01 : f32
          %parallel_loop3A_379 = vector.broadcast %parallel_loop3A_378 : f32 to vector<16xf32>
          %parallel_loop3A_380 = arith.mulf %parallel_loop3A_377, %parallel_loop3A_379 : vector<16xf32>
          %parallel_loop3A_381 = arith.constant 32 : i32
          %parallel_loop3A_382 = arith.muli %parallel_loop3A_73, %parallel_loop3A_381 : i32
          %parallel_loop3A_383 = arith.constant 16 : i32
          %parallel_loop3A_384 = arith.addi %parallel_loop3A_382, %parallel_loop3A_383 : i32
          %parallel_loop3A_385 = arith.index_cast %parallel_loop3A_384 : i32 to index
          %parallel_loop3A_386 = tpu.vector_load %arg6[%parallel_loop3A_385] {strides = array<i32>} : memref<528xi32, #tpu.memory_space<vmem>>, vector<16xi32>,
          %parallel_loop3A_387 = arith.constant -1 : i32
          %parallel_loop3A_388 = vector.broadcast %parallel_loop3A_387 : i32 to vector<16xi32>
          %parallel_loop3A_389 = arith.cmpi ne, %parallel_loop3A_386, %parallel_loop3A_388 : vector<16xi32>
          %parallel_loop3A_390 = arith.constant 0.000000e+00 : f32
          %parallel_loop3A_391 = vector.broadcast %parallel_loop3A_390 : f32 to vector<16xf32>
          %parallel_loop3A_392 = arith.select %parallel_loop3A_389, %parallel_loop3A_380, %parallel_loop3A_391 : vector<16xi1>, vector<16xf32>
          %parallel_loop3A_393 = arith.constant 32 : i32
          %parallel_loop3A_394 = arith.muli %parallel_loop3A_73, %parallel_loop3A_393 : i32
          %parallel_loop3A_395 = arith.constant 16 : i32
          %parallel_loop3A_396 = arith.addi %parallel_loop3A_394, %parallel_loop3A_395 : i32
          %parallel_loop3A_397 = arith.index_cast %parallel_loop3A_396 : i32 to index
          %parallel_loop3A_398 = tpu.vector_load %arg10[%parallel_loop3A_397] {strides = array<i32>} : memref<512xf32, #tpu.memory_space<vmem>>, vector<16xf32>,
          tpu.vector_store %arg10[%parallel_loop3A_397], %parallel_loop3A_392 {strides = array<i32>} : memref<512xf32, #tpu.memory_space<vmem>>, vector<16xf32>,
        } {sc.loop_unroll_factor = 2 : i64, sc.parallel_access}
        %mul3A_63 = arith.constant 32 : i32
        %mul3A_64 = arith.muli %add3A_53, %mul3A_63 : i32
        %dma_start3A_65 = tpu.memref_slice %arg4[%mul3A_64] : memref<1600000xf32, #tpu.memory_space<hbm>> -> memref<512xf32, #tpu.memory_space<hbm>>
        %dma_start3A_66 = tpu.memref_slice %arg4[%mul3A_64] : memref<1600000xf32, #tpu.memory_space<hbm>> -> memref<512xf32, #tpu.memory_space<hbm>>
        tpu.enqueue_dma source(%arg10 : memref<512xf32, #tpu.memory_space<vmem>>) target(%dma_start3A_66 : memref<512xf32, #tpu.memory_space<hbm>>) target_semaphore(%arg14 : memref<!tpu.dma_semaphore, #tpu.memory_space<semaphore_mem>>)
        %add3A_67 = arith.constant 2 : i32
        %add3A_68 = arith.addi %add3A_46, %add3A_67 : i32
        %lt3A_69 = arith.cmpi slt, %add3A_68, %select_n3A : i32
        %convert_element_type3A_70 = arith.extui %lt3A_69 : i1 to i32
        %cond3A_71 = arith.constant 0 : i32
        %cond3A_72 = arith.cmpi ne, %convert_element_type3A_70, %cond3A_71 : i32
        scf.if %cond3A_72 {
          %add3A_73 = arith.constant 2 : i32
          %add3A_74 = arith.addi %add3A_46, %add3A_73 : i32
          %mul3A_75 = arith.constant 16 : i32
          %mul3A_76 = arith.muli %add3A_74, %mul3A_75 : i32
          %add3A_77 = arith.addi %mul3A_2, %mul3A_76 : i32
          %mul3A_78 = arith.constant 32 : i32
          %mul3A_79 = arith.muli %add3A_77, %mul3A_78 : i32
          "tpu.region"() ({
            %run_scoped3A = tpu.sem_alloc : memref<!tpu.dma_semaphore, #tpu.memory_space<semaphore_mem>>
            %dma_start3A_87 = arith.constant 0 : i32
            %dma_start3A_88 = tpu.memref_slice %arg6[%dma_start3A_87] : memref<528xi32, #tpu.memory_space<vmem>> -> memref<512xi32, #tpu.memory_space<vmem>>
            %dma_start3A_89 = tpu.memref_slice %arg3[%mul3A_79] : memref<1600000xi32, #tpu.memory_space<hbm>> -> memref<512xi32, #tpu.memory_space<hbm>>
            %dma_start3A_90 = arith.constant 0 : i32
            %dma_start3A_91 = tpu.memref_slice %arg6[%dma_start3A_90] : memref<528xi32, #tpu.memory_space<vmem>> -> memref<512xi32, #tpu.memory_space<vmem>>
            %dma_start3A_92 = tpu.memref_slice %arg3[%mul3A_79] : memref<1600000xi32, #tpu.memory_space<hbm>> -> memref<512xi32, #tpu.memory_space<hbm>>
            tpu.enqueue_dma source(%dma_start3A_92 : memref<512xi32, #tpu.memory_space<hbm>>) target(%dma_start3A_91 : memref<512xi32, #tpu.memory_space<vmem>>) target_semaphore(%run_scoped3A : memref<!tpu.dma_semaphore, #tpu.memory_space<semaphore_mem>>)
            %dma_wait3A_93 = arith.constant 0 : i32
            %dma_wait3A_94 = tpu.memref_slice %arg6[%dma_wait3A_93] : memref<528xi32, #tpu.memory_space<vmem>> -> memref<512xi32, #tpu.memory_space<vmem>>
            %dma_wait3A_95 = tpu.memref_slice %arg3[%mul3A_79] : memref<1600000xi32, #tpu.memory_space<hbm>> -> memref<512xi32, #tpu.memory_space<hbm>>
            %dma_wait3A_96 = arith.constant 0 : i32
            %dma_wait3A_97 = tpu.memref_slice %arg6[%dma_wait3A_96] : memref<528xi32, #tpu.memory_space<vmem>> -> memref<512xi32, #tpu.memory_space<vmem>>
            %dma_wait3A_98 = tpu.memref_slice %arg3[%mul3A_79] : memref<1600000xi32, #tpu.memory_space<hbm>> -> memref<512xi32, #tpu.memory_space<hbm>>
            tpu.wait_dma2 semaphore(%run_scoped3A : memref<!tpu.dma_semaphore, #tpu.memory_space<semaphore_mem>>) src(%dma_wait3A_98 : memref<512xi32, #tpu.memory_space<hbm>>) dst(%dma_wait3A_97 : memref<512xi32, #tpu.memory_space<vmem>>)
            tpu.yield
          }) : () -> ()
          %add3A_80 = vector.broadcast %add3A_77 : i32 to vector<16xi32>
          %add3A_81 = arith.addi %add3A_80, %iota3A : vector<16xi32>
          %swap3A_82 = arith.constant 512 : index
          %swap3A_83 = tpu.vector_load %arg6[%swap3A_82] {strides = array<i32>} : memref<528xi32, #tpu.memory_space<vmem>>, vector<16xi32>,
          tpu.vector_store %arg6[%swap3A_82], %add3A_81 {strides = array<i32>} : memref<528xi32, #tpu.memory_space<vmem>>, vector<16xi32>,
          %dma_start3A_84 = arith.constant 0 : i32
          %dma_start3A_85 = arith.constant 0 : i32
          %dma_start3A_86 = tpu.memref_slice %arg2[%dma_start3A_84, %dma_start3A_85] : memref<50000x16xf32, #tpu.memory_space<hbm>> -> memref<50000x16xf32, #tpu.memory_space<hbm>>
          tpu.enqueue_indirect_dma source(%dma_start3A_86 : memref<50000x16xf32, #tpu.memory_space<hbm>>) target(%arg8 : memref<528x16xf32, #tpu.memory_space<vmem>>) offsets(%arg6 : memref<528xi32, #tpu.memory_space<vmem>>) semaphore(%arg12 : memref<!tpu.dma_semaphore, #tpu.memory_space<semaphore_mem>>)
        } else {
        }
      } else {
      }
    }
    %scan3A_29 = arith.constant 49 : i32
    %dma_wait3A = arith.constant 0 : i32
    %dma_wait3A_30 = tpu.memref_slice %arg4[%dma_wait3A] : memref<1600000xf32, #tpu.memory_space<hbm>> -> memref<512xf32, #tpu.memory_space<hbm>>
    %dma_wait3A_31 = arith.constant 0 : i32
    %dma_wait3A_32 = tpu.memref_slice %arg4[%dma_wait3A_31] : memref<1600000xf32, #tpu.memory_space<hbm>> -> memref<512xf32, #tpu.memory_space<hbm>>
    tpu.wait_dma2 semaphore(%arg13 : memref<!tpu.dma_semaphore, #tpu.memory_space<semaphore_mem>>) src(%arg9 : memref<512xf32, #tpu.memory_space<vmem>>) dst(%dma_wait3A_32 : memref<512xf32, #tpu.memory_space<hbm>>)
    %dma_wait3A_33 = arith.constant 0 : i32
    %dma_wait3A_34 = tpu.memref_slice %arg4[%dma_wait3A_33] : memref<1600000xf32, #tpu.memory_space<hbm>> -> memref<512xf32, #tpu.memory_space<hbm>>
    %dma_wait3A_35 = arith.constant 0 : i32
    %dma_wait3A_36 = tpu.memref_slice %arg4[%dma_wait3A_35] : memref<1600000xf32, #tpu.memory_space<hbm>> -> memref<512xf32, #tpu.memory_space<hbm>>
    tpu.wait_dma2 semaphore(%arg14 : memref<!tpu.dma_semaphore, #tpu.memory_space<semaphore_mem>>) src(%arg10 : memref<512xf32, #tpu.memory_space<vmem>>) dst(%dma_wait3A_36 : memref<512xf32, #tpu.memory_space<hbm>>)
    return
  }
}

module attributes {stable_mosaic.version = 14 : i64} {
  func.func @_tc_body(%arg0: i32, %arg1: memref<10000x16xf32, #tpu.memory_space<vmem>>, %arg2: memref<16x16xf32, #tpu.memory_space<vmem>>, %arg3: memref<10000x16xf32, #tpu.memory_space<vmem>>) attributes {dimension_semantics = [#tpu.dimension_semantics<arbitrary>], iteration_bounds = array<i64: 5>, scalar_prefetch = 0 : i64, scratch_operands = 0 : i64, tpu.core_type = #tpu.core_type<tc>, window_params = [{transform_indices = @transform_0, window_bounds = array<i64: 10000, 16>}, {pipeline_mode = #tpu.pipeline_mode<synchronous>, transform_indices = @transform_1, window_bounds = array<i64: 16, 16>}, {transform_indices = @transform_2, window_bounds = array<i64: 10000, 16>}]} {
    %get3A = arith.constant 0 : index
    %get3A_0 = arith.constant 0 : index
    %get3A_1 = vector.load %arg1[%get3A, %get3A_0] : memref<10000x16xf32, #tpu.memory_space<vmem>>, vector<10000x16xf32>
    %get3A_2 = arith.constant 0 : index
    %get3A_3 = arith.constant 0 : index
    %get3A_4 = vector.load %arg2[%get3A_2, %get3A_3] : memref<16x16xf32, #tpu.memory_space<vmem>>, vector<16x16xf32>
    %dot_general3A = arith.constant dense<0.000000e+00> : vector<10000x16xf32>
    %dot_general3A_5 = tpu.matmul %get3A_1, %get3A_4, %dot_general3A {dimension_numbers = #tpu.dot_dimension_numbers<[1], [0], [0], [1], [0, 0, 1, 1], [], []>, transpose_lhs_hint = false} : vector<10000x16xf32>, vector<16x16xf32>, vector<10000x16xf32> -> vector<10000x16xf32>
    %ge3A = arith.constant 0.000000e+00 : f32
    %ge3A_6 = vector.broadcast %ge3A : f32 to vector<10000x16xf32>
    %ge3A_7 = arith.cmpf oge, %dot_general3A_5, %ge3A_6 : vector<10000x16xf32>
    %mul3A = arith.constant 2.000000e-01 : f32
    %mul3A_8 = vector.broadcast %mul3A : f32 to vector<10000x16xf32>
    %mul3A_9 = arith.mulf %mul3A_8, %dot_general3A_5 : vector<10000x16xf32>
    %select_n3A = arith.select %ge3A_7, %dot_general3A_5, %mul3A_9 : vector<10000x16xi1>, vector<10000x16xf32>
    %swap3A = arith.constant 0 : index
    %swap3A_10 = arith.constant 0 : index
    %swap3A_11 = vector.load %arg3[%swap3A, %swap3A_10] : memref<10000x16xf32, #tpu.memory_space<vmem>>, vector<10000x16xf32>
    tpu.vector_store %arg3[%swap3A, %swap3A_10], %select_n3A {strides = array<i32>} : memref<10000x16xf32, #tpu.memory_space<vmem>>, vector<10000x16xf32>,
    return
  }
  func.func @transform_0(%arg0: i32) -> (i32, i32) {
    %c0_i32 = arith.constant 0 : i32
    %c0_i32_0 = arith.constant 0 : i32
    return %arg0, %c0_i32 : i32, i32
  }
  func.func @transform_1(%arg0: i32) -> (i32, i32) {
    %c0_i32 = arith.constant 0 : i32
    %c0_i32_0 = arith.constant 0 : i32
    %c0_i32_1 = arith.constant 0 : i32
    return %c0_i32, %c0_i32_0 : i32, i32
  }
  func.func @transform_2(%arg0: i32) -> (i32, i32) {
    %c0_i32 = arith.constant 0 : i32
    %c0_i32_0 = arith.constant 0 : i32
    return %arg0, %c0_i32 : i32, i32
  }
}

</mosaic_0001>

<sc_bundles>
// kernel: kernel.4.cloned.1.call-start
scs
__scs_entry_jumppad:
0x0: {  	(pc) =	sbr.rel $0x88, $3  }
0x1: {  	(tag) =	ssettag $0x0;
	lr =	simm.s32 $0x1  }
0x2: {  	[smem:$0x3F9B] =	sst lr;
	_ =	strace $0xD0000000  }
0x3: {  	_ = 	snop  }
0x4: {  	_ = 	snop  }
0x5: {  	_ = 	snop  }
0x6: {  	_ = 	snop  }
0x7: {  	_ = 	snop  }
__scs_overlays_trampoline_lowered:
0x8: {  	[smem:$0x3FAA] =	sst s0  }
0x9: {  	[smem:$0x3FAB] =	sst s1  }
0xa: {  	[smem:$0x3FAC] =	sst s2  }
0xb: {  	[smem:$0x3FAD] =	sst s3  }
0xc: {  	[smem:$0x3FAE] =	sst s4  }
0xd: {  	[smem:$0x3FAF] =	sst s5  }
0xe: {  	[smem:$0x3FB0] =	sst s6  }
0xf: {  	[smem:$0x3FB1] =	sst s7  }
0x10: {  	[smem:$0x3FB2] =	sst s8  }
0x11: {  	[smem:$0x3FB3] =	sst s9;
	s0 =	simm.s32 @!p0 $0x0  }
0x12: {  	s1 =	sld [smem:$0x3F99];
	s0 =	simm.s32 @p0 $0x1  }
0x13: {  	[smem:$0x3FB4] =	sst s0;
	s0 =	simm.s32 @!p1 $0x0  }
0x14: {  	s2 =	sld [smem:$0x3F98];
	s0 =	simm.s32 @p1 $0x1  }
0x15: {  	[smem:$0x3FB5] =	sst s0;
	s0 =	simm.s32 @!p2 $0x0  }
0x16: {  	s3 =	sld [smem:$0x3FDB];
	s0 =	simm.s32 @p2 $0x1  }
0x17: {  	s4 =	simm.s32 $0x1BF5;
	[smem:$0x3FB7] =	sst s0  }
0x18: {  	s0 =	sld [smem:$0x3F9A];
	_ =	swait.ge [sflag:s4], $0x0  }
0x19: {  	s7 =	sld [smem:$0x3F9B]  }
0x1a: {  	s8 =	sadd.s32 $0xFFFFE003, lr  }
0x1b: {  	s9 =	sadd.s32 $0xFFFFFEF7, lr;
	s5 =	simm.s32 $0xFFFFFFFF;
	p2 =	slt.u32 s8, $0xFFFFF086  }
0x1c: {  	p1 =	slt.u32 s9, $0xF7A;
	s5 =	simm.s32 @!p2 $0x0  }
0x1d: {  	s5 =	simm.s32 @p1 $0x1;
	p0 =	seq.s32 s7, s2  }
0x1e: {  	s7 =	smul.u32 @!p0 $0xF7A, s2;
	p2 =	seq.s32 @!p0 s5, $0x0  }
0x1f: {  	s9 =	smul.u32 $0xF7A, s1;
	s8 =	simm.s32 @!p0 $0x1BF5;
	p2 =	por !p2, p0  }
0x20: {  	[sflag:s8] =	ssyncset.s32 @!p0 $0xFFFFF086;
	s6 =	sadd.s32 @!p0 s3, s7;
	s7 =	simm.s32 @!p0 $0x108  }
0x21: {  	s3 =	sadd.s32 s3, s9;
	s6 =	sadd.s32 @!p0 $0x88, s6;
	s7 =	simm.s32 @p2 $0x1082  }
0x22: {  	[simem:s7], [sflag:s8] =	dma.local @!p0 [hbm:s6], $0xF7A  }
0x23: {  	s9 =	sor.u32 $0xD0000000, s2;
	s6 =	simm.s32 $0x108;
	_ =	swait.ge @!p0 [sflag:s8], $0x0  }
0x24: {  	s3 =	sadd.s32 $0x88, s3;
	s6 =	simm.s32 @!p1 $0x1082;
	[sflag:s4] =	ssyncset.s32 $0xFFFFF086  }
0x25: {  	[simem:s6], [sflag:s4] =	dma.local [hbm:s3], $0xF7A  }
0x26: {  	[smem:$0x3F9B] =	sst s1;
	(tag) =	ssettag s2;
	_ =	strace s9  }
0x27: {  	s1 =	sld [smem:$0x3FAB]  }
0x28: {  	s2 =	sld [smem:$0x3FAC]  }
0x29: {  	s4 =	sld [smem:$0x3FAE]  }
0x2a: {  	p0 =	seq.s32 s5, $0x0;
	s5 =	sld [smem:$0x3FAF]  }
0x2b: {  	s6 =	sld [smem:$0x3FB0]  }
0x2c: {  	s7 =	sld [smem:$0x3FB1]  }
0x2d: {  	s3 =	simm.s32 $0x108;
	s8 =	sld [smem:$0x3FB2]  }
0x2e: {  	s3 =	simm.s32 @!p0 $0x1082;
	s9 =	sld [smem:$0x3FB3]  }
0x2f: {  	lr =	sadd.s32 s0, s3;
	s0 =	sld [smem:$0x3FAA]  }
0x30: {  	s3 =	sld [smem:$0x3FAD]  }
0x31: {  	[smem:$0x3FB6] =	sst s10  }
0x32: {  	s10 =	sld [smem:$0x3FB4];
	_ =	sdelay $0x3  }
0x33: {  	p0 =	seq.s32 s10, $0x1;
	s10 =	sld [smem:$0x3FB6];
	_ =	sdelay $0x3  }
0x34: {  	[smem:$0x3FB6] =	sst s10  }
0x35: {  	s10 =	sld [smem:$0x3FB5];
	_ =	sdelay $0x3  }
0x36: {  	p1 =	seq.s32 s10, $0x1;
	s10 =	sld [smem:$0x3FB6];
	_ =	sdelay $0x3  }
0x37: {  	[smem:$0x3FB6] =	sst s10  }
0x38: {  	s10 =	sld [smem:$0x3FB7]  }
0x39: {  	_ = 	snop;
	(pc) =	sbr.ind lr, $3  }
0x3a: {  	_ = 	snop  }
0x3b: {  	_ = 	snop  }
0x3c: {  	p2 =	seq.s32 s10, $0x1;
	s10 =	sld [smem:$0x3FB6]  }
0x3d: {  	_ =	shalt  }
0x3e: {  	_ =	shalt  }
0x3f: {  	_ =	shalt  }
0x40: {  	_ =	shalt  }
0x41: {  	_ =	shalt  }
0x42: {  	_ =	shalt  }
0x43: {  	_ =	shalt  }
0x44: {  	_ =	shalt  }
0x45: {  	_ =	shalt  }
0x46: {  	_ =	shalt  }
0x47: {  	_ =	shalt  }
0x48: {  	_ =	shalt  }
0x49: {  	_ =	shalt  }
0x4a: {  	_ =	shalt  }
0x4b: {  	_ =	shalt  }
0x4c: {  	_ =	shalt  }
0x4d: {  	_ =	shalt  }
0x4e: {  	_ =	shalt  }
0x4f: {  	_ =	shalt  }
0x50: {  	_ =	shalt  }
0x51: {  	_ =	shalt  }
0x52: {  	_ =	shalt  }
0x53: {  	_ =	shalt  }
0x54: {  	_ =	shalt  }
0x55: {  	_ =	shalt  }
0x56: {  	_ =	shalt  }
0x57: {  	_ =	shalt  }
0x58: {  	_ =	shalt  }
0x59: {  	_ =	shalt  }
0x5a: {  	_ =	shalt  }
0x5b: {  	_ =	shalt  }
0x5c: {  	_ =	shalt  }
0x5d: {  	_ =	shalt  }
0x5e: {  	_ =	shalt  }
0x5f: {  	_ =	shalt  }
0x60: {  	_ =	shalt  }
0x61: {  	_ =	shalt  }
0x62: {  	_ =	shalt  }
0x63: {  	_ =	shalt  }
0x64: {  	_ =	shalt  }
0x65: {  	_ =	shalt  }
0x66: {  	_ =	shalt  }
0x67: {  	_ =	shalt  }
0x68: {  	_ =	shalt  }
0x69: {  	_ =	shalt  }
0x6a: {  	_ =	shalt  }
0x6b: {  	_ =	shalt  }
0x6c: {  	_ =	shalt  }
0x6d: {  	_ =	shalt  }
0x6e: {  	_ =	shalt  }
0x6f: {  	_ =	shalt  }
0x70: {  	_ =	shalt  }
0x71: {  	_ =	shalt  }
0x72: {  	_ =	shalt  }
0x73: {  	_ =	shalt  }
0x74: {  	_ =	shalt  }
0x75: {  	_ =	shalt  }
0x76: {  	_ =	shalt  }
0x77: {  	_ =	shalt  }
0x78: {  	_ =	shalt  }
0x79: {  	_ =	shalt  }
0x7a: {  	_ =	shalt  }
0x7b: {  	_ =	shalt  }
0x7c: {  	_ =	shalt  }
0x7d: {  	_ =	shalt  }
0x7e: {  	_ =	shalt  }
0x7f: {  	_ =	shalt  }
0x80: {  	_ =	shalt  }
0x81: {  	_ =	shalt  }
0x82: {  	_ =	shalt  }
0x83: {  	_ =	shalt  }
0x84: {  	_ =	shalt  }
0x85: {  	_ =	shalt  }
0x86: {  	_ =	shalt  }
0x87: {  	_ =	shalt  }
.Lfunc_end0:
.L_simem_size_0:
called_computation_lowered:
.L_overlay_start_0:
0x88: {  	s2 =	sld [smem:$0x3FD9]  }
0x89: {  	s3 =	sld [smem:$0x3FFE];
	_ =	sdelay $0x1  }
0x8a: {  	s1 =	srdreg.scid  }
0x8b: {  	s0 =	sand.u32 $0x1, s1  }
0x8c: {  	s17 =	sshll.u32 s0, $0xA;
	s2 =	sadd.s32 s3, s2  }
0x8d: {  	s2 =	sadd.s32 s2, s17  }
0x8e: {  	[smem:$0x3FC2] =	sst s2  }
0x8f: {  	_ = 	snop  }
0x90: {  	s2 =	sld [smem:$0x3FD0];
	(tm) =	ssettm $0x1  }
0x91: {  	s18 =	sld [smem:$0x3FFB];
	_ =	sdelay $0x3  }
0x92: {  	_ =	strace s18  }
0x93: {  	s3 =	sld [smem:$0x3FFC];
	_ =	sdelay $0x3  }
0x94: {  	_ =	strace s3  }
0x95: {  	s3 =	sld [smem:$0x3FFD];
	_ =	sdelay $0x3  }
0x96: {  	_ =	strace s3  }
0x97: {  	_ =	strace $0x8FFFFFFF  }
0x98: {  	s19 =	sld [smem:$0x3FDB];
	_ =	sdelay $0x1  }
0x99: {  	s4 =	simm.s32 $_scs_section_size  }
0x9a: {  	s5 =	simm.s32 $_size__tile_overlayer_lowered;
	s6 =	simm.s32 $_tile_overlayer_lowered  }
0x9b: {  	s22 =	simm.s32 $0x1BFF;
	s21 =	sshll.u32 s6, $0x1;
	s3 =	sadd.s32 s4, s19  }
0x9c: {  	s7 =	simm.s32 $0x0;
	s20 =	sshll.u32 s5, $0x1;
	s5 =	sadd.s32 s21, s3  }
0x9d: {  	[timem:s7], [sflag:s22] =	dma.local [hbm:s5], s20  }
0x9e: {  	_ =	swait.ge [sflag:s22], s20  }
0x9f: {  	s4 =	ssub.s32 $0x0, s20;
	[sflag:s22] =	ssyncset.done $0x0  }
0xa0: {  	[sflag:s22] =	ssyncadd.s32 s4;
	_ =	sdelay $0x1  }
0xa1: {  	s23 =	simm.s32 $0x1B8B  }
0xa2: {  	_ =	swait.ge [sflag:s23], $0x1  }
0xa3: {  	[sflag:s23] =	ssyncset.done $0x0  }
0xa4: {  	s25 =	simm.s32 $0x1B8E;
	s24 =	sld [smem:$0x3FFE];
	[sflag:s23] =	ssyncadd.s32 $0xFFFFFFFF  }
0xa5: {  	s26 =	simm.s32 $execute0_lowered;
	[smem:$0x3FD2] =	sst s25  }
0xa6: {  	s5 =	sshll.u32 s26, $0x1;
	_ =	strace $0x80000046;
	[dreg:$0x1] =	wrdreg $0xFFFFFFFF  }
0xa7: {  	s28 =	simm.s32 $_size_execute0_lowered;
	s3 =	sadd.s32 s3, s5;
	[dreg:$0x0] =	wrdreg $0x0  }
0xa8: {  	s5 =	sshll.u32 s28, $0x1;
	[dreg:$0x2] =	wrdreg s3  }
0xa9: {  	[dreg:$0x3] =	wrdreg s5  }
0xaa: {  	[dreg:$0x4] =	wrdreg $0xC0  }
0xab: {  	_ =	task [dreg:s7], $0x5FFFF  }
0xac: {  	[dreg:$0x1] =	wrdreg $0xFFFFFFFF  }
0xad: {  	[dreg:$0x0] =	wrdreg $0x60  }
0xae: {  	[dreg:$0x2] =	wrdreg s24  }
0xaf: {  	[dreg:$0x3] =	wrdreg s2  }
0xb0: {  	[dreg:$0x4] =	wrdreg $0x9  }
0xb1: {  	_ =	task.clear_ibuf [dreg:s7], $0x5FFFF;
	_ =	strace $0x90000046  }
0xb2: {  	s29 =	simm.s32 $0x9;
	_ =	strace $0x80000048  }
0xb3: {  	_ =	swait.ge [sflag:s29], $0x1  }
0xb4: {  	[sflag:s29] =	ssyncadd.s32 $0xFFFFFFFF  }
0xb5: {  	_ =	strace $0x90000048  }
0xb6: {  	_ =	sfence  }
0xb7: {  	s30 =	sld [smem:$0x0];
	_ =	sdelay $0x2  }
0xb8: {  	s31 =	sshll.u32 s1, $0xD;
	s1 =	sshrl.u32 s1, $0x2  }
0xb9: {  	s3 =	sand.u32 $0x4000, s31;
	s1 =	sadd.s32 s1, s30  }
0xba: {  	s0 =	sor.u32 s3, s0;
	s1 =	sshll.u32 s1, $0x11  }
0xbb: {  	s0 =	sor.u32 s1, s0  }
0xbc: {  	s0 =	sadd.s32 $0x8F2B, s0  }
0xbd: {  	[sflag:s0] =	ssyncadd.remote.s32 $0x1  }
0xbe: {  	_ =	sfence.sel $0xFFFF  }
0xbf: {  	[dreg:$0x0] =	wrdreg $0xFFFFFFFF;
	(pc) =	sbr.abs _section_cstart, $3  }
0xc0: {  	[dreg:$0x1] =	wrdreg $0xFFFFFFFF  }
0xc1: {  	_ =	task.clear_ibuf [dreg:s7], $0x2FFFF;
	_ =	strace $0x9FFFFFFF  }
0xc2: {  	(tm) =	ssettm $0x7FFFFFFF  }
0xc3: {  	_ =	shalt  }
tec
execute0_lowered:
.L_overlay_start_1:
0x0: {  	(tag) =	ssettag $0x1  }
0x1: {  	s0 =	rddreg [dreg:$0x0]  }
0x2: {  	s2 =	rddreg [dreg:$0x1]  }
0x3: {  	s3 =	simm.s32 $0x0;
	s1 =	srdreg.scid;
	s4 =	stileid.u32  }
0x4: {  	s7 =	simm.s32 $0x57;
	s12 =	simm.s32 $0x5;
	s13 =	simm.s32 $0x210  }
0x5: {  	s14 =	simm.s32 $0x420;
	s15 =	simm.s32 $0x2520;
	s16 =	simm.s32 $0x1  }
0x6: {  	s17 =	simm.s32 $0x4620;
	s18 =	simm.s32 $0x2;
	s19 =	simm.s32 $0x4820  }
0x7: {  	s21 =	simm.s32 $0x4;
	s1 =	sand.u32 $0x1, s1;
	s4 =	sshll.u32 s4, $0x1  }
0x8: {  	s22 =	simm.s32 $0x0;
	[smem:$0x7FF] =	sst s3;
	s10 =	sor.u32 s1, s4  }
0x9: {  	s6 =	sadd.s32 $0x19000, s0;
	_ =	strace $0x80000047;
	s5 =	smul.u32 $0x620, s10  }
0xa: {  	v0 =	vlaneseq.u32;
	s4 =	sadd.s32 $0x800, s0;
	s1 =	ssub.s32 $0x2, s1;
	s8 =	smul.u32 $0x1880, s10  }
.Ltmp0:
0xb: {  	v43 =	vmul.u32 $0x10, v0;
	s30 =	sshrl.u32 s1, $0x1;
	p0 =	seq.s32 s10, $0x1F;
	(pc) =	sbr.rel .LBB2_1-.Ltmp0, $4  }
0xc: {  	s0 =	ssub.s32 s1, s30;
	s20 =	sor.u32 $0x10, s5;
	s8 =	sadd.s32 s2, s8  }
0xd: {  	[tilespmem:$0x1FFF0] =	vst v43;
	s0 =	smax.u32 s0, $0x1;
	v1 =	vor.u32 s5, v0;
	s31 =	sshll.u32 s20, $0x2;
	[dreg:$0x3] =	wrdreg s8  }
0xe: {  	s10 =	smul.u32 $0xC400, s10;
	[dreg:$0x5] =	wrdreg s0;
	[tilespmem:$0x1FFD0] =	vst v1;
	v63 =	vor.u32 s20, v0;
	s1 =	sadd.s32 s2, s31  }
0xf: {  	s7 =	simm.s32 @!p0 $0x62;
	s20 =	simm.s32 $0x3;
	[tilespmem:$0x1FFE0] =	vst v63;
	[dreg:$0x4] =	wrdreg s1  }
.LBB2_11:
0x10: {  	_ =	swait.ge [sflag:s20], $0x200  }
0x11: {  	[sflag:s20] =	ssyncset.done $0x0  }
0x12: {  	[sflag:s20] =	ssyncadd.s32 $0xFFFFFE00  }
0x13: {  	_ =	swait.ge [sflag:s21], $0x200  }
0x14: {  	s22 =	sadd.s32 $0x1, s22;
	s0 =	rddreg [dreg:$0x5]  }
0x15: {  	p0 =	sne.s32 s22, s0  }
.Ltmp1:
0x16: {  	_ = 	snop;
	(pc) =	sbr.rel @!p0 .LBB2_12-.Ltmp1, $3  }
0x17: {  	_ =	sdelay $0x1  }
0x18: {  	[sflag:s21] =	ssyncset.done $0x0  }
0x19: {  	[sflag:s21] =	ssyncadd.s32 $0xFFFFFE00  }
.LBB2_1:
0x1a: {  	s0 =	rddreg [dreg:$0x3]  }
0x1b: {  	[tilespmem:s3], [sflag:$0x5] =	stream.linear.gather [hbm4b:s0+s3], $0x200, $0x38;
	[tilespmem:$0x4A20] =	vst v63  }
0x1c: {  	_ =	swait.ge [sflag:s12], $0x200  }
0x1d: {  	v0 =	vld [tilespmem:$0x1FFD0];
	_ =	sdelay $0x2  }
0x1e: {  	[sflag:s12] =	ssyncset.done $0x0  }
0x1f: {  	[sflag:s12] =	ssyncadd.s32 $0xFFFFFE00  }
0x20: {  	[tilespmem:$0x200] =	vst v0  }
0x21: {  	[tilespmem:s14], [sflag:$0x1] =	stream.indirect.gather [hbm4b:s4+s13], $0x10, s3, s13, $0xb8;
	[tilespmem:$0x4A20] =	vst v63  }
0x22: {  	s31 =	rddreg [dreg:$0x4]  }
0x23: {  	[tilespmem:s13], [sflag:$0x5] =	stream.linear.gather [hbm4b:s31+s3], $0x200, $0x38;
	[tilespmem:$0x4A20] =	vst v63  }
0x24: {  	_ =	swait.ge [sflag:s12], $0x200  }
0x25: {  	v63 =	vld [tilespmem:$0x1FFE0];
	_ =	sdelay $0x1  }
.Ltmp2:
0x26: {  	_ = 	snop;
	(pc) =	sbr.rel .LBB2_2-.Ltmp2, $4  }
0x27: {  	[sflag:s12] =	ssyncset.done $0x0  }
0x28: {  	[sflag:s12] =	ssyncadd.s32 $0xFFFFFE00  }
0x29: {  	s23 =	simm.s32 $0x0;
	[tilespmem:$0x410] =	vst v63  }
0x2a: {  	[tilespmem:s15], [sflag:$0x2] =	stream.indirect.gather [hbm4b:s4+s13], $0x10, s13, s13, $0xb8;
	[tilespmem:$0x4A20] =	vst v63  }
.LBB2_10:
0x2b: {  	s23 =	sadd.s32 $0x1, s23  }
0x2c: {  	p0 =	sne.s32 s23, $0x31  }
.Ltmp3:
0x2d: {  	_ = 	snop;
	(pc) =	sbr.rel @!p0 .LBB2_11-.Ltmp3, $1  }
0x2e: {  	_ =	sdelay $0x3  }
.LBB2_2:
0x2f: {  	s24 =	sshll.u32 s23, $0x1  }
0x30: {  	p1 =	sge.u32 s24, s7  }
.Ltmp4:
0x31: {  	_ = 	snop;
	(pc) =	sbr.rel @p1 .LBB2_6-.Ltmp4, $2  }
0x32: {  	_ =	sdelay $0x2  }
0x33: {  	p0 =	seq.s32 s23, $0x0  }
0x34: {  	_ =	swait.ge [sflag:s16], $0x2100;
	s0 =	simm.s32 $0x2000  }
0x35: {  	[sflag:s16] =	ssyncset.done $0x0;
	v0 =	vmov s0  }
0x36: {  	s0 =	simm.s32 @!p0 $0x3;
	[sflag:s16] =	ssyncadd.s32 $0xFFFFDF00;
	v1 =	vor.u32 $0xF, v0  }
0x37: {  	v2 =	vor.u32 $0xB, v0;
	_ =	swait.ge @!p0 [sflag:s0], $0x200  }
0x38: {  	v3 =	vor.u32 $0xE, v0;
	[sflag:s0] =	ssyncset.done @!p0 $0x0  }
0x39: {  	v4 =	vor.u32 $0x3, v0;
	[sflag:s0] =	ssyncadd.s32 @!p0 $0xFFFFFE00  }
0x3a: {  	v5 =	vor.u32 $0x7, v0;
	v6 =	vld.idx.msk [tilespmem:v0+s14+$0x0], $0xffff  }
0x3b: {  	v7 =	vor.u32 $0xA, v0;
	v1 =	vld.idx.msk [tilespmem:v1+s14+$0x0], $0xffff  }
0x3c: {  	v8 =	vor.u32 $0xC, v0;
	v2 =	vld.idx.msk [tilespmem:v2+s14+$0x0], $0xffff  }
0x3d: {  	s31 =	simm.s32 $0x10;
	v9 =	vor.u32 $0xD, v0;
	v11 =	vld.idx.msk [tilespmem:v3+s14+$0x0], $0xffff  }
0x3e: {  	v15 =	vmov s31;
	v10 =	vor.u32 $0x6, v0;
	v4 =	vld.idx.msk [tilespmem:v4+s14+$0x0], $0xffff  }
0x3f: {  	v13 =	vor.u32 $0x9, v0;
	v15 =	vshll.u32 v15, $0x4;
	v12 =	vld.idx.msk [tilespmem:v5+s14+$0x0], $0xffff  }
0x40: {  	v15 =	vor.u32 v43, v15;
	v7 =	vld.idx.msk [tilespmem:v7+s14+$0x0], $0xffff  }
0x41: {  	v18 =	vor.u32 $0x3, v15;
	v14 =	vld.idx.msk [tilespmem:v8+s14+$0x0], $0xffff  }
0x42: {  	s1 =	simm.s32 $0x0;
	v25 =	vor.u32 $0xA, v15;
	v9 =	vld.idx.msk [tilespmem:v9+s14+$0x0], $0xffff  }
0x43: {  	v17 =	vmov s1;
	v27 =	vor.u32 $0xD, v15;
	v19 =	vld.idx.msk [tilespmem:v10+s14+$0x0], $0xffff  }
0x44: {  	v28 =	vor.u32 $0x2, v15;
	v10 =	vshll.u32 v17, $0x4;
	v13 =	vld.idx.msk [tilespmem:v13+s14+$0x0], $0xffff  }
0x45: {  	v29 =	vor.u32 $0x6, v15;
	v20 =	vor.u32 v43, v10;
	v10 =	vld.idx.msk [tilespmem:v15+s14+$0x0], $0xffff  }
0x46: {  	v30 =	vor.u32 $0x8, v15;
	v18 =	vld.idx.msk [tilespmem:v18+s14+$0x0], $0xffff  }
0x47: {  	v5 =	vor.u32 $0x8, v0;
	v25 =	vld.idx.msk [tilespmem:v25+s14+$0x0], $0xffff  }
0x48: {  	v56 =	vor.u32 $0x9, v15;
	v27 =	vld.idx.msk [tilespmem:v27+s14+$0x0], $0xffff  }
0x49: {  	v3 =	vor.u32 $0x2, v0;
	v28 =	vld.idx.msk [tilespmem:v28+s14+$0x0], $0xffff  }
0x4a: {  	v8 =	vor.u32 $0x1, v0;
	v29 =	vld.idx.msk [tilespmem:v29+s14+$0x0], $0xffff  }
0x4b: {  	v30 =	vld.idx.msk [tilespmem:v30+s14+$0x0], $0xffff  }
0x4c: {  	v52 =	vld.idx.msk [tilespmem:v5+s14+$0x0], $0xffff;
	v5 =	vor.u32 $0xF, v15  }
0x4d: {  	v34 =	vor.u32 $0xF, v20;
	v59 =	vld.idx.msk [tilespmem:v56+s14+$0x0], $0xffff  }
0x4e: {  	v35 =	vor.u32 $0xB, v20;
	v16 =	vld.idx.msk [tilespmem:v3+s14+$0x0], $0xffff  }
0x4f: {  	v37 =	vor.u32 $0x3, v20;
	v21 =	vld.idx.msk [tilespmem:v8+s14+$0x0], $0xffff  }
0x50: {  	v3 =	vor.u32 $0x4, v0;
	v23 =	vld.idx.msk [tilespmem:v20+s14+$0x0], $0xffff  }
0x51: {  	v26 =	vld.idx.msk [tilespmem:v5+s14+$0x0], $0xffff;
	v5 =	vor.u32 $0xC, v15  }
0x52: {  	v38 =	vor.u32 $0x7, v20;
	v34 =	vld.idx.msk [tilespmem:v34+s14+$0x0], $0xffff  }
0x53: {  	s28 =	simm.s32 $0x20;
	s1 =	simm.s32 $0x2010;
	v39 =	vor.u32 $0xA, v20;
	v35 =	vld.idx.msk [tilespmem:v35+s14+$0x0], $0xffff  }
0x54: {  	v63 =	vmov s28;
	v40 =	vmov s1;
	v46 =	vor.u32 $0x2, v20;
	v37 =	vld.idx.msk [tilespmem:v37+s14+$0x0], $0xffff  }
0x55: {  	v42 =	vor.u32 $0x1, v40;
	v24 =	vor.u32 $0x7, v15;
	v22 =	vld.idx.msk [tilespmem:v3+s14+$0x0], $0xffff;
	v3 =	vor.u32 $0xB, v15  }
0x56: {  	v32 =	vor.u32 $0x4, v15;
	v33 =	vor.u32 $0x5, v15;
	v31 =	vld.idx.msk [tilespmem:v5+s14+$0x0], $0xffff;
	v5 =	vor.u32 $0x1, v15  }
0x57: {  	v17 =	vor.u32 $0xB, v40;
	v43 =	vor.u32 $0x4, v40;
	v48 =	vor.u32 $0x6, v20;
	v38 =	vld.idx.msk [tilespmem:v38+s14+$0x0], $0xffff  }
0x58: {  	v41 =	vor.u32 $0xC, v20;
	v44 =	vor.u32 $0xD, v20;
	v54 =	vor.u32 $0x4, v20;
	v53 =	vld.idx.msk [tilespmem:v39+s14+$0x0], $0xffff  }
0x59: {  	v0 =	vor.u32 $0x5, v0;
	v8 =	vor.u32 $0xE, v15;
	v47 =	vsub.f32 v6, v10;
	v55 =	vld.idx.msk [tilespmem:v46+s14+$0x0], $0xffff  }
0x5a: {  	v10 =	vsub.f32 v4, v18;
	v46 =	vor.u32 $0x5, v40;
	v18 =	vsub.f32 v7, v25;
	v3 =	vld.idx.msk [tilespmem:v3+s14+$0x0], $0xffff  }
0x5b: {  	v25 =	vor.u32 $0x6, v40;
	v27 =	vsub.f32 v9, v27;
	v36 =	vld.idx.msk [tilespmem:v5+s14+$0x0], $0xffff;
	v5 =	vor.u32 $0xE, v20  }
0x5c: {  	v57 =	vld.idx.msk [tilespmem:v48+s14+$0x0], $0xffff;
	v39 =	vor.u32 $0x8, v40;
	v29 =	vsub.f32 v19, v29;
	v48 =	vor.u32 $0x7, v40  }
0x5d: {  	v24 =	vld.idx.msk [tilespmem:v24+s14+$0x0], $0xffff;
	v61 =	vsub.f32 v13, v59;
	v27 =	vmul.f32 v27, v27;
	v28 =	vsub.f32 v16, v28  }
0x5e: {  	v44 =	vld.idx.msk [tilespmem:v44+s14+$0x0], $0xffff;
	v29 =	vmul.f32 v29, v29;
	v30 =	vsub.f32 v52, v30;
	v23 =	vsub.f32 v6, v23  }
0x5f: {  	v10 =	vmul.f32 v10, v10;
	v8 =	vld.idx.msk [tilespmem:v8+s14+$0x0], $0xffff;
	v35 =	vsub.f32 v2, v35;
	v37 =	vsub.f32 v4, v37  }
0x60: {  	v18 =	vmul.f32 v18, v18;
	v38 =	vsub.f32 v12, v38;
	v6 =	vsub.f32 v2, v3;
	v45 =	vld.idx.msk [tilespmem:v5+s14+$0x0], $0xffff  }
0x61: {  	v32 =	vld.idx.msk [tilespmem:v32+s14+$0x0], $0xffff;
	v3 =	vsub.f32 v1, v26;
	v26 =	vsub.f32 v1, v34;
	v1 =	vor.u32 $0x1, v20  }
0x62: {  	v58 =	vld.idx.msk [tilespmem:v54+s14+$0x0], $0xffff;
	v4 =	vor.u32 $0x8, v20;
	v16 =	vsub.f32 v16, v55;
	v19 =	vsub.f32 v19, v57  }
0x63: {  	v33 =	vld.idx.msk [tilespmem:v33+s14+$0x0], $0xffff;
	v7 =	vsub.f32 v7, v53;
	v30 =	vmul.f32 v30, v30;
	v28 =	vmul.f32 v28, v28  }
0x64: {  	v0 =	vld.idx.msk [tilespmem:v0+s14+$0x0], $0xffff;
	v9 =	vsub.f32 v9, v44;
	v16 =	vmul.f32 v16, v16;
	v19 =	vmul.f32 v19, v19  }
0x65: {  	v41 =	vld.idx.msk [tilespmem:v41+s14+$0x0], $0xffff;
	v8 =	vsub.f32 v11, v8;
	v45 =	vsub.f32 v11, v45;
	v11 =	vor.u32 $0x5, v20  }
0x66: {  	v54 =	vmul.f32 v37, v37;
	v9 =	vmul.f32 v9, v9;
	v1 =	vld.idx.msk [tilespmem:v1+s14+$0x0], $0xffff;
	v20 =	vor.u32 $0x9, v20  }
0x67: {  	v38 =	vmul.f32 v38, v38;
	v32 =	vsub.f32 v22, v32;
	v22 =	vsub.f32 v22, v58;
	v4 =	vld.idx.msk [tilespmem:v4+s14+$0x0], $0xffff  }
0x68: {  	v44 =	vshll.u32 v63, $0x4;
	v7 =	vmul.f32 v7, v7;
	v35 =	vmul.f32 v35, v35  }
0x69: {  	v49 =	vld [tilespmem:$0x1FFF0];
	v33 =	vsub.f32 v0, v33;
	v15 =	vor.u32 $0xD, v40;
	v62 =	vmul.f32 v22, v22  }
0x6a: {  	v32 =	vmul.f32 v32, v32;
	v2 =	vsub.f32 v12, v24;
	v31 =	vsub.f32 v14, v31;
	v11 =	vld.idx.msk [tilespmem:v11+s14+$0x0], $0xffff  }
0x6b: {  	v33 =	vmul.f32 v33, v33;
	v14 =	vsub.f32 v14, v41;
	v1 =	vsub.f32 v21, v1;
	v20 =	vld.idx.msk [tilespmem:v20+s14+$0x0], $0xffff  }
0x6c: {  	v41 =	vor.u32 $0x3, v40;
	v12 =	vor.u32 $0xC, v40;
	v60 =	vsub.f32 v52, v4  }
0x6d: {  	v4 =	vmul.f32 v23, v23;
	v5 =	vor.u32 $0x2, v40;
	v1 =	vmul.f32 v1, v1  }
0x6e: {  	v24 =	vor.u32 $0x9, v40;
	v31 =	vmul.f32 v31, v31;
	v23 =	vmul.f32 v61, v61  }
0x6f: {  	v1 =	vadd.f32 v1, v4;
	v0 =	vsub.f32 v0, v11;
	v11 =	vor.u32 $0xE, v40  }
0x70: {  	v14 =	vmul.f32 v14, v14;
	v13 =	vsub.f32 v13, v20;
	v20 =	vor.u32 v49, v44  }
0x71: {  	v12 =	vld.idx.msk [tilespmem:v12+s14+$0x0], $0xffff;
	v1 =	vadd.f32 v16, v1;
	v50 =	vor.u32 $0x1, v20;
	v0 =	vmul.f32 v0, v0  }
0x72: {  	v2 =	vmul.f32 v2, v2;
	v22 =	vadd.f32 v27, v31;
	v5 =	vld.idx.msk [tilespmem:v5+s14+$0x0], $0xffff;
	v51 =	vor.u32 $0x4, v20  }
0x73: {  	v52 =	vmul.f32 v60, v60;
	v34 =	vadd.f32 v54, v1;
	v1 =	vld.idx.msk [tilespmem:v43+s14+$0x0], $0xffff;
	v0 =	vadd.f32 v0, v62  }
0x74: {  	v23 =	vadd.f32 v23, v30;
	v55 =	vor.u32 $0x5, v20;
	v13 =	vmul.f32 v13, v13;
	v11 =	vld.idx.msk [tilespmem:v11+s14+$0x0], $0xffff  }
0x75: {  	v6 =	vmul.f32 v6, v6;
	v36 =	vsub.f32 v21, v36;
	v19 =	vadd.f32 v19, v0;
	v0 =	vld.idx.msk [tilespmem:v42+s14+$0x0], $0xffff  }
0x76: {  	v3 =	vmul.f32 v3, v3;
	v18 =	vadd.f32 v18, v23;
	v13 =	vadd.f32 v13, v52;
	v27 =	vld.idx.msk [tilespmem:v50+s14+$0x0], $0xffff  }
0x77: {  	v9 =	vadd.f32 v9, v14;
	v36 =	vmul.f32 v36, v36;
	v53 =	vor.u32 $0x2, v20;
	v43 =	vld.idx.msk [tilespmem:v51+s14+$0x0], $0xffff  }
0x78: {  	v6 =	vadd.f32 v6, v18;
	v58 =	vmul.f32 v45, v45;
	v60 =	vadd.f32 v7, v13;
	v7 =	vld.idx.msk [tilespmem:v46+s14+$0x0], $0xffff  }
0x79: {  	v21 =	vor.u32 $0xA, v40;
	v56 =	vor.u32 $0x6, v20;
	v62 =	vmul.f32 v47, v47;
	v37 =	vld.idx.msk [tilespmem:v55+s14+$0x0], $0xffff  }
0x7a: {  	v4 =	vor.u32 $0xF, v40;
	v9 =	vadd.f32 v58, v9;
	v34 =	vsub.f32 $0.0e+00, v34;
	v13 =	vld.idx.msk [tilespmem:v40+s14+$0x0], $0xffff  }
0x7b: {  	v57 =	vor.u32 $0x8, v20;
	v47 =	vmul.f32 v26, v26;
	v14 =	vadd.f32 v36, v62;
	v36 =	vld.idx.msk [tilespmem:v20+s14+$0x0], $0xffff  }
0x7c: {  	v49 =	vadd.f32 v33, v32;
	v44 =	vor.u32 $0x3, v20;
	v61 =	vor.u32 $0x7, v20;
	v30 =	vld.idx.msk [tilespmem:v53+s14+$0x0], $0xffff  }
0x7d: {  	v59 =	vor.u32 $0x9, v20;
	v34 =	vmul.f32 $1.442695020e+00, v34;
	v51 =	vadd.f32 v47, v9;
	v9 =	vld.idx.msk [tilespmem:v25+s14+$0x0], $0xffff  }
0x7e: {  	s8 =	simm.s32 $0x30;
	v63 =	vor.u32 $0xC, v20;
	v54 =	vor.u32 $0xB, v20;
	v26 =	vadd.f32 v29, v49;
	v31 =	vld.idx.msk [tilespmem:v56+s14+$0x0], $0xffff  }
0x7f: {  	v52 =	vmov s8;
	v29 =	vor.u32 $0xE, v20;
	(erf) = vpow2.f32 v34;
	v55 =	vld [tilespmem:$0x1FFF0]  }
0x80: {  	v16 =	vshll.u32 v52, $0x4;
	v42 =	vld.idx.msk [tilespmem:v57+s14+$0x0], $0xffff;
	v26 =	vadd.f32 v2, v26;
	v47 =	vsub.f32 $0.0e+00, v6  }
0x81: {  	v45 =	vld.idx.msk [tilespmem:v61+s14+$0x0], $0xffff;
	v61 =	vmul.f32 v8, v8;
	v19 =	vadd.f32 v38, v19;
	v35 =	vadd.f32 v35, v60  }
0x82: {  	v50 =	vor.u32 $0xD, v20;
	v2 =	vld.idx.msk [tilespmem:v48+s14+$0x0], $0xffff;
	v53 =	vadd.f32 v28, v14;
	v33 =	vsub.f32 $0.0e+00, v51  }
0x83: {  	v46 =	vor.u32 $0xA, v20;
	v8 =	vld.idx.msk [tilespmem:v21+s14+$0x0], $0xffff;
	v62 =	vsub.f32 $0.0e+00, v26;
	v22 =	vadd.f32 v61, v22  }
0x84: {  	v20 =	vor.u32 $0xF, v20;
	v18 =	vld.idx.msk [tilespmem:v63+s14+$0x0], $0xffff;
	v19 =	vsub.f32 $0.0e+00, v19;
	v58 =	vsub.f32 $0.0e+00, v35  }
0x85: {  	v6 =	vld.idx.msk [tilespmem:v17+s14+$0x0], $0xffff;
	v25 =	vadd.f32 v10, v53;
	v33 =	vmul.f32 $1.442695020e+00, v33;
	v3 =	vadd.f32 v3, v22  }
0x86: {  	v14 =	vld.idx.msk [tilespmem:v39+s14+$0x0], $0xffff;
	v21 =	vmul.f32 $1.442695020e+00, v62;
	v63 =	vsub.f32 v0, v27;
	v43 =	vsub.f32 v1, v43  }
0x87: {  	v39 =	vor.u32 v55, v16;
	v32 =	vld.idx.msk [tilespmem:v50+s14+$0x0], $0xffff;
	v36 =	vsub.f32 v13, v36;
	v50 =	vsub.f32 v7, v37  }
0x88: {  	v35 =	vld.idx.msk [tilespmem:v59+s14+$0x0], $0xffff;
	v27 =	vmul.f32 $1.442695020e+00, v47;
	v30 =	vsub.f32 v5, v30;
	v31 =	vsub.f32 v9, v31  }
0x89: {  	v10 =	vld.idx.msk [tilespmem:v41+s14+$0x0], $0xffff;
	v62 =	vsub.f32 v2, v45;
	v18 =	vsub.f32 v12, v18;
	v19 =	vmul.f32 $1.442695020e+00, v19  }
0x8a: {  	v41 =	vld.idx.msk [tilespmem:v44+s14+$0x0], $0xffff;
	v56 =	vor.u32 $0x1, v39;
	v57 =	vor.u32 $0x4, v39;
	v38 =	vor.u32 $0x2, v39  }
0x8b: {  	v16 =	vld.idx.msk [tilespmem:v24+s14+$0x0], $0xffff;
	v59 =	vor.u32 $0x5, v39;
	v24 =	vmul.f32 $1.442695020e+00, v58;
	v44 =	vor.u32 $0x6, v39  }
0x8c: {  	v28 =	vld.idx.msk [tilespmem:v54+s14+$0x0], $0xffff;
	v60 =	vsub.f32 $0.0e+00, v25;
	v26 =	vor.u32 $0x8, v39;
	v25 =	vor.u32 $0x3, v39  }
0x8d: {  	v29 =	vld.idx.msk [tilespmem:v29+s14+$0x0], $0xffff;
	v40 =	vor.u32 $0xA, v39;
	v3 =	vsub.f32 $0.0e+00, v3;
	v22 =	vmul.f32 v63, v63  }
0x8e: {  	v15 =	vld.idx.msk [tilespmem:v15+s14+$0x0], $0xffff;
	v54 =	vor.u32 $0xC, v39;
	v52 =	vmul.f32 v36, v36;
	v43 =	vmul.f32 v43, v43  }
0x8f: {  	v53 =	vld [tilespmem:s28+$0xFFFFFFE0];
	v61 =	vor.u32 $0xE, v39;
	v30 =	vmul.f32 v30, v30;
	(erf) = vpow2.f32 v19  }
0x90: {  	v46 =	vld.idx.msk [tilespmem:v46+s14+$0x0], $0xffff;
	v42 =	vsub.f32 v14, v42;
	v31 =	vmul.f32 v31, v31;
	v18 =	vmul.f32 v18, v18  }
0x91: {  	v28 =	vsub.f32 v6, v28;
	v3 =	vmul.f32 $1.442695020e+00, v3;
	(erf) = vpow2.f32 v24  }
0x92: {  	v29 =	vsub.f32 v11, v29;
	v24 =	vmul.f32 $1.442695020e+00, v60;
	v22 =	vadd.f32 v22, v52  }
0x93: {  	v60 =	vor.u32 $0xB, v39;
	v41 =	vsub.f32 v10, v41;
	(erf) = vpow2.f32 v33  }
0x94: {  	vm0 =	veq.s32 v53, $0xFFFFFFFF;
	v33 =	vmul.f32 v50, v50;
	v35 =	vsub.f32 v16, v35;
	v55 =	vld.idx.msk [tilespmem:v56+s14+$0x0], $0xffff  }
0x95: {  	v63 =	vsub.f32 v8, v46;
	v32 =	vsub.f32 v15, v32;
	v50 =	vmul.f32 v29, v29;
	v19 =	vld.idx.msk [tilespmem:v57+s14+$0x0], $0xffff  }
0x96: {  	(erf) = vpow2.f32 v24;
	v23 =	vld.idx.msk [tilespmem:v59+s14+$0x0], $0xffff;
	v22 =	vadd.f32 v30, v22;
	v41 =	vmul.f32 v41, v41  }
0x97: {  	v48 =	vpop (erf);
	v24 =	vor.u32 $0x9, v39;
	v56 =	vor.u32 $0xD, v39;
	v59 =	vld.idx.msk [tilespmem:v39+s14+$0x0], $0xffff;
	v33 =	vadd.f32 v33, v43  }
0x98: {  	v38 =	vld.idx.msk [tilespmem:v38+s14+$0x0], $0xffff;
	(erf) = vpow2.f32 v21;
	v32 =	vmul.f32 v32, v32;
	v22 =	vadd.f32 v41, v22;
	v49 =	vpop (erf)  }
0x99: {  	v44 =	vld.idx.msk [tilespmem:v44+s14+$0x0], $0xffff;
	v21 =	vor.u32 $0x7, v39;
	v31 =	vadd.f32 v31, v33;
	v17 =	vadd.f32 v49, v48  }
0x9a: {  	v26 =	vld.idx.msk [tilespmem:v26+s14+$0x0], $0xffff;
	v35 =	vmul.f32 v35, v35;
	v18 =	vadd.f32 v32, v18;
	v22 =	vsub.f32 $0.0e+00, v22;
	v51 =	vpop (erf)  }
0x9b: {  	v25 =	vld.idx.msk [tilespmem:v25+s14+$0x0], $0xffff;
	(erf) = vpow2.f32 v27;
	v0 =	vsub.f32 v0, v55;
	v17 =	vadd.f32 v51, v17  }
0x9c: {  	v29 =	vld.idx.msk [tilespmem:v54+s14+$0x0], $0xffff;
	v1 =	vsub.f32 v1, v19;
	v7 =	vsub.f32 v7, v23;
	(erf) = vpow2.f32 v3;
	v3 =	vpop (erf)  }
0x9d: {  	v13 =	vsub.f32 v13, v59;
	v3 =	vadd.f32 v3, v17;
	v17 =	vld.idx.msk [tilespmem:v4+s14+$0x0], $0xffff;
	v4 =	vmul.f32 v42, v42  }
0x9e: {  	v20 =	vld.idx.msk [tilespmem:v20+s14+$0x0], $0xffff;
	v39 =	vor.u32 $0xF, v39;
	v27 =	vadd.f32 v50, v18;
	v5 =	vsub.f32 v5, v38  }
0x9f: {  	v46 =	vmul.f32 v63, v63;
	v32 =	vld.idx.msk [tilespmem:v40+s14+$0x0], $0xffff;
	v9 =	vsub.f32 v9, v44;
	v35 =	vadd.f32 v35, v4  }
0xa0: {  	s9 =	simm.s32 $0x2020;
	v33 =	vld.idx.msk [tilespmem:v61+s14+$0x0], $0xffff;
	v14 =	vsub.f32 v14, v26;
	v10 =	vsub.f32 v10, v25;
	v61 =	vmul.f32 $1.442695020e+00, v22  }
0xa1: {  	v30 =	vld.idx.msk [tilespmem:v60+s14+$0x0], $0xffff;
	v48 =	vmul.f32 v28, v28;
	v49 =	vadd.f32 v46, v35;
	v35 =	vmov s9  }
0xa2: {  	v29 =	vsub.f32 v12, v29;
	v36 =	vld.idx.msk [tilespmem:v21+s14+$0x0], $0xffff;
	v0 =	vmul.f32 v0, v0;
	v54 =	vmul.f32 v1, v1  }
0xa3: {  	v24 =	vld.idx.msk [tilespmem:v24+s14+$0x0], $0xffff;
	v13 =	vmul.f32 v13, v13;
	v51 =	vor.u32 $0xF, v35;
	v20 =	vsub.f32 v17, v20  }
0xa4: {  	v23 =	vld.idx.msk [tilespmem:v56+s14+$0x0], $0xffff;
	v7 =	vmul.f32 v7, v7;
	v63 =	vmul.f32 v5, v5;
	v52 =	vor.u32 $0xB, v35  }
0xa5: {  	v39 =	vld.idx.msk [tilespmem:v39+s14+$0x0], $0xffff;
	v10 =	vmul.f32 v10, v10;
	v53 =	vor.u32 $0xE, v35;
	v59 =	vmul.f32 v20, v20  }
0xa6: {  	v29 =	vmul.f32 v29, v29;
	v32 =	vsub.f32 v8, v32;
	v55 =	vor.u32 $0x3, v35;
	v1 =	vld.idx.msk [tilespmem:v35+s14+$0x0], $0xffff  }
0xa7: {  	v56 =	vor.u32 $0x7, v35;
	v26 =	vadd.f32 v59, v27;
	v59 =	vsub.f32 v2, v36;
	v2 =	vld [tilespmem:$0x1FFF0]  }
0xa8: {  	v6 =	vsub.f32 v6, v30;
	v11 =	vsub.f32 v11, v33;
	v57 =	vpop (erf);
	v5 =	vor.u32 $0x6, v35;
	v18 =	vld.idx.msk [tilespmem:v51+s14+$0x0], $0xffff  }
0xa9: {  	(erf) = vpow2.f32 v61;
	v0 =	vadd.f32 v0, v13;
	v50 =	vadd.f32 v7, v54;
	v58 =	vpop (erf);
	v19 =	vld.idx.msk [tilespmem:v52+s14+$0x0], $0xffff  }
0xaa: {  	v54 =	vmul.f32 v14, v14;
	v43 =	vadd.f32 v58, v57;
	v57 =	vor.u32 $0xA, v35;
	v21 =	vld.idx.msk [tilespmem:v53+s14+$0x0], $0xffff  }
0xab: {  	v24 =	vsub.f32 v16, v24;
	v23 =	vsub.f32 v15, v23;
	v58 =	vor.u32 $0xC, v35;
	v22 =	vld.idx.msk [tilespmem:v55+s14+$0x0], $0xffff  }
0xac: {  	v32 =	vmul.f32 v32, v32;
	v6 =	vmul.f32 v6, v6;
	v60 =	vor.u32 $0xD, v35;
	v20 =	vld.idx.msk [tilespmem:v56+s14+$0x0], $0xffff  }
0xad: {  	v11 =	vmul.f32 v11, v11;
	v42 =	vmul.f32 v62, v62;
	v62 =	vor.u32 $0x2, v35;
	v14 =	vld.idx.msk [tilespmem:v5+s14+$0x0], $0xffff  }
0xae: {  	v0 =	vadd.f32 v63, v0;
	v28 =	vadd.f32 v48, v49;
	v49 =	vor.u32 $0x8, v35;
	v5 =	vld [tilespmem:$0x1FFF0]  }
0xaf: {  	v24 =	vmul.f32 v24, v24;
	v23 =	vmul.f32 v23, v23;
	v16 =	vld.idx.msk [tilespmem:v57+s14+$0x0], $0xffff;
	v51 =	vor.u32 $0x9, v35  }
0xb0: {  	s11 =	simm.s32 $0x50;
	s25 =	simm.s32 $0x40;
	v31 =	vadd.f32 v42, v31;
	v13 =	vld.idx.msk [tilespmem:v58+s14+$0x0], $0xffff;
	v52 =	vmul.f32 v9, v9;
	v53 =	vor.u32 $0x1, v35  }
0xb1: {  	v7 =	vld.idx.msk [tilespmem:v60+s14+$0x0], $0xffff;
	v55 =	vmov s11;
	v56 =	vor.u32 $0x4, v35;
	v57 =	vmov s25  }
0xb2: {  	v9 =	vld.idx.msk [tilespmem:v62+s14+$0x0], $0xffff;
	v35 =	vor.u32 $0x5, v35;
	v58 =	vshll.u32 v55, $0x4;
	v44 =	vshll.u32 v57, $0x4  }
0xb3: {  	v0 =	vadd.f32 v10, v0;
	v36 =	vor.u32 v2, v44;
	v45 =	vor.u32 v5, v58;
	v5 =	vld.idx.msk [tilespmem:v49+s14+$0x0], $0xffff  }
0xb4: {  	v3 =	vmul.f32 $2.500000000e-01, v3;
	v24 =	vadd.f32 v24, v54;
	v23 =	vadd.f32 v23, v29;
	v2 =	vld.idx.msk [tilespmem:v51+s14+$0x0], $0xffff  }
0xb5: {  	v31 =	vsub.f32 $0.0e+00, v31;
	v0 =	vsub.f32 $0.0e+00, v0;
	v8 =	vld.idx.msk [tilespmem:v53+s14+$0x0], $0xffff;
	v57 =	vor.u32 $0xF, v36  }
0xb6: {  	v4 =	vpop (erf);
	v48 =	vsub.f32 $0.0e+00, v28;
	v28 =	vmul.f32 v59, v59;
	v12 =	vld.idx.msk [tilespmem:v56+s14+$0x0], $0xffff;
	v59 =	vor.u32 $0xB, v36  }
0xb7: {  	v4 =	vadd.f32 v4, v43;
	v31 =	vmul.f32 $1.442695020e+00, v31;
	v15 =	vld.idx.msk [tilespmem:v35+s14+$0x0], $0xffff;
	v60 =	vor.u32 $0xF, v45  }
0xb8: {  	v24 =	vadd.f32 v32, v24;
	v17 =	vsub.f32 v17, v39;
	v61 =	vor.u32 $0xB, v45;
	v38 =	vld.idx.msk [tilespmem:v36+s14+$0x0], $0xffff  }
0xb9: {  	(erf) = vpow2.f32 v31;
	v34 =	vadd.f32 v52, v50;
	v62 =	vor.u32 $0xE, v45;
	v37 =	vld.idx.msk [tilespmem:v45+s14+$0x0], $0xffff  }
0xba: {  	v27 =	vmul.f32 $1.442695020e+00, v48;
	v26 =	vsub.f32 $0.0e+00, v26;
	v63 =	vor.u32 $0x3, v45;
	v43 =	vld.idx.msk [tilespmem:v57+s14+$0x0], $0xffff  }
0xbb: {  	v6 =	vadd.f32 v6, v24;
	v51 =	vadd.f32 v28, v34;
	v46 =	vor.u32 $0x7, v45;
	v28 =	vld.idx.msk [tilespmem:v59+s14+$0x0], $0xffff  }
0xbc: {  	(erf) = vpow2.f32 v27;
	v10 =	vmul.f32 $1.442695020e+00, v26;
	v47 =	vor.u32 $0xA, v45;
	v25 =	vld.idx.msk [tilespmem:v60+s14+$0x0], $0xffff  }
0xbd: {  	v11 =	vadd.f32 v11, v23;
	v17 =	vmul.f32 v17, v17;
	v48 =	vor.u32 $0xC, v45;
	v30 =	vld.idx.msk [tilespmem:v61+s14+$0x0], $0xffff  }
0xbe: {  	v6 =	vsub.f32 $0.0e+00, v6;
	(erf) = vpow2.f32 v10;
	v49 =	vor.u32 $0xD, v45;
	v35 =	vld.idx.msk [tilespmem:v62+s14+$0x0], $0xffff  }
0xbf: {  	v3 =	vsel vm0, $0x0, v3;
	v0 =	vmul.f32 $1.442695020e+00, v0;
	v50 =	vor.u32 $0x2, v45;
	v40 =	vld.idx.msk [tilespmem:v63+s14+$0x0], $0xffff  }
0xc0: {  	v54 =	vpop (erf);
	v11 =	vadd.f32 v17, v11;
	v6 =	vmul.f32 $1.442695020e+00, v6;
	v10 =	vor.u32 $0x1, v45;
	v34 =	vld.idx.msk [tilespmem:v46+s14+$0x0], $0xffff  }
0xc1: {  	v56 =	vpop (erf);
	v52 =	vor.u32 $0x6, v45;
	v53 =	vor.u32 $0x8, v45;
	v55 =	vor.u32 $0x4, v45;
	v41 =	vld.idx.msk [tilespmem:v47+s14+$0x0], $0xffff  }
0xc2: {  	(erf) = vpow2.f32 v0;
	v0 =	vadd.f32 v54, v4;
	v27 =	vsub.f32 $0.0e+00, v51;
	v58 =	vpop (erf);
	v29 =	vld.idx.msk [tilespmem:v48+s14+$0x0], $0xffff  }
0xc3: {  	v54 =	vsub.f32 $0.0e+00, v11;
	v23 =	vadd.f32 v58, v56;
	v56 =	vor.u32 $0x2, v36;
	v33 =	vld.idx.msk [tilespmem:v49+s14+$0x0], $0xffff  }
0xc4: {  	v58 =	vor.u32 $0x1, v36;
	v27 =	vmul.f32 $1.442695020e+00, v27;
	v26 =	vld.idx.msk [tilespmem:v50+s14+$0x0], $0xffff;
	v60 =	vor.u32 $0xE, v36  }
0xc5: {  	v57 =	vor.u32 $0x6, v36;
	v59 =	vor.u32 $0x4, v36;
	v44 =	vld.idx.msk [tilespmem:v10+s14+$0x0], $0xffff;
	v10 =	vor.u32 $0x3, v36;
	v62 =	vpop (erf)  }
0xc6: {  	v24 =	vld.idx.msk [tilespmem:v52+s14+$0x0], $0xffff;
	v61 =	vor.u32 $0x7, v36;
	v63 =	vor.u32 $0x5, v45;
	v23 =	vadd.f32 v62, v23  }
0xc7: {  	v32 =	vld.idx.msk [tilespmem:v53+s14+$0x0], $0xffff;
	(erf) = vpow2.f32 v27;
	v52 =	vor.u32 $0xA, v36;
	v53 =	vor.u32 $0xC, v36;
	v4 =	vpop (erf)  }
0xc8: {  	v39 =	vld.idx.msk [tilespmem:v55+s14+$0x0], $0xffff;
	(erf) = vpow2.f32 v6;
	v38 =	vsub.f32 v1, v38;
	v6 =	vadd.f32 v4, v23  }
0xc9: {  	v46 =	vor.u32 $0x9, v45;
	v37 =	vsub.f32 v1, v37;
	v28 =	vsub.f32 v19, v28;
	v42 =	vld.idx.msk [tilespmem:v60+s14+$0x0], $0xffff  }
0xca: {  	v48 =	vor.u32 $0x9, v36;
	v55 =	vld.idx.msk [tilespmem:v10+s14+$0x0], $0xffff;
	v1 =	vsub.f32 v18, v25;
	v25 =	vsub.f32 v18, v43  }
0xcb: {  	v62 =	vor.u32 $0x8, v36;
	v49 =	vld.idx.msk [tilespmem:v61+s14+$0x0], $0xffff;
	v11 =	vsub.f32 v19, v30;
	v10 =	vsub.f32 v21, v35  }
0xcc: {  	v4 =	vor.u32 $0xD, v36;
	v47 =	vld.idx.msk [tilespmem:v63+s14+$0x0], $0xffff;
	v35 =	vsub.f32 v22, v40;
	v17 =	vsub.f32 v20, v34  }
0xcd: {  	v27 =	vld.idx.msk [tilespmem:v52+s14+$0x0], $0xffff;
	v60 =	vor.u32 $0x5, v36;
	v41 =	vsub.f32 v16, v41;
	v29 =	vsub.f32 v13, v29  }
0xce: {  	s26 =	simm.s32 $0x2030;
	v31 =	vld.idx.msk [tilespmem:v53+s14+$0x0], $0xffff;
	v63 =	vmul.f32 $1.442695020e+00, v54;
	v50 =	vsub.f32 v7, v33;
	v24 =	vsub.f32 v14, v24  }
0xcf: {  	v18 =	vld.idx.msk [tilespmem:v57+s14+$0x0], $0xffff;
	v33 =	vmov s26;
	v53 =	vsub.f32 v8, v44;
	v39 =	vsub.f32 v12, v39  }
0xd0: {  	v19 =	vld.idx.msk [tilespmem:v58+s14+$0x0], $0xffff;
	v57 =	vsub.f32 v5, v32;
	v58 =	vmul.f32 v38, v38;
	v34 =	vor.u32 $0x1, v33  }
0xd1: {  	v52 =	vld.idx.msk [tilespmem:v46+s14+$0x0], $0xffff;
	v40 =	vor.u32 $0x4, v33;
	v43 =	vor.u32 $0x5, v33;
	v36 =	vor.u32 $0x3, v33  }
0xd2: {  	v51 =	vld.idx.msk [tilespmem:v62+s14+$0x0], $0xffff;
	v38 =	vor.u32 $0x9, v33;
	(erf) = vpow2.f32 v63;
	v62 =	vmul.f32 v57, v57  }
0xd3: {  	v54 =	vld.idx.msk [tilespmem:v48+s14+$0x0], $0xffff;
	v45 =	vor.u32 $0xA, v33;
	v57 =	vmul.f32 v25, v25;
	v24 =	vmul.f32 v24, v24  }
0xd4: {  	v35 =	vmul.f32 v35, v35;
	v21 =	vsub.f32 v21, v42;
	v22 =	vsub.f32 v22, v55  }
0xd5: {  	v61 =	vld.idx.msk [tilespmem:v56+s14+$0x0], $0xffff;
	v17 =	vmul.f32 v17, v17;
	v20 =	vsub.f32 v20, v49;
	v16 =	vsub.f32 v16, v27  }
0xd6: {  	v10 =	vmul.f32 v10, v10;
	v4 =	vld.idx.msk [tilespmem:v4+s14+$0x0], $0xffff;
	v31 =	vsub.f32 v13, v31;
	v14 =	vsub.f32 v14, v18  }
0xd7: {  	v49 =	vld.idx.msk [tilespmem:v59+s14+$0x0], $0xffff;
	v8 =	vsub.f32 v8, v19;
	v27 =	vor.u32 $0x2, v33;
	v59 =	vsub.f32 v2, v52  }
0xd8: {  	v23 =	vld.idx.msk [tilespmem:v60+s14+$0x0], $0xffff;
	v2 =	vsub.f32 v2, v54;
	v60 =	vmul.f32 v29, v29;
	v54 =	vmul.f32 v39, v39  }
0xd9: {  	v5 =	vsub.f32 v5, v51;
	v51 =	vmul.f32 v53, v53;
	v8 =	vmul.f32 v8, v8  }
0xda: {  	v55 =	vsub.f32 v15, v47;
	v63 =	vmul.f32 v59, v59;
	v14 =	vmul.f32 v14, v14  }
0xdb: {  	v2 =	vmul.f32 v2, v2;
	v22 =	vmul.f32 v22, v22;
	v4 =	vsub.f32 v7, v4  }
0xdc: {  	v31 =	vmul.f32 v31, v31;
	v7 =	vsub.f32 v9, v26;
	v9 =	vsub.f32 v9, v61  }
0xdd: {  	v47 =	vmul.f32 v20, v20;
	v12 =	vsub.f32 v12, v49;
	v56 =	vsub.f32 v15, v23  }
0xde: {  	v29 =	vor.u32 $0x7, v33;
	v48 =	vmul.f32 v21, v21;
	v9 =	vmul.f32 v9, v9  }
0xdf: {  	v8 =	vadd.f32 v8, v58;
	v12 =	vmul.f32 v12, v12;
	v13 =	vmul.f32 v56, v56  }
0xe0: {  	v19 =	vor.u32 $0xC, v33;
	v61 =	vmul.f32 v50, v50;
	v4 =	vmul.f32 v4, v4  }
0xe1: {  	v23 =	vor.u32 $0x6, v33;
	v8 =	vadd.f32 v9, v8;
	v12 =	vadd.f32 v13, v12  }
0xe2: {  	v30 =	vadd.f32 v61, v60;
	v58 =	vmul.f32 v7, v7;
	v7 =	vld.idx.msk [tilespmem:v43+s14+$0x0], $0xffff;
	v4 =	vadd.f32 v4, v31  }
0xe3: {  	v5 =	vmul.f32 v5, v5;
	v9 =	vadd.f32 v14, v12;
	v12 =	vadd.f32 v22, v8;
	v8 =	vld [tilespmem:$0x1FFF0]  }
0xe4: {  	v26 =	vor.u32 $0x8, v33;
	v32 =	vadd.f32 v63, v62;
	v30 =	vadd.f32 v10, v30;
	v10 =	vld.idx.msk [tilespmem:v36+s14+$0x0], $0xffff  }
0xe5: {  	s25 =	simm.s32 $0x4640;
	s26 =	simm.s32 $0x60;
	v50 =	vmul.f32 v37, v37;
	v20 =	vadd.f32 v48, v4;
	v4 =	vld [tilespmem:s28+$0x0];
	v9 =	vadd.f32 v47, v9  }
0xe6: {  	v2 =	vadd.f32 v2, v5;
	v5 =	vmov s26;
	[tilespmem:s25+$0xFFFFFFE0] =	vst v3;
	v14 =	vld.idx.msk [tilespmem:v23+s14+$0x0], $0xffff;
	v12 =	vsub.f32 $0.0e+00, v12  }
0xe7: {  	v5 =	vshll.u32 v5, $0x4;
	v3 =	vld [tilespmem:s28+$0xFFFFFFF0];
	v60 =	vadd.f32 v57, v20;
	v9 =	vsub.f32 $0.0e+00, v9  }
0xe8: {  	v43 =	vld [tilespmem:$0x1FFF0];
	v12 =	vmul.f32 $1.442695020e+00, v12;
	v22 =	vor.u32 v8, v5;
	v5 =	vmul.f32 v16, v16  }
0xe9: {  	v16 =	vsub.f32 $0.0e+00, v60;
	v46 =	vor.u32 $0x1, v22;
	v63 =	vmul.f32 $1.442695020e+00, v9;
	v9 =	vld.idx.msk [tilespmem:v33+s14+$0x0], $0xffff  }
0xea: {  	(erf) = vpow2.f32 v12;
	v12 =	vld.idx.msk [tilespmem:v27+s14+$0x0], $0xffff;
	v2 =	vadd.f32 v5, v2;
	v5 =	vmul.f32 v28, v28  }
0xeb: {  	v21 =	vadd.f32 v51, v50;
	v49 =	vor.u32 $0x4, v22;
	v57 =	vmul.f32 $1.442695020e+00, v16;
	v16 =	vld.idx.msk [tilespmem:v38+s14+$0x0], $0xffff  }
0xec: {  	v55 =	vmul.f32 v55, v55;
	v53 =	vor.u32 $0x5, v22;
	v52 =	vadd.f32 v5, v2;
	v2 =	vld.idx.msk [tilespmem:v34+s14+$0x0], $0xffff  }
0xed: {  	v18 =	vor.u32 $0xD, v33;
	v15 =	vor.u32 $0xE, v33;
	v62 =	vadd.f32 v58, v21;
	v5 =	vld.idx.msk [tilespmem:v40+s14+$0x0], $0xffff  }
0xee: {  	v56 =	vor.u32 $0x2, v22;
	v34 =	vadd.f32 v55, v54;
	v54 =	vmul.f32 v11, v11;
	v11 =	vld.idx.msk [tilespmem:v26+s14+$0x0], $0xffff  }
0xef: {  	v13 =	vor.u32 $0xB, v33;
	v47 =	vmul.f32 v41, v41;
	v59 =	vor.u32 $0x6, v22;
	v42 =	vld.idx.msk [tilespmem:v46+s14+$0x0], $0xffff  }
0xf0: {  	v50 =	vadd.f32 v35, v62;
	v61 =	vor.u32 $0x8, v22;
	v40 =	vld.idx.msk [tilespmem:v49+s14+$0x0], $0xffff;
	v24 =	vadd.f32 v24, v34  }
0xf1: {  	v58 =	vpop (erf);
	v32 =	vadd.f32 v47, v32;
	v21 =	vor.u32 $0x3, v22;
	v25 =	vld.idx.msk [tilespmem:v53+s14+$0x0], $0xffff;
	v49 =	vsub.f32 $0.0e+00, v52  }
0xf2: {  	v60 =	vpop (erf);
	v55 =	vsub.f32 $0.0e+00, v50;
	v46 =	vor.u32 $0x9, v22;
	v34 =	vld.idx.msk [tilespmem:v22+s14+$0x0], $0xffff;
	v17 =	vadd.f32 v17, v24  }
0xf3: {  	v48 =	vor.u32 $0x7, v22;
	v20 =	vadd.f32 v60, v58;
	v28 =	vld.idx.msk [tilespmem:v56+s14+$0x0], $0xffff;
	v53 =	vmul.f32 $1.442695020e+00, v49  }
0xf4: {  	(erf) = vpow2.f32 v63;
	v39 =	vld.idx.msk [tilespmem:v59+s14+$0x0], $0xffff;
	v23 =	vmul.f32 $1.442695020e+00, v55;
	v17 =	vsub.f32 $0.0e+00, v17  }
0xf5: {  	v51 =	vor.u32 $0xA, v22;
	v62 =	vpop (erf);
	v31 =	vld.idx.msk [tilespmem:v61+s14+$0x0], $0xffff;
	v61 =	vmul.f32 v1, v1;
	(erf) = vpow2.f32 v53  }
0xf6: {  	v20 =	vadd.f32 v62, v20;
	v21 =	vld.idx.msk [tilespmem:v21+s14+$0x0], $0xffff;
	v1 =	vpop (erf);
	(erf) = vpow2.f32 v57;
	v17 =	vmul.f32 $1.442695020e+00, v17  }
0xf7: {  	vm1 =	veq.s32 v4, $0xFFFFFFFF;
	v8 =	vor.u32 $0xF, v33;
	v59 =	vld.idx.msk [tilespmem:v46+s14+$0x0], $0xffff;
	[tilespmem:$0x1FFB0] =	vst v1;
	(erf) = vpow2.f32 v23  }
0xf8: {  	s31 =	simm.s32 $0x70;
	vm15 =	veq.s32 v3, $0xFFFFFFFF;
	v52 =	vor.u32 $0xC, v22;
	(erf) = vpow2.f32 v17;
	v17 =	vld.idx.msk [tilespmem:v29+s14+$0x0], $0xffff;
	[tilespmem:$0x1FFC0] =	vst v20  }
0xf9: {  	v38 =	vor.u32 $0xB, v22;
	v56 =	vmov s31;
	v27 =	vadd.f32 v54, v32;
	v47 =	vld.idx.msk [tilespmem:v48+s14+$0x0], $0xffff  }
0xfa: {  	v63 =	vor.u32 $0xE, v22;
	v26 =	vshll.u32 v56, $0x4;
	v44 =	vadd.f32 v61, v30;
	v20 =	vld.idx.msk [tilespmem:v45+s14+$0x0], $0xffff  }
0xfb: {  	v24 =	vor.u32 $0xD, v22;
	v27 =	vsub.f32 $0.0e+00, v27;
	v49 =	vsub.f32 v5, v40;
	v35 =	vld.idx.msk [tilespmem:v51+s14+$0x0], $0xffff  }
0xfc: {  	v1 =	vor.u32 v43, v26;
	v26 =	vsub.f32 $0.0e+00, v44;
	v34 =	vsub.f32 v9, v34;
	v19 =	vld.idx.msk [tilespmem:v19+s14+$0x0], $0xffff  }
0xfd: {  	v22 =	vor.u32 $0xF, v22;
	v25 =	vsub.f32 v7, v25;
	v28 =	vsub.f32 v12, v28;
	v33 =	vld.idx.msk [tilespmem:v52+s14+$0x0], $0xffff  }
0xfe: {  	v27 =	vmul.f32 $1.442695020e+00, v27;
	v39 =	vsub.f32 v14, v39;
	v31 =	vsub.f32 v11, v31;
	v18 =	vld.idx.msk [tilespmem:v18+s14+$0x0], $0xffff  }
0xff: {  	v21 =	vsub.f32 v10, v21;
	v53 =	vor.u32 $0x1, v1;
	v56 =	vor.u32 $0x4, v1;
	v54 =	vld [tilespmem:s26+$0xFFFFFFE0]  }
0x100: {  	v58 =	vor.u32 $0x5, v1;
	v26 =	vmul.f32 $1.442695020e+00, v26;
	v36 =	vmul.f32 v49, v49;
	v24 =	vld.idx.msk [tilespmem:v24+s14+$0x0], $0xffff  }
0x101: {  	v61 =	vor.u32 $0x2, v1;
	v34 =	vmul.f32 v34, v34;
	v25 =	vmul.f32 v25, v25;
	v13 =	vld.idx.msk [tilespmem:v13+s14+$0x0], $0xffff  }
0x102: {  	v46 =	vpop (erf);
	v62 =	vor.u32 $0x6, v1;
	v28 =	vmul.f32 v28, v28;
	v39 =	vmul.f32 v39, v39;
	v38 =	vld.idx.msk [tilespmem:v38+s14+$0x0], $0xffff  }
0x103: {  	v50 =	vpop (erf);
	v31 =	vmul.f32 v31, v31;
	v21 =	vmul.f32 v21, v21;
	v48 =	vsub.f32 v2, v42;
	v15 =	vld.idx.msk [tilespmem:v15+s14+$0x0], $0xffff  }
0x104: {  	v29 =	vadd.f32 v50, v46;
	v46 =	vor.u32 $0x9, v1;
	v25 =	vadd.f32 v25, v36;
	v32 =	vld.idx.msk [tilespmem:v63+s14+$0x0], $0xffff  }
0x105: {  	v50 =	vor.u32 $0x3, v1;
	v8 =	vld.idx.msk [tilespmem:v8+s14+$0x0], $0xffff;
	v59 =	vsub.f32 v16, v59;
	v30 =	vmul.f32 v48, v48  }
0x106: {  	(erf) = vpow2.f32 v27;
	v45 =	vor.u32 $0x8, v1;
	v22 =	vld.idx.msk [tilespmem:v22+s14+$0x0], $0xffff;
	v25 =	vadd.f32 v39, v25;
	v51 =	vpop (erf)  }
0x107: {  	v44 =	vld.idx.msk [tilespmem:v1+s14+$0x0], $0xffff;
	v40 =	vmul.f32 v59, v59;
	v30 =	vadd.f32 v30, v34;
	v27 =	vadd.f32 v51, v29  }
0x108: {  	(erf) = vpow2.f32 v26;
	v23 =	vsub.f32 v17, v47;
	v35 =	vsub.f32 v20, v35  }
0x109: {  	v36 =	vld.idx.msk [tilespmem:v58+s14+$0x0], $0xffff;
	v59 =	vor.u32 $0xB, v1;
	v33 =	vsub.f32 v19, v33;
	v31 =	vadd.f32 v40, v31  }
0x10a: {  	v49 =	vld.idx.msk [tilespmem:v61+s14+$0x0], $0xffff;
	vm14 =	veq.s32 v54, $0xFFFFFFFF;
	v24 =	vsub.f32 v18, v24;
	v51 =	vsub.f32 v13, v38  }
0x10b: {  	v32 =	vsub.f32 v15, v32;
	v54 =	vor.u32 $0xA, v1;
	v22 =	vsub.f32 v8, v22  }
0x10c: {  	v52 =	vpop (erf);
	v28 =	vadd.f32 v28, v30;
	v9 =	vsub.f32 v9, v44;
	v23 =	vmul.f32 v23, v23  }
0x10d: {  	v34 =	vld.idx.msk [tilespmem:v56+s14+$0x0], $0xffff;
	v26 =	vadd.f32 v52, v27;
	v35 =	vmul.f32 v35, v35;
	v33 =	vmul.f32 v33, v33  }
0x10e: {  	v29 =	vld.idx.msk [tilespmem:v53+s14+$0x0], $0xffff;
	v55 =	vpop (erf);
	v24 =	vmul.f32 v24, v24;
	v52 =	vor.u32 $0x7, v1;
	v32 =	vmul.f32 v32, v32  }
0x10f: {  	v53 =	vld.idx.msk [tilespmem:v45+s14+$0x0], $0xffff;
	v7 =	vsub.f32 v7, v36;
	v12 =	vsub.f32 v12, v49;
	v22 =	vmul.f32 v22, v22;
	v57 =	vpop (erf)  }
0x110: {  	v3 =	vadd.f32 v21, v28;
	v9 =	vmul.f32 v9, v9;
	v27 =	vadd.f32 v57, v55  }
0x111: {  	v30 =	vld.idx.msk [tilespmem:v62+s14+$0x0], $0xffff;
	v26 =	vmul.f32 $2.500000000e-01, v26;
	v47 =	vadd.f32 v23, v25;
	v4 =	vadd.f32 v35, v31  }
0x112: {  	v24 =	vadd.f32 v24, v33;
	v5 =	vsub.f32 v5, v34;
	v31 =	vmul.f32 v51, v51  }
0x113: {  	v55 =	vor.u32 $0xC, v1;
	v57 =	vor.u32 $0xD, v1;
	v2 =	vsub.f32 v2, v29  }
0x114: {  	v60 =	vpop (erf);
	v7 =	vmul.f32 v7, v7;
	v11 =	vsub.f32 v11, v53;
	v3 =	vsub.f32 $0.0e+00, v3  }
0x115: {  	v58 =	vld.idx.msk [tilespmem:v50+s14+$0x0], $0xffff;
	v12 =	vmul.f32 v12, v12;
	v27 =	vadd.f32 v60, v27;
	v4 =	vadd.f32 v31, v4  }
0x116: {  	s29 =	simm.s32 $0x4680;
	v61 =	vld.idx.msk [tilespmem:v54+s14+$0x0], $0xffff;
	v26 =	vsel vm14, $0x0, v26;
	v56 =	vadd.f32 v32, v24;
	v14 =	vsub.f32 v14, v30  }
0x117: {  	v63 =	vpop (erf);
	v60 =	vor.u32 $0xE, v1;
	v21 =	vsub.f32 $0.0e+00, v47;
	v5 =	vmul.f32 v5, v5;
	[tilespmem:s29+$0xFFFFFFE0] =	vst v26;
	v26 =	vld.idx.msk [tilespmem:v46+s14+$0x0], $0xffff  }
0x118: {  	v1 =	vor.u32 $0xF, v1;
	v29 =	vld.idx.msk [tilespmem:v52+s14+$0x0], $0xffff;
	v2 =	vmul.f32 v2, v2;
	v27 =	vadd.f32 v63, v27  }
0x119: {  	v3 =	vmul.f32 $1.442695020e+00, v3;
	v48 =	vld [tilespmem:s26+$0xFFFFFFF0];
	v22 =	vadd.f32 v22, v56;
	v5 =	vadd.f32 v7, v5  }
0x11a: {  	v7 =	vsub.f32 v10, v58;
	v10 =	vmul.f32 $1.442695020e+00, v21;
	v14 =	vmul.f32 v14, v14;
	v62 =	vld.idx.msk [tilespmem:v55+s14+$0x0], $0xffff  }
0x11b: {  	v4 =	vsub.f32 $0.0e+00, v4;
	v2 =	vadd.f32 v2, v9;
	v9 =	vld.idx.msk [tilespmem:v57+s14+$0x0], $0xffff;
	(erf) = vpow2.f32 v3  }
0x11c: {  	v3 =	vld.idx.msk [tilespmem:v59+s14+$0x0], $0xffff;
	v20 =	vsub.f32 v20, v61;
	(erf) = vpow2.f32 v10;
	v5 =	vadd.f32 v14, v5  }
0x11d: {  	v4 =	vmul.f32 $1.442695020e+00, v4;
	v7 =	vmul.f32 v7, v7;
	v10 =	vld.idx.msk [tilespmem:v60+s14+$0x0], $0xffff;
	v2 =	vadd.f32 v12, v2  }
0x11e: {  	v11 =	vmul.f32 v11, v11;
	v16 =	vsub.f32 v16, v26;
	v17 =	vsub.f32 v17, v29  }
0x11f: {  	(erf) = vpow2.f32 v4;
	vm2 =	veq.s32 v48, $0xFFFFFFFF;
	v12 =	vadd.f32 v7, v2  }
0x120: {  	v7 =	vmul.f32 $2.500000000e-01, v0;
	v19 =	vsub.f32 v19, v62;
	v16 =	vmul.f32 v16, v16  }
0x121: {  	v9 =	vsub.f32 v18, v9;
	v3 =	vsub.f32 v13, v3;
	v4 =	vmul.f32 v17, v17  }
0x122: {  	v1 =	vld.idx.msk [tilespmem:v1+s14+$0x0], $0xffff;
	v0 =	vmul.f32 v20, v20;
	v11 =	vadd.f32 v16, v11;
	v10 =	vsub.f32 v15, v10  }
0x123: {  	v63 =	vadd.f32 v4, v5;
	v2 =	vmul.f32 v19, v19;
	v4 =	vmul.f32 v9, v9  }
0x124: {  	v5 =	vmul.f32 $2.500000000e-01, v6;
	v6 =	vmul.f32 $2.500000000e-01, v27;
	v9 =	vsub.f32 $0.0e+00, v22  }
0x125: {  	v0 =	vadd.f32 v0, v11;
	v2 =	vadd.f32 v4, v2;
	v4 =	vsel vm15, $0x0, v7  }
0x126: {  	v9 =	vmul.f32 $1.442695020e+00, v9;
	v7 =	vmul.f32 v3, v3;
	[tilespmem:s25+$0xFFFFFFF0] =	vst v4;
	v4 =	vsel vm1, $0x0, v5  }
0x127: {  	s30 =	simm.s32 $0x60;
	v5 =	vsel vm2, $0x0, v6;
	v6 =	vsub.f32 $0.0e+00, v63;
	[tilespmem:s25+$0x0] =	vst v4;
	v4 =	vsub.f32 v8, v1;
	v1 =	vld [tilespmem:s26+$0x0]  }
0x128: {  	s1 =	simm.s32 $0x60;
	s0 =	simm.s32 $0x2;
	v3 =	vpop (erf);
	v8 =	vmul.f32 v10, v10;
	[tilespmem:s29+$0xFFFFFFF0] =	vst v5;
	v5 =	vsub.f32 $0.0e+00, v12;
	(erf) = vpow2.f32 v9;
	v44 =	vld [tilespmem:s28+$0x10];
	s28 =	simm.s32 $0x4680  }
.LBB2_4:
0x129: {  	s31 =	sshll.u32 s0, $0x4  }
0x12a: {  	s8 =	sadd.s32 $0x2020, s31  }
0x12b: {  	v9 =	vmov s8  }
0x12c: {  	v2 =	vadd.f32 v8, v2;
	v8 =	vor.u32 $0xF, v9  }
0x12d: {  	v10 =	vor.u32 $0xB, v9  }
0x12e: {  	v0 =	vadd.f32 v7, v0;
	v7 =	vmul.f32 v4, v4;
	v11 =	vor.u32 $0xE, v9  }
0x12f: {  	v5 =	vmul.f32 $1.442695020e+00, v5;
	v15 =	vor.u32 $0x3, v9  }
0x130: {  	s31 =	sadd.s32 $0x2030, s31;
	v6 =	vmul.f32 $1.442695020e+00, v6;
	v16 =	vor.u32 $0x7, v9;
	v2 =	vadd.f32 v7, v2  }
0x131: {  	v31 =	vmov s31;
	v0 =	vsub.f32 $0.0e+00, v0;
	v17 =	vor.u32 $0xA, v9;
	v51 =	vld.idx.msk [tilespmem:v8+s14+$0x0], $0xffff  }
0x132: {  	v12 =	vor.u32 $0x7, v31;
	v20 =	vor.u32 $0xD, v9;
	v4 =	vpop (erf);
	v2 =	vsub.f32 $0.0e+00, v2;
	v53 =	vld.idx.msk [tilespmem:v10+s14+$0x0], $0xffff  }
0x133: {  	s26 =	sadd.s32 $0x40, s26;
	v7 =	vor.u32 $0x2, v9;
	[tilespmem:$0x1FE60] =	vst v12;
	v3 =	vadd.f32 v4, v3;
	v4 =	vor.u32 $0x1, v31;
	v55 =	vld.idx.msk [tilespmem:v11+s14+$0x0], $0xffff  }
0x134: {  	s8 =	sadd.s32 $0xFFFFFFF0, s26;
	[tilespmem:$0x1FDB0] =	vst v4;
	v4 =	vor.u32 $0x4, v31;
	v37 =	vmul.f32 $1.442695020e+00, v2;
	v2 =	vor.u32 $0x1, v9;
	v56 =	vld.idx.msk [tilespmem:v15+s14+$0x0], $0xffff  }
0x135: {  	vm1 =	veq.s32 v1, $0xFFFFFFFF;
	v1 =	vmov s8;
	[tilespmem:$0x1FDC0] =	vst v4;
	v4 =	vor.u32 $0x2, v31;
	v58 =	vld.idx.msk [tilespmem:v16+s14+$0x0], $0xffff  }
0x136: {  	v0 =	vmul.f32 $1.442695020e+00, v0;
	v13 =	vpop (erf);
	v8 =	vor.u32 $0xC, v31;
	v10 =	vor.u32 $0xC, v9;
	v60 =	vld.idx.msk [tilespmem:v17+s14+$0x0], $0xffff;
	[tilespmem:$0x1FDE0] =	vst v4  }
0x137: {  	v18 =	vpop (erf);
	(erf) = vpow2.f32 v5;
	v5 =	vor.u32 $0x6, v9;
	v62 =	vld.idx.msk [tilespmem:v20+s14+$0x0], $0xffff;
	v4 =	vor.u32 $0x5, v31;
	[tilespmem:$0x1FEA0] =	vst v8  }
0x138: {  	s9 =	sadd.s32 $0xFFFFFFE0, s26;
	v3 =	vadd.f32 v13, v3;
	v11 =	vor.u32 $0x9, v9;
	v63 =	vld.idx.msk [tilespmem:v7+s14+$0x0], $0xffff;
	v8 =	vor.u32 $0xD, v31;
	[tilespmem:$0x1FDD0] =	vst v4  }
0x139: {  	v7 =	vmov s9;
	(erf) = vpow2.f32 v6;
	v4 =	vor.u32 $0x6, v31;
	[tilespmem:$0x1FEC0] =	vst v8;
	v20 =	vld.idx.msk [tilespmem:v2+s14+$0x0], $0xffff  }
0x13a: {  	v6 =	vor.u32 $0x8, v9;
	v8 =	vor.u32 $0xB, v31;
	[tilespmem:$0x1FDF0] =	vst v4;
	v4 =	vor.u32 $0x8, v31;
	v2 =	vld [tilespmem:$0x1FFB0]  }
0x13b: {  	v12 =	vadd.f32 v18, v3;
	v3 =	vor.u32 $0x4, v9;
	[tilespmem:$0x1FE00] =	vst v4;
	v4 =	vor.u32 $0x3, v31;
	v59 =	vld.idx.msk [tilespmem:v10+s14+$0x0], $0xffff  }
0x13c: {  	(erf) = vpow2.f32 v0;
	v0 =	vmov s26;
	[tilespmem:$0x1FE40] =	vst v4;
	v4 =	vor.u32 $0x9, v31;
	v46 =	vld.idx.msk [tilespmem:v5+s14+$0x0], $0xffff  }
0x13d: {  	v12 =	vmul.f32 $2.500000000e-01, v12;
	v10 =	vshll.u32 v1, $0x4;
	[tilespmem:$0x1FE20] =	vst v4;
	v4 =	vld.idx.msk [tilespmem:v9+s14+$0x0], $0xffff;
	v9 =	vor.u32 $0x5, v9  }
0x13e: {  	v0 =	vshll.u32 v0, $0x4;
	v5 =	vshll.u32 v7, $0x4;
	v52 =	vld.idx.msk [tilespmem:v11+s14+$0x0], $0xffff;
	v10 =	vor.u32 v43, v10  }
0x13f: {  	[tilespmem:$0x1FEE0] =	vst v8;
	v50 =	vor.u32 v43, v0;
	v54 =	vld.idx.msk [tilespmem:v6+s14+$0x0], $0xffff;
	v0 =	vor.u32 v43, v5;
	v12 =	vsel vm1, $0x0, v12  }
0x140: {  	v8 =	vor.u32 $0xE, v31;
	v6 =	vor.u32 $0xF, v10;
	v45 =	vld.idx.msk [tilespmem:v3+s14+$0x0], $0xffff;
	[tilespmem:s29+$0x0] =	vst v12  }
0x141: {  	v35 =	vor.u32 $0xA, v31;
	[tilespmem:$0x1FF00] =	vst v8;
	v8 =	vor.u32 $0xF, v31;
	v11 =	vor.u32 $0xB, v10;
	v31 =	vld.idx.msk [tilespmem:v31+s14+$0x0], $0xffff  }
0x142: {  	[tilespmem:$0x1FF20] =	vst v8;
	v36 =	vor.u32 $0x3, v10;
	v8 =	vld.idx.msk [tilespmem:v9+s14+$0x0], $0xffff  }
0x143: {  	v38 =	vor.u32 $0x7, v10;
	v22 =	vld.idx.msk [tilespmem:v10+s14+$0x0], $0xffff  }
0x144: {  	v39 =	vor.u32 $0xA, v10;
	v23 =	vld.idx.msk [tilespmem:v0+s14+$0x0], $0xffff  }
0x145: {  	v41 =	vor.u32 $0xC, v10;
	v6 =	vld.idx.msk [tilespmem:v6+s14+$0x0], $0xffff  }
0x146: {  	v42 =	vor.u32 $0xD, v10;
	v24 =	vld.idx.msk [tilespmem:v11+s14+$0x0], $0xffff  }
0x147: {  	v26 =	vor.u32 $0x2, v10;
	v27 =	vld.idx.msk [tilespmem:v36+s14+$0x0], $0xffff  }
0x148: {  	v29 =	vor.u32 $0x6, v10;
	v30 =	vld.idx.msk [tilespmem:v38+s14+$0x0], $0xffff  }
0x149: {  	v32 =	vor.u32 $0x8, v10;
	v33 =	vld.idx.msk [tilespmem:v39+s14+$0x0], $0xffff  }
0x14a: {  	[tilespmem:$0x1FE80] =	vst v35;
	v34 =	vor.u32 $0x9, v10;
	v35 =	vld.idx.msk [tilespmem:v41+s14+$0x0], $0xffff  }
0x14b: {  	vm0 =	veq.s32 v44, $0xFFFFFFFF;
	v1 =	vor.u32 $0x8, v50;
	v44 =	vor.u32 $0x3, v0;
	v38 =	vld.idx.msk [tilespmem:v42+s14+$0x0], $0xffff  }
0x14c: {  	[tilespmem:$0x1FE10] =	vst v1;
	v1 =	vor.u32 $0x3, v50;
	v5 =	vor.u32 $0x6, v0;
	v39 =	vld.idx.msk [tilespmem:v26+s14+$0x0], $0xffff  }
0x14d: {  	[tilespmem:$0x1FE50] =	vst v1;
	v1 =	vor.u32 $0x9, v50;
	v3 =	vor.u32 $0x1, v0;
	v14 =	vpop (erf);
	v29 =	vld.idx.msk [tilespmem:v29+s14+$0x0], $0xffff  }
0x14e: {  	[tilespmem:$0x1FE30] =	vst v1;
	v1 =	vor.u32 $0x7, v50;
	v19 =	vpop (erf);
	v9 =	vor.u32 $0xE, v10;
	v32 =	vld.idx.msk [tilespmem:v32+s14+$0x0], $0xffff  }
0x14f: {  	s11 =	sadd.s32 $0x10, s26;
	[tilespmem:$0x1FE70] =	vst v1;
	v1 =	vor.u32 $0xA, v50;
	v21 =	vpop (erf);
	(erf) = vpow2.f32 v37;
	v37 =	vor.u32 $0xB, v0;
	v34 =	vld.idx.msk [tilespmem:v34+s14+$0x0], $0xffff  }
0x150: {  	v40 =	vmov s11;
	[tilespmem:$0x1FE90] =	vst v1;
	v1 =	vor.u32 $0xC, v50;
	v36 =	vor.u32 $0x1, v10;
	v44 =	vld.idx.msk [tilespmem:v44+s14+$0x0], $0xffff  }
0x151: {  	[tilespmem:$0x1FEB0] =	vst v1;
	v1 =	vor.u32 $0xD, v50;
	v11 =	vshll.u32 v40, $0x4;
	v40 =	vor.u32 $0x4, v10;
	v5 =	vld.idx.msk [tilespmem:v5+s14+$0x0], $0xffff  }
0x152: {  	[tilespmem:$0x1FED0] =	vst v1;
	v1 =	vor.u32 $0xB, v50;
	v42 =	vor.u32 $0xF, v0;
	v3 =	vld.idx.msk [tilespmem:v3+s14+$0x0], $0xffff  }
0x153: {  	[tilespmem:$0x1FEF0] =	vst v1;
	v1 =	vor.u32 $0xE, v50;
	v28 =	vor.u32 v43, v11;
	v25 =	vld.idx.msk [tilespmem:v9+s14+$0x0], $0xffff  }
0x154: {  	[tilespmem:$0x1FF10] =	vst v1;
	v1 =	vor.u32 $0xF, v50;
	v11 =	vor.u32 $0x1, v28;
	v37 =	vld.idx.msk [tilespmem:v37+s14+$0x0], $0xffff  }
0x155: {  	v14 =	vadd.f32 v19, v14;
	v13 =	vor.u32 $0x4, v28;
	[tilespmem:$0x1FF30] =	vst v1;
	v1 =	vor.u32 $0x2, v28;
	v19 =	vld.idx.msk [tilespmem:v36+s14+$0x0], $0xffff  }
0x156: {  	v15 =	vor.u32 $0x5, v28;
	[tilespmem:$0x1FF40] =	vst v1;
	v1 =	vor.u32 $0x8, v28;
	v40 =	vld.idx.msk [tilespmem:v40+s14+$0x0], $0xffff  }
0x157: {  	v23 =	vsub.f32 v4, v23;
	v22 =	vsub.f32 v4, v22;
	v4 =	vor.u32 $0x4, v0;
	v42 =	vld.idx.msk [tilespmem:v42+s14+$0x0], $0xffff  }
0x158: {  	[tilespmem:$0x1FF50] =	vst v1;
	v1 =	vor.u32 $0x3, v28;
	v27 =	vsub.f32 v56, v27;
	v44 =	vsub.f32 v56, v44;
	v56 =	vld [tilespmem:$0x1FDB0]  }
0x159: {  	[tilespmem:$0x1FF60] =	vst v1;
	v1 =	vor.u32 $0xA, v28;
	v11 =	vld.idx.msk [tilespmem:v11+s14+$0x0], $0xffff  }
0x15a: {  	v36 =	vor.u32 $0xE, v0;
	[tilespmem:$0x1FF70] =	vst v1;
	v1 =	vor.u32 $0xD, v28;
	v13 =	vld.idx.msk [tilespmem:v13+s14+$0x0], $0xffff  }
0x15b: {  	v9 =	vsub.f32 v51, v6;
	v6 =	vor.u32 $0xD, v0;
	v15 =	vld.idx.msk [tilespmem:v15+s14+$0x0], $0xffff;
	[tilespmem:$0x1FF80] =	vst v1;
	v1 =	vor.u32 $0xE, v28  }
0x15c: {  	v49 =	vor.u32 $0x2, v50;
	[tilespmem:$0x1FF90] =	vst v1;
	v1 =	vor.u32 $0xF, v28;
	v4 =	vld.idx.msk [tilespmem:v4+s14+$0x0], $0xffff  }
0x15d: {  	v41 =	vor.u32 $0x5, v10;
	v16 =	vor.u32 $0x6, v28;
	v18 =	vor.u32 $0x9, v28;
	[tilespmem:$0x1FFA0] =	vst v1;
	v1 =	vld [tilespmem:$0x1FFC0]  }
0x15e: {  	v17 =	vor.u32 $0x7, v28;
	v26 =	vor.u32 $0xC, v28;
	v10 =	vor.u32 $0xB, v28;
	v28 =	vld.idx.msk [tilespmem:v28+s14+$0x0], $0xffff  }
0x15f: {  	v47 =	vor.u32 $0x1, v50;
	v36 =	vld.idx.msk [tilespmem:v36+s14+$0x0], $0xffff  }
0x160: {  	v6 =	vld.idx.msk [tilespmem:v6+s14+$0x0], $0xffff  }
0x161: {  	v61 =	vor.u32 $0x4, v50;
	v32 =	vsub.f32 v54, v32;
	v51 =	vsub.f32 v51, v42;
	v42 =	vld.idx.msk [tilespmem:v56+s14+$0x0], $0xffff  }
0x162: {  	v43 =	vadd.f32 v2, v1;
	v1 =	vadd.f32 v21, v14;
	v14 =	vld.idx.msk [tilespmem:v41+s14+$0x0], $0xffff;
	v41 =	vor.u32 $0xA, v0;
	v2 =	vpop (erf)  }
0x163: {  	v24 =	vsub.f32 v53, v24;
	v25 =	vsub.f32 v55, v25;
	v56 =	vld.idx.msk [tilespmem:v49+s14+$0x0], $0xffff;
	[tilespmem:$0x1FFB0] =	vst v2;
	v2 =	vor.u32 $0x5, v0  }
0x164: {  	v36 =	vsub.f32 v55, v36;
	v55 =	vmul.f32 v32, v32;
	v32 =	vld.idx.msk [tilespmem:v47+s14+$0x0], $0xffff;
	[tilespmem:$0x1FFC0] =	vst v1;
	v1 =	vor.u32 $0x2, v0  }
0x165: {  	v57 =	vor.u32 $0x5, v50;
	v38 =	vsub.f32 v62, v38;
	v6 =	vsub.f32 v62, v6;
	v62 =	vld [tilespmem:$0x1FDC0]  }
0x166: {  	v30 =	vsub.f32 v58, v30;
	v33 =	vsub.f32 v60, v33;
	v21 =	vor.u32 $0x7, v0;
	v47 =	vld [tilespmem:$0x1FDD0]  }
0x167: {  	v35 =	vsub.f32 v59, v35;
	v12 =	vmul.f32 $2.500000000e-01, v43;
	v43 =	vor.u32 $0xC, v0;
	v41 =	vld.idx.msk [tilespmem:v41+s14+$0x0], $0xffff  }
0x168: {  	v48 =	vor.u32 $0x6, v50;
	v39 =	vsub.f32 v63, v39;
	v5 =	vsub.f32 v46, v5;
	v2 =	vld.idx.msk [tilespmem:v2+s14+$0x0], $0xffff  }
0x169: {  	v3 =	vsub.f32 v20, v3;
	v23 =	vmul.f32 v23, v23;
	v7 =	vld.idx.msk [tilespmem:v1+s14+$0x0], $0xffff;
	v1 =	vor.u32 $0x8, v0  }
0x16a: {  	v40 =	vsub.f32 v45, v40;
	v4 =	vsub.f32 v45, v4;
	v45 =	vld.idx.msk [tilespmem:v61+s14+$0x0], $0xffff;
	v0 =	vor.u32 $0x9, v0  }
0x16b: {  	v34 =	vsub.f32 v52, v34;
	v24 =	vmul.f32 v24, v24;
	v33 =	vmul.f32 v33, v33;
	v21 =	vld.idx.msk [tilespmem:v21+s14+$0x0], $0xffff  }
0x16c: {  	v3 =	vmul.f32 v3, v3;
	v5 =	vmul.f32 v5, v5;
	v37 =	vsub.f32 v53, v37;
	v43 =	vld.idx.msk [tilespmem:v43+s14+$0x0], $0xffff  }
0x16d: {  	v41 =	vsub.f32 v60, v41;
	v60 =	vmul.f32 v40, v40;
	v40 =	vld.idx.msk [tilespmem:v62+s14+$0x0], $0xffff;
	v2 =	vsub.f32 v8, v2  }
0x16e: {  	v53 =	vmul.f32 v30, v30;
	v3 =	vadd.f32 v3, v23;
	v1 =	vld.idx.msk [tilespmem:v1+s14+$0x0], $0xffff;
	v7 =	vsub.f32 v63, v7  }
0x16f: {  	v4 =	vmul.f32 v4, v4;
	v14 =	vsub.f32 v8, v14;
	v0 =	vld.idx.msk [tilespmem:v0+s14+$0x0], $0xffff;
	v2 =	vmul.f32 v2, v2  }
0x170: {  	v61 =	vld [tilespmem:$0x1FE50];
	v21 =	vsub.f32 v58, v21;
	v58 =	vmul.f32 v34, v34;
	v7 =	vmul.f32 v7, v7  }
0x171: {  	v30 =	vsub.f32 v59, v43;
	v43 =	vmul.f32 v38, v38;
	v38 =	vld.idx.msk [tilespmem:v47+s14+$0x0], $0xffff;
	v2 =	vadd.f32 v2, v4  }
0x172: {  	v59 =	vmul.f32 v44, v44;
	v47 =	vld [tilespmem:$0x1FF40];
	v45 =	vsub.f32 v40, v45;
	v3 =	vadd.f32 v7, v3  }
0x173: {  	v6 =	vmul.f32 v6, v6;
	v7 =	vadd.f32 v58, v55;
	v55 =	vld [tilespmem:$0x1FDE0];
	v1 =	vsub.f32 v54, v1  }
0x174: {  	v8 =	vmul.f32 v21, v21;
	v0 =	vsub.f32 v52, v0;
	v52 =	vld.idx.msk [tilespmem:v57+s14+$0x0], $0xffff;
	v3 =	vadd.f32 v59, v3  }
0x175: {  	v63 =	vmul.f32 v30, v30;
	v58 =	vld.idx.msk [tilespmem:v48+s14+$0x0], $0xffff;
	v2 =	vadd.f32 v5, v2;
	v7 =	vadd.f32 v33, v7  }
0x176: {  	v57 =	vld [tilespmem:$0x1FDF0];
	v1 =	vmul.f32 v1, v1;
	v0 =	vmul.f32 v0, v0;
	v3 =	vsub.f32 $0.0e+00, v3  }
0x177: {  	v54 =	vld.idx.msk [tilespmem:v50+s14+$0x0], $0xffff;
	v5 =	vadd.f32 v6, v63;
	v6 =	vmul.f32 v36, v36;
	v7 =	vadd.f32 v24, v7  }
0x178: {  	v0 =	vadd.f32 v0, v1;
	v1 =	vmul.f32 v41, v41;
	v59 =	vmul.f32 $1.442695020e+00, v3;
	v3 =	vld [tilespmem:$0x1FE20]  }
0x179: {  	v2 =	vadd.f32 v8, v2;
	v48 =	vsub.f32 v38, v52;
	v52 =	vmul.f32 v45, v45;
	v45 =	vld [tilespmem:$0x1FF30]  }
0x17a: {  	v7 =	vsub.f32 $0.0e+00, v7;
	v0 =	vadd.f32 v1, v0;
	v1 =	vld [tilespmem:$0x1FE00]  }
0x17b: {  	v5 =	vadd.f32 v6, v5;
	v6 =	vmul.f32 v51, v51;
	v30 =	vld.idx.msk [tilespmem:v55+s14+$0x0], $0xffff  }
0x17c: {  	v29 =	vsub.f32 v46, v29;
	v2 =	vsub.f32 $0.0e+00, v2;
	v49 =	vmul.f32 $1.442695020e+00, v7;
	v7 =	vld [tilespmem:$0x1FED0]  }
0x17d: {  	v8 =	vmul.f32 v37, v37;
	v5 =	vadd.f32 v6, v5;
	(erf) = vpow2.f32 v59;
	v59 =	vld [tilespmem:$0x1FF10]  }
0x17e: {  	v46 =	vmul.f32 v29, v29;
	v2 =	vmul.f32 $1.442695020e+00, v2;
	v29 =	vld.idx.msk [tilespmem:v57+s14+$0x0], $0xffff  }
0x17f: {  	v5 =	vsub.f32 $0.0e+00, v5;
	v0 =	vadd.f32 v8, v0;
	v8 =	vld [tilespmem:$0x1FE10]  }
0x180: {  	(erf) = vpow2.f32 v2;
	v2 =	vld [tilespmem:$0x1FE60]  }
0x181: {  	v62 =	vmul.f32 $1.442695020e+00, v5;
	v5 =	vld [tilespmem:$0x1FE70]  }
0x182: {  	v6 =	vsub.f32 $0.0e+00, v0;
	v0 =	vld [tilespmem:$0x1FE30]  }
0x183: {  	s1 =	sadd.s32 $0x40, s1;
	v19 =	vsub.f32 v20, v19;
	v3 =	vld.idx.msk [tilespmem:v3+s14+$0x0], $0xffff  }
0x184: {  	v20 =	vsub.f32 v30, v56;
	v56 =	vmul.f32 v48, v48;
	v21 =	vsub.f32 v29, v58;
	v58 =	vld [tilespmem:s1+$0xFFFFFFE0]  }
0x185: {  	v1 =	vld.idx.msk [tilespmem:v1+s14+$0x0], $0xffff  }
0x186: {  	v24 =	vadd.f32 v56, v52;
	v56 =	vld [tilespmem:$0x1FF70]  }
0x187: {  	v22 =	vmul.f32 v22, v22;
	v50 =	vld.idx.msk [tilespmem:v7+s14+$0x0], $0xffff  }
0x188: {  	v35 =	vmul.f32 v35, v35;
	v19 =	vmul.f32 v19, v19;
	v7 =	vld [tilespmem:$0x1FEE0]  }
0x189: {  	v25 =	vmul.f32 v25, v25;
	v34 =	vld.idx.msk [tilespmem:v8+s14+$0x0], $0xffff  }
0x18a: {  	v4 =	vadd.f32 v43, v35;
	v6 =	vmul.f32 $1.442695020e+00, v6;
	v8 =	vadd.f32 v19, v22;
	v19 =	vld.idx.msk [tilespmem:v61+s14+$0x0], $0xffff  }
0x18b: {  	v9 =	vmul.f32 v9, v9;
	v14 =	vmul.f32 v14, v14;
	v2 =	vld.idx.msk [tilespmem:v2+s14+$0x0], $0xffff  }
0x18c: {  	(erf) = vpow2.f32 v6;
	v6 =	vadd.f32 v25, v4;
	v21 =	vmul.f32 v21, v21;
	v63 =	vld.idx.msk [tilespmem:v5+s14+$0x0], $0xffff  }
0x18d: {  	v39 =	vmul.f32 v39, v39;
	v14 =	vadd.f32 v14, v60;
	v5 =	vld [tilespmem:$0x1FE80]  }
0x18e: {  	v6 =	vadd.f32 v9, v6;
	v21 =	vadd.f32 v21, v24;
	v24 =	vld.idx.msk [tilespmem:v45+s14+$0x0], $0xffff  }
0x18f: {  	v27 =	vmul.f32 v27, v27;
	v14 =	vadd.f32 v46, v14;
	v60 =	vld.idx.msk [tilespmem:v0+s14+$0x0], $0xffff;
	v8 =	vadd.f32 v39, v8  }
0x190: {  	v51 =	vpop (erf);
	v0 =	vld [tilespmem:$0x1FE40];
	v6 =	vsub.f32 $0.0e+00, v6  }
0x191: {  	v14 =	vadd.f32 v53, v14;
	v53 =	vpop (erf);
	v39 =	vld [tilespmem:$0x1FE90];
	v8 =	vadd.f32 v27, v8  }
0x192: {  	v23 =	vsub.f32 v31, v54;
	v27 =	vadd.f32 v53, v51;
	v54 =	vmul.f32 $1.442695020e+00, v6;
	v6 =	vld [tilespmem:$0x1FEF0]  }
0x193: {  	(erf) = vpow2.f32 v62;
	v51 =	vld [tilespmem:$0x1FF50];
	v4 =	vsub.f32 $0.0e+00, v8;
	v8 =	vsub.f32 $0.0e+00, v14  }
0x194: {  	v7 =	vld.idx.msk [tilespmem:v7+s14+$0x0], $0xffff  }
0x195: {  	v9 =	vmul.f32 $1.442695020e+00, v8;
	v8 =	vld [tilespmem:$0x1FEB0]  }
0x196: {  	v5 =	vld.idx.msk [tilespmem:v5+s14+$0x0], $0xffff  }
0x197: {  	v57 =	vpop (erf);
	v41 =	vmul.f32 $1.442695020e+00, v4;
	v4 =	vld [tilespmem:$0x1FEA0]  }
0x198: {  	v44 =	vsub.f32 v42, v32;
	v27 =	vadd.f32 v57, v27;
	v57 =	vld [tilespmem:$0x1FF80]  }
0x199: {  	v0 =	vld.idx.msk [tilespmem:v0+s14+$0x0], $0xffff;
	(erf) = vpow2.f32 v41  }
0x19a: {  	(erf) = vpow2.f32 v9;
	v9 =	vmul.f32 v44, v44;
	v44 =	vld [tilespmem:$0x1FF20]  }
0x19b: {  	v55 =	vld.idx.msk [tilespmem:v6+s14+$0x0], $0xffff  }
0x19c: {  	v22 =	vsub.f32 v3, v60;
	v60 =	vpop (erf);
	v6 =	vld [tilespmem:$0x1FF00]  }
0x19d: {  	v27 =	vadd.f32 v60, v27;
	v46 =	vld.idx.msk [tilespmem:v8+s14+$0x0], $0xffff  }
0x19e: {  	v23 =	vmul.f32 v23, v23;
	v8 =	vld [tilespmem:$0x1FEC0]  }
0x19f: {  	v14 =	vld.idx.msk [tilespmem:v39+s14+$0x0], $0xffff;
	v27 =	vmul.f32 $2.500000000e-01, v27  }
0x1a0: {  	vm14 =	veq.s32 v58, $0xFFFFFFFF;
	(erf) = vpow2.f32 v49;
	v9 =	vadd.f32 v9, v23;
	v23 =	vld.idx.msk [tilespmem:v59+s14+$0x0], $0xffff  }
0x1a1: {  	s29 =	sadd.s32 $0x40, s29;
	(erf) = vpow2.f32 v54;
	v54 =	vld [tilespmem:$0x1FF60];
	v27 =	vsel vm14, $0x0, v27  }
0x1a2: {  	v20 =	vmul.f32 v20, v20;
	[tilespmem:s29+$0xFFFFFFE0] =	vst v27;
	v4 =	vld.idx.msk [tilespmem:v4+s14+$0x0], $0xffff  }
0x1a3: {  	v13 =	vsub.f32 v40, v13;
	v15 =	vsub.f32 v38, v15;
	v27 =	vld [tilespmem:s1+$0xFFFFFFF0]  }
0x1a4: {  	v11 =	vsub.f32 v42, v11;
	v12 =	vsel vm0, $0x0, v12;
	v9 =	vadd.f32 v20, v9;
	v20 =	vld.idx.msk [tilespmem:v44+s14+$0x0], $0xffff  }
0x1a5: {  	v13 =	vmul.f32 v13, v13;
	v15 =	vmul.f32 v15, v15;
	v34 =	vsub.f32 v1, v34;
	v6 =	vld.idx.msk [tilespmem:v6+s14+$0x0], $0xffff  }
0x1a6: {  	v33 =	vsub.f32 v2, v63;
	v19 =	vsub.f32 v0, v19;
	v8 =	vld.idx.msk [tilespmem:v8+s14+$0x0], $0xffff;
	[tilespmem:s25+$0x10] =	vst v12  }
0x1a7: {  	v61 =	vmul.f32 v34, v34;
	v22 =	vmul.f32 v22, v22;
	v14 =	vsub.f32 v5, v14;
	v12 =	vld.idx.msk [tilespmem:v47+s14+$0x0], $0xffff  }
0x1a8: {  	v13 =	vadd.f32 v15, v13;
	v33 =	vmul.f32 v33, v33;
	v19 =	vmul.f32 v19, v19;
	v16 =	vld.idx.msk [tilespmem:v16+s14+$0x0], $0xffff  }
0x1a9: {  	v22 =	vadd.f32 v22, v61;
	v14 =	vmul.f32 v14, v14;
	v48 =	vsub.f32 v7, v55;
	v62 =	vpop (erf);
	v18 =	vld.idx.msk [tilespmem:v18+s14+$0x0], $0xffff  }
0x1aa: {  	v55 =	vsub.f32 v31, v28;
	v9 =	vadd.f32 v19, v9;
	v41 =	vpop (erf);
	vm15 =	veq.s32 v27, $0xFFFFFFFF;
	v27 =	vld.idx.msk [tilespmem:v54+s14+$0x0], $0xffff  }
0x1ab: {  	v52 =	vmul.f32 v48, v48;
	v14 =	vadd.f32 v14, v22;
	v34 =	vadd.f32 v41, v62;
	v17 =	vld.idx.msk [tilespmem:v17+s14+$0x0], $0xffff  }
0x1ac: {  	v11 =	vmul.f32 v11, v11;
	v63 =	vsub.f32 v8, v50;
	v50 =	vadd.f32 v33, v21;
	v21 =	vld.idx.msk [tilespmem:v51+s14+$0x0], $0xffff  }
0x1ad: {  	v58 =	vmul.f32 v55, v55;
	v32 =	vsub.f32 v4, v46;
	v46 =	vpop (erf);
	v14 =	vadd.f32 v52, v14;
	v28 =	vld.idx.msk [tilespmem:v56+s14+$0x0], $0xffff  }
0x1ae: {  	v9 =	vsub.f32 $0.0e+00, v9;
	v25 =	vadd.f32 v46, v34;
	v26 =	vld.idx.msk [tilespmem:v26+s14+$0x0], $0xffff  }
0x1af: {  	v11 =	vadd.f32 v11, v58;
	v49 =	vpop (erf);
	v14 =	vsub.f32 $0.0e+00, v14;
	v31 =	vld.idx.msk [tilespmem:v57+s14+$0x0], $0xffff  }
0x1b0: {  	v9 =	vmul.f32 $1.442695020e+00, v9;
	v24 =	vsub.f32 v20, v24;
	v25 =	vadd.f32 v49, v25;
	v10 =	vld.idx.msk [tilespmem:v10+s14+$0x0], $0xffff  }
0x1b1: {  	v32 =	vmul.f32 v32, v32;
	v23 =	vsub.f32 v6, v23;
	v21 =	vsub.f32 v1, v21;
	v1 =	vld [tilespmem:$0x1FF90]  }
0x1b2: {  	v60 =	vld [tilespmem:$0x1FFA0];
	(erf) = vpow2.f32 v9;
	v25 =	vmul.f32 $2.500000000e-01, v25;
	v12 =	vsub.f32 v30, v12  }
0x1b3: {  	v23 =	vmul.f32 v23, v23;
	v16 =	vsub.f32 v29, v16;
	v3 =	vsub.f32 v3, v18  }
0x1b4: {  	v25 =	vsel vm15, $0x0, v25;
	v0 =	vsub.f32 v0, v27;
	v2 =	vsub.f32 v2, v17  }
0x1b5: {  	v5 =	vsub.f32 v5, v28;
	v4 =	vsub.f32 v4, v26;
	v35 =	vmul.f32 v63, v63  }
0x1b6: {  	v8 =	vsub.f32 v8, v31;
	v7 =	vsub.f32 v7, v10;
	v12 =	vmul.f32 v12, v12  }
0x1b7: {  	v61 =	vmul.f32 v16, v16;
	v3 =	vmul.f32 v3, v3;
	v53 =	vadd.f32 v35, v32  }
0x1b8: {  	v19 =	vsub.f32 $0.0e+00, v50;
	v0 =	vmul.f32 v0, v0;
	v2 =	vmul.f32 v2, v2  }
0x1b9: {  	v5 =	vmul.f32 v5, v5;
	v22 =	vadd.f32 v23, v53;
	v59 =	vld.idx.msk [tilespmem:v1+s14+$0x0], $0xffff;
	v1 =	vmul.f32 v24, v24  }
0x1ba: {  	v18 =	vld.idx.msk [tilespmem:v60+s14+$0x0], $0xffff;
	v4 =	vmul.f32 v4, v4;
	v8 =	vmul.f32 v8, v8;
	v9 =	vadd.f32 v12, v11  }
0x1bb: {  	s0 =	sadd.s32 $0x2, s0;
	v19 =	vmul.f32 $1.442695020e+00, v19;
	v62 =	vmul.f32 v21, v21;
	v22 =	vadd.f32 v1, v22  }
0x1bc: {  	p1 =	slt.u32 s0, $0xE;
	v11 =	vmul.f32 $1.442695020e+00, v14;
	v13 =	vadd.f32 v61, v13;
	v9 =	vadd.f32 v0, v9  }
.Ltmp5:
0x1bd: {  	(erf) = vpow2.f32 v19;
	v3 =	vadd.f32 v3, v62;
	v63 =	vsub.f32 $0.0e+00, v22;
	(pc) =	sbr.rel @p1 .LBB2_4-.Ltmp5, $4  }
0x1be: {  	(erf) = vpow2.f32 v11;
	v11 =	vadd.f32 v2, v13;
	v2 =	vadd.f32 v8, v4  }
0x1bf: {  	v43 =	vld [tilespmem:$0x1FFF0];
	v4 =	vsub.f32 v20, v18;
	v6 =	vsub.f32 v6, v59;
	v10 =	vmul.f32 $1.442695020e+00, v63  }
0x1c0: {  	v44 =	vld [tilespmem:s30+$0x10];
	v7 =	vmul.f32 v7, v7;
	v0 =	vadd.f32 v5, v3;
	v5 =	vsub.f32 $0.0e+00, v9  }
0x1c1: {  	s25 =	smov.u32 s28;
	s28 =	smov.u32 s29;
	s30 =	smov.u32 s1;
	[tilespmem:s29+$0xFFFFFFF0] =	vst v25;
	v3 =	vpop (erf);
	v1 =	vld [tilespmem:s1+$0x0];
	v8 =	vmul.f32 v6, v6;
	v6 =	vsub.f32 $0.0e+00, v11;
	(erf) = vpow2.f32 v10  }
0x1c2: {  	_ = 	snop  }
0x1c3: {  	v4 =	vmul.f32 v4, v4;
	v2 =	vadd.f32 v8, v2  }
0x1c4: {  	v0 =	vadd.f32 v7, v0  }
0x1c5: {  	v5 =	vmul.f32 $1.442695020e+00, v5;
	v2 =	vadd.f32 v4, v2  }
0x1c6: {  	v6 =	vmul.f32 $1.442695020e+00, v6;
	v0 =	vsub.f32 $0.0e+00, v0;
	v52 =	vpop (erf)  }
0x1c7: {  	(erf) = vpow2.f32 v5;
	v2 =	vsub.f32 $0.0e+00, v2;
	v3 =	vadd.f32 v52, v3  }
0x1c8: {  	(erf) = vpow2.f32 v6;
	v0 =	vmul.f32 $1.442695020e+00, v0;
	v54 =	vpop (erf)  }
0x1c9: {  	v53 =	vmul.f32 $1.442695020e+00, v2;
	v2 =	vadd.f32 v54, v3  }
0x1ca: {  	(erf) = vpow2.f32 v0;
	v55 =	vpop (erf)  }
0x1cb: {  	v0 =	vadd.f32 v55, v2  }
0x1cc: {  	(erf) = vpow2.f32 v53  }
0x1cd: {  	v0 =	vmul.f32 $2.500000000e-01, v0  }
0x1ce: {  	vm0 =	veq.s32 v1, $0xFFFFFFFF  }
0x1cf: {  	v0 =	vsel vm0, $0x0, v0  }
0x1d0: {  	v56 =	vpop (erf);
	[tilespmem:s29+$0x0] =	vst v0  }
0x1d1: {  	v57 =	vpop (erf);
	v61 =	vld [tilespmem:$0x1FFC0]  }
0x1d2: {  	v1 =	vadd.f32 v57, v56;
	v62 =	vld [tilespmem:$0x1FFB0]  }
0x1d3: {  	v58 =	vpop (erf)  }
0x1d4: {  	v60 =	vld [tilespmem:s30+$0x10];
	v59 =	vadd.f32 v58, v1  }
0x1d5: {  	v63 =	vpop (erf)  }
0x1d6: {  	v0 =	vadd.f32 v63, v59  }
0x1d7: {  	v2 =	vadd.f32 v62, v61  }
0x1d8: {  	v0 =	vmul.f32 $2.500000000e-01, v0  }
0x1d9: {  	s0 =	sshll.u32 s23, $0xA;
	vm15 =	veq.s32 v60, $0xFFFFFFFF;
	v2 =	vmul.f32 $2.500000000e-01, v2  }
0x1da: {  	s0 =	sadd.s32 s10, s0;
	vm14 =	veq.s32 v44, $0xFFFFFFFF;
	v0 =	vsel vm15, $0x0, v0  }
0x1db: {  	s0 =	sshrl.u32 s0, $0x3;
	v2 =	vsel vm14, $0x0, v2;
	[tilespmem:s28+$0x10] =	vst v0  }
0x1dc: {  	s0 =	sadd.s32 s6, s0;
	[tilespmem:s25+$0x10] =	vst v2  }
0x1dd: {  	[hbm4b:s0+s3] =	stream.linear.scatter [tilespmem:s17], [sflag:$0x3], $0x200, $0x38;
	[tilespmem:$0x4A20] =	vst v63  }
0x1de: {  	s0 =	sadd.s32 $0x2, s24  }
0x1df: {  	p1 =	sge.u32 s0, s7  }
0x1e0: {  	s0 =	sshll.u32 @!p1 s0, $0x4  }
0x1e1: {  	s0 =	sadd.s32 @!p1 s5, s0  }
0x1e2: {  	s1 =	sshll.u32 @!p1 s0, $0x2  }
0x1e3: {  	s1 =	sand.u32 @!p1 $0x1FFFFF80, s1  }
0x1e4: {  	s8 =	simm.s32 @!p1 $0x0;
	s1 =	sadd.s32 @!p1 s2, s1  }
0x1e5: {  	[tilespmem:s8], [sflag:$0x5] =	stream.linear.gather @!p1 [hbm4b:s1+s8], $0x200, $0x38;
	[tilespmem:$0x4A20] =	vst v63  }
0x1e6: {  	s1 =	simm.s32 @!p1 $0x5  }
0x1e7: {  	_ =	swait.ge @!p1 [sflag:s1], $0x200  }
0x1e8: {  	v0 =	vlaneseq.u32 @!p1;
	[sflag:s1] =	ssyncset.done @!p1 $0x0  }
0x1e9: {  	v0 =	vor.u32 @!p1 s0, v0;
	[sflag:s1] =	ssyncadd.s32 @!p1 $0xFFFFFE00  }
0x1ea: {  	s0 =	simm.s32 @!p1 $0x210;
	s1 =	simm.s32 @!p1 $0x420;
	[tilespmem:$0x200] =	vst @!p1 v0  }
0x1eb: {  	[tilespmem:s1], [sflag:$0x1] =	stream.indirect.gather @!p1 [hbm4b:s4+s0], $0x10, s8, s0, $0xb8;
	[tilespmem:$0x4A20] =	vst v63  }
.LBB2_6:
0x1ec: {  	s25 =	sor.u32 $0x1, s24  }
0x1ed: {  	p1 =	sge.u32 s25, s7  }
.Ltmp6:
0x1ee: {  	_ = 	snop;
	(pc) =	sbr.rel @p1 .LBB2_10-.Ltmp6, $1  }
0x1ef: {  	_ =	sdelay $0x3  }
0x1f0: {  	_ =	swait.ge [sflag:s18], $0x2100;
	s0 =	simm.s32 $0x2000  }
0x1f1: {  	[sflag:s18] =	ssyncset.done $0x0;
	v0 =	vmov s0  }
0x1f2: {  	s0 =	simm.s32 @!p0 $0x4;
	[sflag:s18] =	ssyncadd.s32 $0xFFFFDF00;
	v1 =	vor.u32 $0xF, v0  }
0x1f3: {  	v2 =	vor.u32 $0xB, v0;
	_ =	swait.ge @!p0 [sflag:s0], $0x200  }
0x1f4: {  	v3 =	vor.u32 $0xE, v0;
	[sflag:s0] =	ssyncset.done @!p0 $0x0  }
0x1f5: {  	v4 =	vor.u32 $0x3, v0;
	[sflag:s0] =	ssyncadd.s32 @!p0 $0xFFFFFE00  }
0x1f6: {  	v5 =	vor.u32 $0x7, v0;
	v6 =	vld.idx.msk [tilespmem:v0+s15+$0x0], $0xffff  }
0x1f7: {  	v7 =	vor.u32 $0xA, v0;
	v1 =	vld.idx.msk [tilespmem:v1+s15+$0x0], $0xffff  }
0x1f8: {  	s26 =	simm.s32 $0x10;
	v8 =	vor.u32 $0xC, v0;
	v2 =	vld.idx.msk [tilespmem:v2+s15+$0x0], $0xffff  }
0x1f9: {  	v15 =	vmov s26;
	v9 =	vor.u32 $0xD, v0;
	v11 =	vld.idx.msk [tilespmem:v3+s15+$0x0], $0xffff  }
0x1fa: {  	v10 =	vor.u32 $0x6, v0;
	v15 =	vshll.u32 v15, $0x4;
	v4 =	vld.idx.msk [tilespmem:v4+s15+$0x0], $0xffff  }
0x1fb: {  	v15 =	vor.u32 v43, v15;
	v12 =	vld.idx.msk [tilespmem:v5+s15+$0x0], $0xffff  }
0x1fc: {  	v18 =	vor.u32 $0x3, v15;
	v7 =	vld.idx.msk [tilespmem:v7+s15+$0x0], $0xffff  }
0x1fd: {  	s1 =	simm.s32 $0x0;
	v25 =	vor.u32 $0xA, v15;
	v14 =	vld.idx.msk [tilespmem:v8+s15+$0x0], $0xffff  }
0x1fe: {  	v17 =	vmov s1;
	v27 =	vor.u32 $0xD, v15;
	v9 =	vld.idx.msk [tilespmem:v9+s15+$0x0], $0xffff  }
0x1ff: {  	v28 =	vor.u32 $0x2, v15;
	v19 =	vld.idx.msk [tilespmem:v10+s15+$0x0], $0xffff;
	v10 =	vshll.u32 v17, $0x4  }
0x200: {  	v29 =	vor.u32 $0x6, v15;
	v20 =	vor.u32 v43, v10;
	v10 =	vld.idx.msk [tilespmem:v15+s15+$0x0], $0xffff  }
0x201: {  	v30 =	vor.u32 $0x8, v15;
	v18 =	vld.idx.msk [tilespmem:v18+s15+$0x0], $0xffff  }
0x202: {  	v5 =	vor.u32 $0x8, v0;
	v25 =	vld.idx.msk [tilespmem:v25+s15+$0x0], $0xffff  }
0x203: {  	v32 =	vor.u32 $0x4, v15;
	v27 =	vld.idx.msk [tilespmem:v27+s15+$0x0], $0xffff  }
0x204: {  	v3 =	vor.u32 $0x2, v0;
	v28 =	vld.idx.msk [tilespmem:v28+s15+$0x0], $0xffff  }
0x205: {  	v8 =	vor.u32 $0x1, v0;
	v29 =	vld.idx.msk [tilespmem:v29+s15+$0x0], $0xffff  }
0x206: {  	v30 =	vld.idx.msk [tilespmem:v30+s15+$0x0], $0xffff  }
0x207: {  	v52 =	vld.idx.msk [tilespmem:v5+s15+$0x0], $0xffff;
	v5 =	vor.u32 $0xF, v15  }
0x208: {  	v35 =	vor.u32 $0xB, v20;
	v32 =	vld.idx.msk [tilespmem:v32+s15+$0x0], $0xffff  }
0x209: {  	v37 =	vor.u32 $0x3, v20;
	v16 =	vld.idx.msk [tilespmem:v3+s15+$0x0], $0xffff  }
0x20a: {  	v38 =	vor.u32 $0x7, v20;
	v21 =	vld.idx.msk [tilespmem:v8+s15+$0x0], $0xffff  }
0x20b: {  	v3 =	vor.u32 $0x4, v0;
	v23 =	vld.idx.msk [tilespmem:v20+s15+$0x0], $0xffff  }
0x20c: {  	s8 =	simm.s32 $0x20;
	v26 =	vld.idx.msk [tilespmem:v5+s15+$0x0], $0xffff;
	v5 =	vor.u32 $0xC, v15  }
0x20d: {  	s1 =	simm.s32 $0x2010;
	v63 =	vmov s8;
	v39 =	vor.u32 $0xA, v20;
	v35 =	vld.idx.msk [tilespmem:v35+s15+$0x0], $0xffff  }
0x20e: {  	v13 =	vor.u32 $0x9, v0;
	v40 =	vmov s1;
	v46 =	vor.u32 $0x2, v20;
	v37 =	vld.idx.msk [tilespmem:v37+s15+$0x0], $0xffff  }
0x20f: {  	v42 =	vor.u32 $0x1, v40;
	v24 =	vor.u32 $0x7, v15;
	v48 =	vor.u32 $0x6, v20;
	v38 =	vld.idx.msk [tilespmem:v38+s15+$0x0], $0xffff  }
0x210: {  	v33 =	vor.u32 $0x5, v15;
	v56 =	vor.u32 $0x9, v15;
	v22 =	vld.idx.msk [tilespmem:v3+s15+$0x0], $0xffff;
	v3 =	vor.u32 $0xB, v15  }
0x211: {  	v17 =	vor.u32 $0xB, v40;
	v43 =	vor.u32 $0x4, v40;
	v31 =	vld.idx.msk [tilespmem:v5+s15+$0x0], $0xffff;
	v5 =	vor.u32 $0x1, v15  }
0x212: {  	v34 =	vor.u32 $0xF, v20;
	v41 =	vor.u32 $0xC, v20;
	v44 =	vor.u32 $0xD, v20;
	v53 =	vld.idx.msk [tilespmem:v39+s15+$0x0], $0xffff  }
0x213: {  	v54 =	vor.u32 $0x4, v20;
	v0 =	vor.u32 $0x5, v0;
	v8 =	vor.u32 $0xE, v15;
	v55 =	vld.idx.msk [tilespmem:v46+s15+$0x0], $0xffff  }
0x214: {  	v47 =	vsub.f32 v6, v10;
	v10 =	vsub.f32 v4, v18;
	v46 =	vor.u32 $0x5, v40;
	v57 =	vld.idx.msk [tilespmem:v48+s15+$0x0], $0xffff  }
0x215: {  	v18 =	vsub.f32 v7, v25;
	v25 =	vor.u32 $0x6, v40;
	v27 =	vsub.f32 v9, v27;
	v3 =	vld.idx.msk [tilespmem:v3+s15+$0x0], $0xffff  }
0x216: {  	v39 =	vor.u32 $0x8, v40;
	v29 =	vsub.f32 v19, v29;
	v36 =	vld.idx.msk [tilespmem:v5+s15+$0x0], $0xffff;
	v5 =	vor.u32 $0xE, v20  }
0x217: {  	v34 =	vld.idx.msk [tilespmem:v34+s15+$0x0], $0xffff;
	v48 =	vor.u32 $0x7, v40;
	v27 =	vmul.f32 v27, v27;
	v28 =	vsub.f32 v16, v28  }
0x218: {  	v44 =	vld.idx.msk [tilespmem:v44+s15+$0x0], $0xffff;
	v29 =	vmul.f32 v29, v29;
	v30 =	vsub.f32 v52, v30;
	v23 =	vsub.f32 v6, v23  }
0x219: {  	v33 =	vld.idx.msk [tilespmem:v33+s15+$0x0], $0xffff;
	v10 =	vmul.f32 v10, v10;
	v35 =	vsub.f32 v2, v35;
	v37 =	vsub.f32 v4, v37  }
0x21a: {  	v18 =	vmul.f32 v18, v18;
	v8 =	vld.idx.msk [tilespmem:v8+s15+$0x0], $0xffff;
	v38 =	vsub.f32 v12, v38;
	v16 =	vsub.f32 v16, v55  }
0x21b: {  	v4 =	vor.u32 $0x8, v20;
	v19 =	vsub.f32 v19, v57;
	v6 =	vsub.f32 v2, v3;
	v45 =	vld.idx.msk [tilespmem:v5+s15+$0x0], $0xffff  }
0x21c: {  	v58 =	vld.idx.msk [tilespmem:v54+s15+$0x0], $0xffff;
	v3 =	vsub.f32 v1, v26;
	v26 =	vsub.f32 v1, v34;
	v1 =	vor.u32 $0x1, v20  }
0x21d: {  	v0 =	vld.idx.msk [tilespmem:v0+s15+$0x0], $0xffff;
	v9 =	vsub.f32 v9, v44;
	v30 =	vmul.f32 v30, v30;
	v28 =	vmul.f32 v28, v28  }
0x21e: {  	v24 =	vld.idx.msk [tilespmem:v24+s15+$0x0], $0xffff;
	v7 =	vsub.f32 v7, v53;
	v16 =	vmul.f32 v16, v16;
	v19 =	vmul.f32 v19, v19  }
0x21f: {  	v41 =	vld.idx.msk [tilespmem:v41+s15+$0x0], $0xffff;
	v44 =	vor.u32 $0x3, v40;
	v54 =	vmul.f32 v37, v37;
	v9 =	vmul.f32 v9, v9  }
0x220: {  	v8 =	vsub.f32 v11, v8;
	v4 =	vld.idx.msk [tilespmem:v4+s15+$0x0], $0xffff;
	v45 =	vsub.f32 v11, v45;
	v11 =	vor.u32 $0x5, v20  }
0x221: {  	v32 =	vsub.f32 v22, v32;
	v22 =	vsub.f32 v22, v58;
	v1 =	vld.idx.msk [tilespmem:v1+s15+$0x0], $0xffff;
	v20 =	vor.u32 $0x9, v20  }
0x222: {  	v13 =	vld.idx.msk [tilespmem:v13+s15+$0x0], $0xffff;
	v38 =	vmul.f32 v38, v38;
	v7 =	vmul.f32 v7, v7;
	v33 =	vsub.f32 v0, v33  }
0x223: {  	v35 =	vmul.f32 v35, v35;
	v62 =	vmul.f32 v22, v22;
	v2 =	vsub.f32 v12, v24;
	v12 =	vld.idx.msk [tilespmem:v56+s15+$0x0], $0xffff  }
0x224: {  	v49 =	vld [tilespmem:$0x1FFF0];
	v15 =	vor.u32 $0xD, v40;
	v32 =	vmul.f32 v32, v32;
	v33 =	vmul.f32 v33, v33  }
0x225: {  	v31 =	vsub.f32 v14, v31;
	v14 =	vsub.f32 v14, v41;
	v24 =	vor.u32 $0x9, v40;
	v59 =	vld.idx.msk [tilespmem:v11+s15+$0x0], $0xffff  }
0x226: {  	v60 =	vsub.f32 v52, v4;
	v4 =	vmul.f32 v23, v23;
	v1 =	vsub.f32 v21, v1;
	v20 =	vld.idx.msk [tilespmem:v20+s15+$0x0], $0xffff  }
0x227: {  	v31 =	vmul.f32 v31, v31;
	v14 =	vmul.f32 v14, v14;
	v5 =	vor.u32 $0x2, v40  }
0x228: {  	v61 =	vsub.f32 v13, v12;
	v12 =	vor.u32 $0xE, v40;
	v1 =	vmul.f32 v1, v1  }
0x229: {  	v41 =	vshll.u32 v63, $0x4;
	v2 =	vmul.f32 v2, v2;
	v6 =	vmul.f32 v6, v6  }
0x22a: {  	v1 =	vadd.f32 v1, v4;
	v11 =	vor.u32 $0xC, v40;
	v0 =	vsub.f32 v0, v59  }
0x22b: {  	v22 =	vadd.f32 v27, v31;
	v13 =	vsub.f32 v13, v20;
	v20 =	vor.u32 v49, v41  }
0x22c: {  	v5 =	vld.idx.msk [tilespmem:v5+s15+$0x0], $0xffff;
	v1 =	vadd.f32 v16, v1;
	v50 =	vor.u32 $0x1, v20;
	v0 =	vmul.f32 v0, v0  }
0x22d: {  	v36 =	vsub.f32 v21, v36;
	v23 =	vmul.f32 v61, v61;
	v12 =	vld.idx.msk [tilespmem:v12+s15+$0x0], $0xffff;
	v51 =	vor.u32 $0x4, v20  }
0x22e: {  	v52 =	vmul.f32 v60, v60;
	v34 =	vadd.f32 v54, v1;
	v1 =	vld.idx.msk [tilespmem:v43+s15+$0x0], $0xffff;
	v0 =	vadd.f32 v0, v62  }
0x22f: {  	v23 =	vadd.f32 v23, v30;
	v11 =	vld.idx.msk [tilespmem:v11+s15+$0x0], $0xffff;
	v55 =	vor.u32 $0x5, v20;
	v13 =	vmul.f32 v13, v13  }
0x230: {  	v3 =	vmul.f32 v3, v3;
	v9 =	vadd.f32 v9, v14;
	v19 =	vadd.f32 v19, v0;
	v0 =	vld.idx.msk [tilespmem:v42+s15+$0x0], $0xffff  }
0x231: {  	v36 =	vmul.f32 v36, v36;
	v18 =	vadd.f32 v18, v23;
	v13 =	vadd.f32 v13, v52;
	v27 =	vld.idx.msk [tilespmem:v50+s15+$0x0], $0xffff  }
0x232: {  	v21 =	vor.u32 $0xA, v40;
	v58 =	vmul.f32 v45, v45;
	v53 =	vor.u32 $0x2, v20;
	v43 =	vld.idx.msk [tilespmem:v51+s15+$0x0], $0xffff  }
0x233: {  	v6 =	vadd.f32 v6, v18;
	v4 =	vor.u32 $0xF, v40;
	v60 =	vadd.f32 v7, v13;
	v7 =	vld.idx.msk [tilespmem:v46+s15+$0x0], $0xffff  }
0x234: {  	v9 =	vadd.f32 v58, v9;
	v56 =	vor.u32 $0x6, v20;
	v62 =	vmul.f32 v47, v47;
	v37 =	vld.idx.msk [tilespmem:v55+s15+$0x0], $0xffff  }
0x235: {  	v49 =	vadd.f32 v33, v32;
	v34 =	vsub.f32 $0.0e+00, v34;
	v57 =	vor.u32 $0x8, v20;
	v13 =	vld.idx.msk [tilespmem:v40+s15+$0x0], $0xffff  }
0x236: {  	v61 =	vor.u32 $0x7, v20;
	v47 =	vmul.f32 v26, v26;
	v14 =	vadd.f32 v36, v62;
	v36 =	vld.idx.msk [tilespmem:v20+s15+$0x0], $0xffff  }
0x237: {  	v59 =	vor.u32 $0x9, v20;
	v63 =	vor.u32 $0xC, v20;
	v34 =	vmul.f32 $1.442695020e+00, v34;
	v30 =	vld.idx.msk [tilespmem:v53+s15+$0x0], $0xffff  }
0x238: {  	s9 =	simm.s32 $0x30;
	v54 =	vor.u32 $0xB, v20;
	v26 =	vadd.f32 v29, v49;
	v51 =	vadd.f32 v47, v9;
	v9 =	vld.idx.msk [tilespmem:v25+s15+$0x0], $0xffff  }
0x239: {  	v52 =	vmov s9;
	v29 =	vor.u32 $0xE, v20;
	(erf) = vpow2.f32 v34;
	v31 =	vld.idx.msk [tilespmem:v56+s15+$0x0], $0xffff  }
0x23a: {  	v16 =	vshll.u32 v52, $0x4;
	v55 =	vld [tilespmem:$0x1FFF0];
	v26 =	vadd.f32 v2, v26;
	v47 =	vsub.f32 $0.0e+00, v6  }
0x23b: {  	v45 =	vld.idx.msk [tilespmem:v61+s15+$0x0], $0xffff;
	v61 =	vmul.f32 v8, v8;
	v19 =	vadd.f32 v38, v19;
	v35 =	vadd.f32 v35, v60  }
0x23c: {  	v50 =	vor.u32 $0xD, v20;
	v41 =	vld.idx.msk [tilespmem:v57+s15+$0x0], $0xffff;
	v53 =	vadd.f32 v28, v14;
	v33 =	vsub.f32 $0.0e+00, v51  }
0x23d: {  	v42 =	vor.u32 $0x3, v20;
	v2 =	vld.idx.msk [tilespmem:v48+s15+$0x0], $0xffff;
	v62 =	vsub.f32 $0.0e+00, v26;
	v22 =	vadd.f32 v61, v22  }
0x23e: {  	v46 =	vor.u32 $0xA, v20;
	v18 =	vld.idx.msk [tilespmem:v63+s15+$0x0], $0xffff;
	v19 =	vsub.f32 $0.0e+00, v19;
	v58 =	vsub.f32 $0.0e+00, v35  }
0x23f: {  	v20 =	vor.u32 $0xF, v20;
	v8 =	vld.idx.msk [tilespmem:v21+s15+$0x0], $0xffff;
	v25 =	vadd.f32 v10, v53;
	v3 =	vadd.f32 v3, v22  }
0x240: {  	v6 =	vld.idx.msk [tilespmem:v17+s15+$0x0], $0xffff;
	v33 =	vmul.f32 $1.442695020e+00, v33;
	v63 =	vsub.f32 v0, v27;
	v43 =	vsub.f32 v1, v43  }
0x241: {  	v21 =	vmul.f32 $1.442695020e+00, v62;
	v32 =	vld.idx.msk [tilespmem:v50+s15+$0x0], $0xffff;
	v36 =	vsub.f32 v13, v36;
	v50 =	vsub.f32 v7, v37  }
0x242: {  	v14 =	vld.idx.msk [tilespmem:v39+s15+$0x0], $0xffff;
	v39 =	vor.u32 v55, v16;
	v30 =	vsub.f32 v5, v30;
	v31 =	vsub.f32 v9, v31  }
0x243: {  	v28 =	vld.idx.msk [tilespmem:v54+s15+$0x0], $0xffff;
	v27 =	vmul.f32 $1.442695020e+00, v47;
	v62 =	vsub.f32 v2, v45;
	v18 =	vsub.f32 v11, v18  }
0x244: {  	v35 =	vld.idx.msk [tilespmem:v59+s15+$0x0], $0xffff;
	v19 =	vmul.f32 $1.442695020e+00, v19;
	v56 =	vor.u32 $0x1, v39;
	v57 =	vor.u32 $0x4, v39  }
0x245: {  	v16 =	vld.idx.msk [tilespmem:v24+s15+$0x0], $0xffff;
	v38 =	vor.u32 $0x2, v39;
	v59 =	vor.u32 $0x5, v39;
	v24 =	vmul.f32 $1.442695020e+00, v58  }
0x246: {  	v10 =	vld.idx.msk [tilespmem:v44+s15+$0x0], $0xffff;
	v44 =	vor.u32 $0x6, v39;
	v60 =	vsub.f32 $0.0e+00, v25;
	v26 =	vor.u32 $0x8, v39  }
0x247: {  	v29 =	vld.idx.msk [tilespmem:v29+s15+$0x0], $0xffff;
	v25 =	vor.u32 $0x3, v39;
	v40 =	vor.u32 $0xA, v39;
	(erf) = vpow2.f32 v19  }
0x248: {  	v15 =	vld.idx.msk [tilespmem:v15+s15+$0x0], $0xffff;
	v3 =	vsub.f32 $0.0e+00, v3;
	v54 =	vor.u32 $0xC, v39;
	v22 =	vmul.f32 v63, v63  }
0x249: {  	v42 =	vld.idx.msk [tilespmem:v42+s15+$0x0], $0xffff;
	v61 =	vor.u32 $0xE, v39;
	v52 =	vmul.f32 v36, v36;
	(erf) = vpow2.f32 v24  }
0x24a: {  	s0 =	simm.s32 $0x230;
	v46 =	vld.idx.msk [tilespmem:v46+s15+$0x0], $0xffff;
	v43 =	vmul.f32 v43, v43;
	v41 =	vsub.f32 v14, v41;
	v30 =	vmul.f32 v30, v30  }
0x24b: {  	v53 =	vld [tilespmem:s0+$0xFFFFFFE0];
	v31 =	vmul.f32 v31, v31;
	v28 =	vsub.f32 v6, v28;
	(erf) = vpow2.f32 v33  }
0x24c: {  	v20 =	vld.idx.msk [tilespmem:v20+s15+$0x0], $0xffff;
	v18 =	vmul.f32 v18, v18;
	v3 =	vmul.f32 $1.442695020e+00, v3;
	v29 =	vsub.f32 v12, v29  }
0x24d: {  	v24 =	vmul.f32 $1.442695020e+00, v60;
	v22 =	vadd.f32 v22, v52;
	v60 =	vor.u32 $0xB, v39;
	v55 =	vld.idx.msk [tilespmem:v56+s15+$0x0], $0xffff  }
0x24e: {  	v33 =	vmul.f32 v50, v50;
	v35 =	vsub.f32 v16, v35;
	v42 =	vsub.f32 v10, v42;
	v19 =	vld.idx.msk [tilespmem:v57+s15+$0x0], $0xffff  }
0x24f: {  	v48 =	vpop (erf);
	v63 =	vsub.f32 v8, v46;
	v32 =	vsub.f32 v15, v32;
	v50 =	vmul.f32 v29, v29;
	v23 =	vld.idx.msk [tilespmem:v59+s15+$0x0], $0xffff  }
0x250: {  	(erf) = vpow2.f32 v24;
	v24 =	vor.u32 $0x9, v39;
	v59 =	vld.idx.msk [tilespmem:v39+s15+$0x0], $0xffff;
	v22 =	vadd.f32 v30, v22;
	v49 =	vpop (erf)  }
0x251: {  	v38 =	vld.idx.msk [tilespmem:v38+s15+$0x0], $0xffff;
	(erf) = vpow2.f32 v21;
	v21 =	vor.u32 $0x7, v39;
	v17 =	vadd.f32 v49, v48  }
0x252: {  	v44 =	vld.idx.msk [tilespmem:v44+s15+$0x0], $0xffff;
	v33 =	vadd.f32 v33, v43;
	v35 =	vmul.f32 v35, v35;
	v42 =	vmul.f32 v42, v42;
	v51 =	vpop (erf)  }
0x253: {  	v26 =	vld.idx.msk [tilespmem:v26+s15+$0x0], $0xffff;
	v32 =	vmul.f32 v32, v32;
	(erf) = vpow2.f32 v27;
	v17 =	vadd.f32 v51, v17  }
0x254: {  	v25 =	vld.idx.msk [tilespmem:v25+s15+$0x0], $0xffff;
	v31 =	vadd.f32 v31, v33;
	v22 =	vadd.f32 v42, v22;
	(erf) = vpow2.f32 v3;
	v3 =	vpop (erf)  }
0x255: {  	v18 =	vadd.f32 v32, v18;
	v3 =	vadd.f32 v3, v17;
	v17 =	vld.idx.msk [tilespmem:v4+s15+$0x0], $0xffff;
	v4 =	vmul.f32 v41, v41  }
0x256: {  	v56 =	vor.u32 $0xD, v39;
	v29 =	vld.idx.msk [tilespmem:v54+s15+$0x0], $0xffff;
	v0 =	vsub.f32 v0, v55;
	v1 =	vsub.f32 v1, v19  }
0x257: {  	v46 =	vmul.f32 v63, v63;
	v32 =	vld.idx.msk [tilespmem:v40+s15+$0x0], $0xffff;
	v7 =	vsub.f32 v7, v23;
	v35 =	vadd.f32 v35, v4  }
0x258: {  	s11 =	simm.s32 $0x2020;
	v39 =	vor.u32 $0xF, v39;
	v30 =	vld.idx.msk [tilespmem:v60+s15+$0x0], $0xffff;
	v13 =	vsub.f32 v13, v59;
	v22 =	vsub.f32 $0.0e+00, v22  }
0x259: {  	v33 =	vld.idx.msk [tilespmem:v61+s15+$0x0], $0xffff;
	v27 =	vadd.f32 v50, v18;
	v49 =	vadd.f32 v46, v35;
	v35 =	vmov s11  }
0x25a: {  	vm0 =	veq.s32 v53, $0xFFFFFFFF;
	v5 =	vsub.f32 v5, v38;
	v14 =	vsub.f32 v14, v26;
	v36 =	vld.idx.msk [tilespmem:v21+s15+$0x0], $0xffff  }
0x25b: {  	v24 =	vld.idx.msk [tilespmem:v24+s15+$0x0], $0xffff;
	v10 =	vsub.f32 v10, v25;
	v51 =	vor.u32 $0xF, v35;
	v20 =	vsub.f32 v17, v20  }
0x25c: {  	v23 =	vld.idx.msk [tilespmem:v56+s15+$0x0], $0xffff;
	v29 =	vsub.f32 v11, v29;
	v48 =	vmul.f32 v28, v28;
	v52 =	vor.u32 $0xB, v35  }
0x25d: {  	v39 =	vld.idx.msk [tilespmem:v39+s15+$0x0], $0xffff;
	v0 =	vmul.f32 v0, v0;
	v53 =	vor.u32 $0xE, v35;
	v59 =	vmul.f32 v20, v20  }
0x25e: {  	v54 =	vmul.f32 v1, v1;
	v13 =	vmul.f32 v13, v13;
	v55 =	vor.u32 $0x3, v35;
	v1 =	vld.idx.msk [tilespmem:v35+s15+$0x0], $0xffff  }
0x25f: {  	v56 =	vor.u32 $0x7, v35;
	v26 =	vadd.f32 v59, v27;
	v59 =	vsub.f32 v2, v36;
	v2 =	vld [tilespmem:$0x1FFF0]  }
0x260: {  	v7 =	vmul.f32 v7, v7;
	v63 =	vmul.f32 v5, v5;
	v57 =	vpop (erf);
	v5 =	vor.u32 $0x6, v35;
	v18 =	vld.idx.msk [tilespmem:v51+s15+$0x0], $0xffff  }
0x261: {  	v9 =	vsub.f32 v9, v44;
	v61 =	vmul.f32 $1.442695020e+00, v22;
	v10 =	vmul.f32 v10, v10;
	v58 =	vpop (erf);
	v19 =	vld.idx.msk [tilespmem:v52+s15+$0x0], $0xffff  }
0x262: {  	v29 =	vmul.f32 v29, v29;
	v43 =	vadd.f32 v58, v57;
	v57 =	vor.u32 $0xA, v35;
	v21 =	vld.idx.msk [tilespmem:v53+s15+$0x0], $0xffff  }
0x263: {  	v32 =	vsub.f32 v8, v32;
	v6 =	vsub.f32 v6, v30;
	v58 =	vor.u32 $0xC, v35;
	v22 =	vld.idx.msk [tilespmem:v55+s15+$0x0], $0xffff  }
0x264: {  	v12 =	vsub.f32 v12, v33;
	v50 =	vadd.f32 v7, v54;
	v60 =	vor.u32 $0xD, v35;
	v20 =	vld.idx.msk [tilespmem:v56+s15+$0x0], $0xffff  }
0x265: {  	v54 =	vmul.f32 v14, v14;
	v41 =	vmul.f32 v62, v62;
	v62 =	vor.u32 $0x2, v35;
	v14 =	vld.idx.msk [tilespmem:v5+s15+$0x0], $0xffff  }
0x266: {  	v0 =	vadd.f32 v0, v13;
	v28 =	vadd.f32 v48, v49;
	v49 =	vor.u32 $0x8, v35;
	v5 =	vld [tilespmem:$0x1FFF0]  }
0x267: {  	(erf) = vpow2.f32 v61;
	v24 =	vsub.f32 v16, v24;
	v16 =	vld.idx.msk [tilespmem:v57+s15+$0x0], $0xffff;
	v51 =	vor.u32 $0x9, v35  }
0x268: {  	s26 =	simm.s32 $0x50;
	s8 =	simm.s32 $0x40;
	v23 =	vsub.f32 v15, v23;
	v13 =	vld.idx.msk [tilespmem:v58+s15+$0x0], $0xffff;
	v52 =	vmul.f32 v9, v9;
	v53 =	vor.u32 $0x1, v35  }
0x269: {  	v7 =	vld.idx.msk [tilespmem:v60+s15+$0x0], $0xffff;
	v55 =	vmov s26;
	v56 =	vor.u32 $0x4, v35;
	v57 =	vmov s8  }
0x26a: {  	v9 =	vld.idx.msk [tilespmem:v62+s15+$0x0], $0xffff;
	v35 =	vor.u32 $0x5, v35;
	v58 =	vshll.u32 v55, $0x4;
	v44 =	vshll.u32 v57, $0x4  }
0x26b: {  	v32 =	vmul.f32 v32, v32;
	v36 =	vor.u32 v2, v44;
	v45 =	vor.u32 v5, v58;
	v5 =	vld.idx.msk [tilespmem:v49+s15+$0x0], $0xffff  }
0x26c: {  	v6 =	vmul.f32 v6, v6;
	v12 =	vmul.f32 v12, v12;
	v0 =	vadd.f32 v63, v0;
	v2 =	vld.idx.msk [tilespmem:v51+s15+$0x0], $0xffff  }
0x26d: {  	v24 =	vmul.f32 v24, v24;
	v31 =	vadd.f32 v41, v31;
	v8 =	vld.idx.msk [tilespmem:v53+s15+$0x0], $0xffff;
	v57 =	vor.u32 $0xF, v36  }
0x26e: {  	v48 =	vsub.f32 $0.0e+00, v28;
	v28 =	vmul.f32 v59, v59;
	v11 =	vld.idx.msk [tilespmem:v56+s15+$0x0], $0xffff;
	v59 =	vor.u32 $0xB, v36  }
0x26f: {  	v23 =	vmul.f32 v23, v23;
	v0 =	vadd.f32 v10, v0;
	v15 =	vld.idx.msk [tilespmem:v35+s15+$0x0], $0xffff;
	v60 =	vor.u32 $0xF, v45  }
0x270: {  	v3 =	vmul.f32 $2.500000000e-01, v3;
	v31 =	vsub.f32 $0.0e+00, v31;
	v61 =	vor.u32 $0xB, v45;
	v38 =	vld.idx.msk [tilespmem:v36+s15+$0x0], $0xffff  }
0x271: {  	v24 =	vadd.f32 v24, v54;
	v4 =	vpop (erf);
	v34 =	vadd.f32 v52, v50;
	v62 =	vor.u32 $0xE, v45;
	v37 =	vld.idx.msk [tilespmem:v45+s15+$0x0], $0xffff  }
0x272: {  	v4 =	vadd.f32 v4, v43;
	v31 =	vmul.f32 $1.442695020e+00, v31;
	v63 =	vor.u32 $0x3, v45;
	v43 =	vld.idx.msk [tilespmem:v57+s15+$0x0], $0xffff  }
0x273: {  	v23 =	vadd.f32 v23, v29;
	v51 =	vadd.f32 v28, v34;
	v46 =	vor.u32 $0x7, v45;
	v28 =	vld.idx.msk [tilespmem:v59+s15+$0x0], $0xffff  }
0x274: {  	v0 =	vsub.f32 $0.0e+00, v0;
	(erf) = vpow2.f32 v31;
	v47 =	vor.u32 $0xA, v45;
	v25 =	vld.idx.msk [tilespmem:v60+s15+$0x0], $0xffff  }
0x275: {  	v27 =	vmul.f32 $1.442695020e+00, v48;
	v26 =	vsub.f32 $0.0e+00, v26;
	v48 =	vor.u32 $0xC, v45;
	v30 =	vld.idx.msk [tilespmem:v61+s15+$0x0], $0xffff  }
0x276: {  	v24 =	vadd.f32 v32, v24;
	v17 =	vsub.f32 v17, v39;
	v49 =	vor.u32 $0xD, v45;
	v35 =	vld.idx.msk [tilespmem:v62+s15+$0x0], $0xffff  }
0x277: {  	(erf) = vpow2.f32 v27;
	v10 =	vmul.f32 $1.442695020e+00, v26;
	v50 =	vor.u32 $0x2, v45;
	v40 =	vld.idx.msk [tilespmem:v63+s15+$0x0], $0xffff  }
0x278: {  	v12 =	vadd.f32 v12, v23;
	v6 =	vadd.f32 v6, v24;
	v52 =	vor.u32 $0x6, v45;
	v34 =	vld.idx.msk [tilespmem:v46+s15+$0x0], $0xffff  }
0x279: {  	v17 =	vmul.f32 v17, v17;
	(erf) = vpow2.f32 v10;
	v10 =	vor.u32 $0x1, v45;
	v41 =	vld.idx.msk [tilespmem:v47+s15+$0x0], $0xffff  }
0x27a: {  	v0 =	vmul.f32 $1.442695020e+00, v0;
	v6 =	vsub.f32 $0.0e+00, v6;
	v53 =	vor.u32 $0x8, v45;
	v29 =	vld.idx.msk [tilespmem:v48+s15+$0x0], $0xffff  }
0x27b: {  	v3 =	vsel vm0, $0x0, v3;
	v54 =	vpop (erf);
	v12 =	vadd.f32 v17, v12;
	v55 =	vor.u32 $0x4, v45;
	v33 =	vld.idx.msk [tilespmem:v49+s15+$0x0], $0xffff  }
0x27c: {  	v6 =	vmul.f32 $1.442695020e+00, v6;
	v56 =	vpop (erf);
	(erf) = vpow2.f32 v0;
	v59 =	vor.u32 $0x4, v36;
	v26 =	vld.idx.msk [tilespmem:v50+s15+$0x0], $0xffff  }
0x27d: {  	v0 =	vadd.f32 v54, v4;
	v27 =	vsub.f32 $0.0e+00, v51;
	v58 =	vpop (erf);
	v24 =	vld.idx.msk [tilespmem:v52+s15+$0x0], $0xffff;
	v60 =	vor.u32 $0xE, v36  }
0x27e: {  	v54 =	vsub.f32 $0.0e+00, v12;
	v23 =	vadd.f32 v58, v56;
	v44 =	vld.idx.msk [tilespmem:v10+s15+$0x0], $0xffff;
	v10 =	vor.u32 $0x3, v36  }
0x27f: {  	v56 =	vor.u32 $0x2, v36;
	v27 =	vmul.f32 $1.442695020e+00, v27;
	v32 =	vld.idx.msk [tilespmem:v53+s15+$0x0], $0xffff;
	v61 =	vor.u32 $0x7, v36  }
0x280: {  	v58 =	vor.u32 $0x1, v36;
	v57 =	vor.u32 $0x6, v36;
	v39 =	vld.idx.msk [tilespmem:v55+s15+$0x0], $0xffff;
	v62 =	vpop (erf);
	v63 =	vor.u32 $0x5, v45  }
0x281: {  	(erf) = vpow2.f32 v27;
	v52 =	vor.u32 $0xA, v36;
	v23 =	vadd.f32 v62, v23;
	v48 =	vld.idx.msk [tilespmem:v59+s15+$0x0], $0xffff  }
0x282: {  	v53 =	vor.u32 $0xC, v36;
	v45 =	vor.u32 $0x9, v45;
	v4 =	vpop (erf);
	v38 =	vsub.f32 v1, v38;
	v42 =	vld.idx.msk [tilespmem:v60+s15+$0x0], $0xffff  }
0x283: {  	(erf) = vpow2.f32 v6;
	v6 =	vadd.f32 v4, v23;
	v37 =	vsub.f32 v1, v37;
	v55 =	vld.idx.msk [tilespmem:v10+s15+$0x0], $0xffff  }
0x284: {  	v46 =	vor.u32 $0x9, v36;
	v49 =	vld.idx.msk [tilespmem:v61+s15+$0x0], $0xffff;
	v1 =	vsub.f32 v18, v25;
	v25 =	vsub.f32 v18, v43  }
0x285: {  	v62 =	vor.u32 $0x8, v36;
	v47 =	vld.idx.msk [tilespmem:v63+s15+$0x0], $0xffff;
	v12 =	vsub.f32 v19, v30;
	v19 =	vsub.f32 v19, v28  }
0x286: {  	v4 =	vor.u32 $0xD, v36;
	v27 =	vld.idx.msk [tilespmem:v52+s15+$0x0], $0xffff;
	v10 =	vsub.f32 v21, v35;
	v35 =	vsub.f32 v22, v40  }
0x287: {  	v31 =	vld.idx.msk [tilespmem:v53+s15+$0x0], $0xffff;
	v60 =	vor.u32 $0x5, v36;
	v17 =	vsub.f32 v20, v34;
	v41 =	vsub.f32 v16, v41  }
0x288: {  	v61 =	vld.idx.msk [tilespmem:v56+s15+$0x0], $0xffff;
	v63 =	vmul.f32 $1.442695020e+00, v54;
	v29 =	vsub.f32 v13, v29;
	v24 =	vsub.f32 v14, v24  }
0x289: {  	v18 =	vld.idx.msk [tilespmem:v57+s15+$0x0], $0xffff;
	v51 =	vsub.f32 v8, v44;
	v53 =	vsub.f32 v11, v39;
	v57 =	vmul.f32 v38, v38  }
0x28a: {  	v28 =	vld.idx.msk [tilespmem:v58+s15+$0x0], $0xffff;
	v56 =	vsub.f32 v5, v32;
	(erf) = vpow2.f32 v63;
	v58 =	vmul.f32 v29, v29  }
0x28b: {  	v50 =	vld.idx.msk [tilespmem:v45+s15+$0x0], $0xffff;
	v53 =	vmul.f32 v53, v53;
	v24 =	vmul.f32 v24, v24;
	v11 =	vsub.f32 v11, v48  }
0x28c: {  	v52 =	vld.idx.msk [tilespmem:v46+s15+$0x0], $0xffff;
	v35 =	vmul.f32 v35, v35;
	v21 =	vsub.f32 v21, v42;
	v22 =	vsub.f32 v22, v55  }
0x28d: {  	v17 =	vmul.f32 v17, v17;
	v40 =	vsub.f32 v20, v49;
	v16 =	vsub.f32 v16, v27  }
0x28e: {  	s9 =	simm.s32 $0x2030;
	v10 =	vmul.f32 v10, v10;
	v31 =	vsub.f32 v13, v31;
	v49 =	vsub.f32 v7, v33  }
0x28f: {  	v23 =	vld.idx.msk [tilespmem:v60+s15+$0x0], $0xffff;
	v33 =	vmov s9;
	v14 =	vsub.f32 v14, v18;
	v8 =	vsub.f32 v8, v28  }
0x290: {  	v4 =	vld.idx.msk [tilespmem:v4+s15+$0x0], $0xffff;
	v54 =	vsub.f32 v15, v47;
	v34 =	vsub.f32 v2, v50;
	v60 =	vmul.f32 v56, v56  }
0x291: {  	v2 =	vsub.f32 v2, v52;
	v50 =	vmul.f32 v51, v51;
	v56 =	vmul.f32 v25, v25  }
0x292: {  	v36 =	vor.u32 $0x4, v33;
	v27 =	vor.u32 $0x2, v33;
	v39 =	vor.u32 $0x5, v33  }
0x293: {  	v32 =	vor.u32 $0x8, v33;
	v38 =	vor.u32 $0x3, v33;
	v11 =	vmul.f32 v11, v11  }
0x294: {  	v44 =	vor.u32 $0x9, v33;
	v29 =	vor.u32 $0x7, v33;
	v55 =	vsub.f32 v15, v23  }
0x295: {  	v8 =	vmul.f32 v8, v8;
	v59 =	vmul.f32 v49, v49;
	v4 =	vsub.f32 v7, v4  }
0x296: {  	v20 =	vld.idx.msk [tilespmem:v62+s15+$0x0], $0xffff;
	v7 =	vsub.f32 v9, v26;
	v9 =	vsub.f32 v9, v61;
	v13 =	vmul.f32 v55, v55  }
0x297: {  	v45 =	vor.u32 $0xA, v33;
	v14 =	vmul.f32 v14, v14;
	v2 =	vmul.f32 v2, v2  }
0x298: {  	v8 =	vadd.f32 v8, v57;
	v9 =	vmul.f32 v9, v9;
	v11 =	vadd.f32 v13, v11  }
0x299: {  	v18 =	vor.u32 $0xD, v33;
	v62 =	vmul.f32 v31, v31;
	v46 =	vmul.f32 v40, v40  }
0x29a: {  	v8 =	vadd.f32 v9, v8;
	v9 =	vadd.f32 v14, v11;
	v11 =	vmul.f32 v22, v22  }
0x29b: {  	v23 =	vor.u32 $0x6, v33;
	v5 =	vsub.f32 v5, v20;
	v4 =	vmul.f32 v4, v4  }
0x29c: {  	v21 =	vmul.f32 v21, v21;
	v30 =	vadd.f32 v59, v58;
	v11 =	vadd.f32 v11, v8;
	v8 =	vld [tilespmem:$0x1FFF0]  }
0x29d: {  	v57 =	vmul.f32 v7, v7;
	v7 =	vld.idx.msk [tilespmem:v39+s15+$0x0], $0xffff;
	v5 =	vmul.f32 v5, v5;
	v4 =	vadd.f32 v4, v62  }
0x29e: {  	s28 =	simm.s32 $0x60;
	v26 =	vor.u32 $0x1, v33;
	v30 =	vadd.f32 v10, v30;
	v10 =	vld.idx.msk [tilespmem:v38+s15+$0x0], $0xffff;
	v9 =	vadd.f32 v46, v9  }
0x29f: {  	s26 =	simm.s32 $0x4840;
	v2 =	vadd.f32 v2, v5;
	v5 =	vmov s28;
	v48 =	vadd.f32 v21, v4;
	v4 =	vld [tilespmem:s0+$0x0]  }
0x2a0: {  	v5 =	vshll.u32 v5, $0x4;
	v14 =	vld.idx.msk [tilespmem:v23+s15+$0x0], $0xffff;
	[tilespmem:s26+$0xFFFFFFE0] =	vst v3;
	v11 =	vsub.f32 $0.0e+00, v11;
	v9 =	vsub.f32 $0.0e+00, v9  }
0x2a1: {  	v49 =	vmul.f32 v37, v37;
	v3 =	vld [tilespmem:s0+$0xFFFFFFF0];
	v22 =	vor.u32 v8, v5;
	v5 =	vmul.f32 v16, v16  }
0x2a2: {  	v43 =	vld [tilespmem:$0x1FFF0];
	v11 =	vmul.f32 $1.442695020e+00, v11;
	v62 =	vmul.f32 $1.442695020e+00, v9;
	v63 =	vor.u32 $0x1, v22  }
0x2a3: {  	v9 =	vld.idx.msk [tilespmem:v33+s15+$0x0], $0xffff;
	v47 =	vor.u32 $0x4, v22;
	v2 =	vadd.f32 v5, v2;
	v5 =	vmul.f32 v19, v19  }
0x2a4: {  	v54 =	vmul.f32 v54, v54;
	v52 =	vor.u32 $0x5, v22;
	(erf) = vpow2.f32 v11;
	v11 =	vld.idx.msk [tilespmem:v27+s15+$0x0], $0xffff  }
0x2a5: {  	v61 =	vmul.f32 v34, v34;
	v21 =	vadd.f32 v50, v49;
	v51 =	vadd.f32 v5, v2;
	v2 =	vld.idx.msk [tilespmem:v26+s15+$0x0], $0xffff  }
0x2a6: {  	v20 =	vor.u32 $0xC, v33;
	v15 =	vor.u32 $0xE, v33;
	v55 =	vor.u32 $0x2, v22;
	v5 =	vld.idx.msk [tilespmem:v36+s15+$0x0], $0xffff  }
0x2a7: {  	v34 =	vadd.f32 v61, v60;
	v61 =	vadd.f32 v57, v21;
	v58 =	vor.u32 $0x6, v22;
	v42 =	vld.idx.msk [tilespmem:v63+s15+$0x0], $0xffff  }
0x2a8: {  	v13 =	vor.u32 $0xB, v33;
	v59 =	vadd.f32 v56, v48;
	v26 =	vadd.f32 v54, v53;
	v36 =	vld.idx.msk [tilespmem:v47+s15+$0x0], $0xffff  }
0x2a9: {  	v46 =	vmul.f32 v41, v41;
	v35 =	vadd.f32 v35, v61;
	v60 =	vor.u32 $0x8, v22;
	v25 =	vld.idx.msk [tilespmem:v52+s15+$0x0], $0xffff  }
0x2aa: {  	v16 =	vsub.f32 $0.0e+00, v59;
	v59 =	vmul.f32 v1, v1;
	v24 =	vadd.f32 v24, v26;
	v26 =	vld.idx.msk [tilespmem:v22+s15+$0x0], $0xffff  }
0x2ab: {  	v21 =	vor.u32 $0x3, v22;
	(erf) = vpow2.f32 v62;
	v48 =	vsub.f32 $0.0e+00, v51;
	v31 =	vld.idx.msk [tilespmem:v55+s15+$0x0], $0xffff  }
0x2ac: {  	v56 =	vpop (erf);
	v53 =	vsub.f32 $0.0e+00, v35;
	v63 =	vor.u32 $0x9, v22;
	v28 =	vld.idx.msk [tilespmem:v58+s15+$0x0], $0xffff;
	v17 =	vadd.f32 v17, v24  }
0x2ad: {  	v47 =	vor.u32 $0x7, v22;
	v52 =	vmul.f32 v12, v12;
	v12 =	vld.idx.msk [tilespmem:v32+s15+$0x0], $0xffff;
	v58 =	vpop (erf);
	v51 =	vmul.f32 $1.442695020e+00, v48  }
0x2ae: {  	v35 =	vld.idx.msk [tilespmem:v60+s15+$0x0], $0xffff;
	v55 =	vmul.f32 $1.442695020e+00, v16;
	v19 =	vadd.f32 v58, v56;
	v17 =	vsub.f32 $0.0e+00, v17  }
0x2af: {  	v49 =	vor.u32 $0xA, v22;
	v16 =	vld.idx.msk [tilespmem:v44+s15+$0x0], $0xffff;
	v23 =	vmul.f32 $1.442695020e+00, v53;
	v60 =	vpop (erf);
	(erf) = vpow2.f32 v51  }
0x2b0: {  	v21 =	vld.idx.msk [tilespmem:v21+s15+$0x0], $0xffff;
	v1 =	vpop (erf);
	v19 =	vadd.f32 v60, v19;
	(erf) = vpow2.f32 v55;
	v17 =	vmul.f32 $1.442695020e+00, v17  }
0x2b1: {  	v8 =	vor.u32 $0xF, v33;
	v33 =	vadd.f32 v46, v34;
	v40 =	vld.idx.msk [tilespmem:v63+s15+$0x0], $0xffff;
	[tilespmem:$0x1FD90] =	vst v1;
	(erf) = vpow2.f32 v23  }
0x2b2: {  	v50 =	vor.u32 $0xC, v22;
	(erf) = vpow2.f32 v17;
	v17 =	vld.idx.msk [tilespmem:v29+s15+$0x0], $0xffff;
	[tilespmem:$0x1FDA0] =	vst v19  }
0x2b3: {  	vm1 =	veq.s32 v4, $0xFFFFFFFF;
	v57 =	vor.u32 $0xB, v22;
	v27 =	vadd.f32 v52, v33;
	v44 =	vld.idx.msk [tilespmem:v47+s15+$0x0], $0xffff  }
0x2b4: {  	s11 =	simm.s32 $0x70;
	v61 =	vor.u32 $0xE, v22;
	vm15 =	veq.s32 v3, $0xFFFFFFFF;
	v62 =	vadd.f32 v59, v30;
	v19 =	vld.idx.msk [tilespmem:v45+s15+$0x0], $0xffff  }
0x2b5: {  	v54 =	vmov s11;
	v24 =	vor.u32 $0xD, v22;
	v27 =	vsub.f32 $0.0e+00, v27;
	v37 =	vld.idx.msk [tilespmem:v49+s15+$0x0], $0xffff  }
0x2b6: {  	v32 =	vshll.u32 v54, $0x4;
	v46 =	vsub.f32 v2, v42;
	v36 =	vsub.f32 v5, v36;
	v20 =	vld.idx.msk [tilespmem:v20+s15+$0x0], $0xffff  }
0x2b7: {  	v22 =	vor.u32 $0xF, v22;
	v26 =	vsub.f32 v9, v26;
	v25 =	vsub.f32 v7, v25;
	v34 =	vld.idx.msk [tilespmem:v50+s15+$0x0], $0xffff  }
0x2b8: {  	s29 =	simm.s32 $0x270;
	v1 =	vor.u32 v43, v32;
	v28 =	vsub.f32 v14, v28;
	v35 =	vsub.f32 v12, v35;
	v18 =	vld.idx.msk [tilespmem:v18+s15+$0x0], $0xffff  }
0x2b9: {  	v21 =	vsub.f32 v10, v21;
	v27 =	vmul.f32 $1.442695020e+00, v27;
	v51 =	vor.u32 $0x1, v1;
	v52 =	vld [tilespmem:s29+$0xFFFFFFE0]  }
0x2ba: {  	v54 =	vor.u32 $0x4, v1;
	v56 =	vor.u32 $0x5, v1;
	v59 =	vor.u32 $0x2, v1;
	v24 =	vld.idx.msk [tilespmem:v24+s15+$0x0], $0xffff  }
0x2bb: {  	v60 =	vor.u32 $0x6, v1;
	v32 =	vmul.f32 v46, v46;
	v36 =	vmul.f32 v36, v36;
	v13 =	vld.idx.msk [tilespmem:v13+s15+$0x0], $0xffff  }
0x2bc: {  	v42 =	vor.u32 $0x8, v1;
	v26 =	vmul.f32 v26, v26;
	v25 =	vmul.f32 v25, v25;
	v57 =	vld.idx.msk [tilespmem:v57+s15+$0x0], $0xffff  }
0x2bd: {  	v28 =	vmul.f32 v28, v28;
	v35 =	vmul.f32 v35, v35;
	v29 =	vsub.f32 $0.0e+00, v62;
	v15 =	vld.idx.msk [tilespmem:v15+s15+$0x0], $0xffff  }
0x2be: {  	v63 =	vpop (erf);
	v21 =	vmul.f32 v21, v21;
	v49 =	vsub.f32 v11, v31;
	v25 =	vadd.f32 v25, v36;
	v33 =	vld.idx.msk [tilespmem:v61+s15+$0x0], $0xffff  }
0x2bf: {  	v47 =	vpop (erf);
	v26 =	vadd.f32 v32, v26;
	v8 =	vld.idx.msk [tilespmem:v8+s15+$0x0], $0xffff;
	v29 =	vmul.f32 $1.442695020e+00, v29;
	v40 =	vsub.f32 v16, v40  }
0x2c0: {  	(erf) = vpow2.f32 v27;
	v22 =	vld.idx.msk [tilespmem:v22+s15+$0x0], $0xffff;
	v30 =	vadd.f32 v47, v63;
	v25 =	vadd.f32 v28, v25  }
0x2c1: {  	v47 =	vld.idx.msk [tilespmem:v59+s15+$0x0], $0xffff;
	v59 =	vor.u32 $0xE, v1;
	(erf) = vpow2.f32 v29;
	v40 =	vmul.f32 v40, v40;
	v48 =	vpop (erf)  }
0x2c2: {  	v63 =	vld.idx.msk [tilespmem:v1+s15+$0x0], $0xffff;
	v27 =	vadd.f32 v48, v30;
	v30 =	vmul.f32 v49, v49;
	v23 =	vsub.f32 v17, v44  }
0x2c3: {  	v31 =	vld.idx.msk [tilespmem:v51+s15+$0x0], $0xffff;
	vm14 =	veq.s32 v52, $0xFFFFFFFF;
	v37 =	vsub.f32 v19, v37;
	v34 =	vsub.f32 v20, v34  }
0x2c4: {  	v32 =	vld.idx.msk [tilespmem:v54+s15+$0x0], $0xffff;
	v61 =	vadd.f32 v40, v35;
	v24 =	vsub.f32 v18, v24;
	v44 =	vor.u32 $0x9, v1  }
0x2c5: {  	v36 =	vld.idx.msk [tilespmem:v56+s15+$0x0], $0xffff;
	v48 =	vor.u32 $0x3, v1;
	v49 =	vsub.f32 v13, v57;
	v33 =	vsub.f32 v15, v33  }
0x2c6: {  	v51 =	vld.idx.msk [tilespmem:v42+s15+$0x0], $0xffff;
	v50 =	vpop (erf);
	v52 =	vor.u32 $0xA, v1;
	v57 =	vor.u32 $0xB, v1;
	v22 =	vsub.f32 v8, v22  }
0x2c7: {  	v9 =	vsub.f32 v9, v63;
	v27 =	vadd.f32 v50, v27;
	v23 =	vmul.f32 v23, v23  }
0x2c8: {  	v26 =	vadd.f32 v30, v26;
	v37 =	vmul.f32 v37, v37;
	v34 =	vmul.f32 v34, v34  }
0x2c9: {  	v24 =	vmul.f32 v24, v24;
	v2 =	vsub.f32 v2, v31;
	v50 =	vor.u32 $0x7, v1  }
0x2ca: {  	v53 =	vpop (erf);
	v5 =	vsub.f32 v5, v32;
	v28 =	vmul.f32 v49, v49;
	v7 =	vsub.f32 v7, v36  }
0x2cb: {  	v33 =	vmul.f32 v33, v33;
	v11 =	vsub.f32 v11, v47;
	v12 =	vsub.f32 v12, v51;
	v55 =	vpop (erf)  }
0x2cc: {  	v22 =	vmul.f32 v22, v22;
	v9 =	vmul.f32 v9, v9;
	v29 =	vadd.f32 v55, v53  }
0x2cd: {  	v27 =	vmul.f32 $2.500000000e-01, v27;
	v3 =	vadd.f32 v21, v26;
	v45 =	vadd.f32 v23, v25  }
0x2ce: {  	v30 =	vld.idx.msk [tilespmem:v60+s15+$0x0], $0xffff;
	v4 =	vadd.f32 v37, v61;
	v24 =	vadd.f32 v24, v34;
	v53 =	vor.u32 $0xC, v1  }
0x2cf: {  	v58 =	vpop (erf);
	v55 =	vor.u32 $0xD, v1;
	v2 =	vmul.f32 v2, v2;
	v5 =	vmul.f32 v5, v5  }
0x2d0: {  	v7 =	vmul.f32 v7, v7;
	v56 =	vld.idx.msk [tilespmem:v48+s15+$0x0], $0xffff;
	v29 =	vadd.f32 v58, v29;
	v4 =	vadd.f32 v28, v4  }
0x2d1: {  	s30 =	simm.s32 $0x4880;
	v60 =	vld.idx.msk [tilespmem:v52+s15+$0x0], $0xffff;
	v27 =	vsel vm14, $0x0, v27;
	v54 =	vadd.f32 v33, v24;
	v3 =	vsub.f32 $0.0e+00, v3  }
0x2d2: {  	v1 =	vor.u32 $0xF, v1;
	v21 =	vsub.f32 $0.0e+00, v45;
	v2 =	vadd.f32 v2, v9;
	[tilespmem:s30+$0xFFFFFFE0] =	vst v27;
	v27 =	vld.idx.msk [tilespmem:v44+s15+$0x0], $0xffff  }
0x2d3: {  	v11 =	vmul.f32 v11, v11;
	v5 =	vadd.f32 v7, v5;
	v62 =	vpop (erf);
	v14 =	vsub.f32 v14, v30;
	v58 =	vld.idx.msk [tilespmem:v50+s15+$0x0], $0xffff  }
0x2d4: {  	v12 =	vmul.f32 v12, v12;
	v29 =	vadd.f32 v62, v29;
	v46 =	vld [tilespmem:s29+$0xFFFFFFF0];
	v22 =	vadd.f32 v22, v54  }
0x2d5: {  	v3 =	vmul.f32 $1.442695020e+00, v3;
	v4 =	vsub.f32 $0.0e+00, v4;
	v2 =	vadd.f32 v11, v2;
	v61 =	vld.idx.msk [tilespmem:v53+s15+$0x0], $0xffff  }
0x2d6: {  	v62 =	vmul.f32 $2.500000000e-01, v0;
	v9 =	vld.idx.msk [tilespmem:v55+s15+$0x0], $0xffff;
	v14 =	vmul.f32 v14, v14;
	v7 =	vsub.f32 v10, v56  }
0x2d7: {  	v10 =	vmul.f32 $1.442695020e+00, v21;
	v19 =	vsub.f32 v19, v60;
	(erf) = vpow2.f32 v3;
	v3 =	vld.idx.msk [tilespmem:v57+s15+$0x0], $0xffff  }
0x2d8: {  	v4 =	vmul.f32 $1.442695020e+00, v4;
	v5 =	vadd.f32 v14, v5;
	v16 =	vsub.f32 v16, v27  }
0x2d9: {  	v17 =	vsub.f32 v17, v58;
	(erf) = vpow2.f32 v10;
	v7 =	vmul.f32 v7, v7  }
0x2da: {  	v0 =	vmul.f32 v19, v19;
	vm2 =	veq.s32 v46, $0xFFFFFFFF;
	(erf) = vpow2.f32 v4  }
0x2db: {  	v10 =	vld.idx.msk [tilespmem:v59+s15+$0x0], $0xffff;
	v20 =	vsub.f32 v20, v61;
	v9 =	vsub.f32 v18, v9;
	v4 =	vmul.f32 v17, v17  }
0x2dc: {  	v16 =	vmul.f32 v16, v16;
	v7 =	vadd.f32 v7, v2;
	v3 =	vsub.f32 v13, v3  }
0x2dd: {  	v1 =	vld.idx.msk [tilespmem:v1+s15+$0x0], $0xffff;
	v63 =	vadd.f32 v4, v5;
	v2 =	vmul.f32 v20, v20;
	v4 =	vmul.f32 v9, v9  }
0x2de: {  	v11 =	vadd.f32 v16, v12;
	v5 =	vmul.f32 $2.500000000e-01, v6;
	v6 =	vmul.f32 $2.500000000e-01, v29  }
0x2df: {  	v9 =	vsub.f32 $0.0e+00, v22;
	v2 =	vadd.f32 v4, v2;
	v4 =	vsel vm15, $0x0, v62  }
0x2e0: {  	v10 =	vsub.f32 v15, v10;
	v6 =	vsel vm2, $0x0, v6;
	[tilespmem:s26+$0xFFFFFFF0] =	vst v4  }
0x2e1: {  	v0 =	vadd.f32 v0, v11;
	v9 =	vmul.f32 $1.442695020e+00, v9;
	v4 =	vsel vm1, $0x0, v5;
	[tilespmem:s30+$0xFFFFFFF0] =	vst v6  }
0x2e2: {  	v5 =	vmul.f32 v3, v3;
	v6 =	vsub.f32 $0.0e+00, v7;
	[tilespmem:s26+$0x0] =	vst v4;
	v4 =	vsub.f32 v8, v1;
	v1 =	vld [tilespmem:s29+$0x0]  }
0x2e3: {  	s31 =	simm.s32 $0x4880;
	s1 =	simm.s32 $0x2;
	v7 =	vsub.f32 $0.0e+00, v63;
	v3 =	vpop (erf);
	v8 =	vmul.f32 v10, v10;
	(erf) = vpow2.f32 v9;
	v44 =	vld [tilespmem:s0+$0x10];
	s0 =	simm.s32 $0x270  }
.LBB2_8:
0x2e4: {  	s8 =	sshll.u32 s1, $0x4  }
0x2e5: {  	s9 =	sadd.s32 $0x2020, s8  }
0x2e6: {  	v9 =	vmov s9  }
0x2e7: {  	v2 =	vadd.f32 v8, v2;
	v8 =	vor.u32 $0xF, v9  }
0x2e8: {  	v10 =	vor.u32 $0xB, v9  }
0x2e9: {  	v0 =	vadd.f32 v5, v0;
	v5 =	vmul.f32 v4, v4;
	v11 =	vor.u32 $0xE, v9  }
0x2ea: {  	v6 =	vmul.f32 $1.442695020e+00, v6;
	v15 =	vor.u32 $0x3, v9  }
0x2eb: {  	s8 =	sadd.s32 $0x2030, s8;
	v7 =	vmul.f32 $1.442695020e+00, v7;
	v16 =	vor.u32 $0x7, v9;
	v2 =	vadd.f32 v5, v2  }
0x2ec: {  	v31 =	vmov s8;
	v0 =	vsub.f32 $0.0e+00, v0;
	v17 =	vor.u32 $0xA, v9;
	v51 =	vld.idx.msk [tilespmem:v8+s15+$0x0], $0xffff  }
0x2ed: {  	v12 =	vor.u32 $0x7, v31;
	v5 =	vor.u32 $0x2, v9;
	v2 =	vsub.f32 $0.0e+00, v2;
	v4 =	vpop (erf);
	v53 =	vld.idx.msk [tilespmem:v10+s15+$0x0], $0xffff  }
0x2ee: {  	v20 =	vor.u32 $0xD, v9;
	vm1 =	veq.s32 v1, $0xFFFFFFFF;
	v3 =	vadd.f32 v4, v3;
	v55 =	vld.idx.msk [tilespmem:v11+s15+$0x0], $0xffff  }
0x2ef: {  	v4 =	vor.u32 $0x1, v31;
	v37 =	vmul.f32 $1.442695020e+00, v2;
	v2 =	vor.u32 $0x1, v9;
	v56 =	vld.idx.msk [tilespmem:v15+s15+$0x0], $0xffff  }
0x2f0: {  	s28 =	sadd.s32 $0x40, s28;
	v0 =	vmul.f32 $1.442695020e+00, v0;
	v13 =	vpop (erf);
	[tilespmem:$0x1FB90] =	vst v4;
	v4 =	vor.u32 $0x4, v31;
	v8 =	vor.u32 $0xC, v31;
	v58 =	vld.idx.msk [tilespmem:v16+s15+$0x0], $0xffff  }
0x2f1: {  	s11 =	sadd.s32 $0xFFFFFFE0, s28;
	[tilespmem:$0x1FC40] =	vst v12;
	v18 =	vpop (erf);
	v10 =	vor.u32 $0xC, v9;
	(erf) = vpow2.f32 v6;
	v6 =	vor.u32 $0x6, v9;
	v60 =	vld.idx.msk [tilespmem:v17+s15+$0x0], $0xffff  }
0x2f2: {  	v11 =	vor.u32 $0x9, v9;
	v63 =	vld.idx.msk [tilespmem:v5+s15+$0x0], $0xffff;
	v5 =	vmov s11;
	[tilespmem:$0x1FBA0] =	vst v4;
	v4 =	vor.u32 $0x2, v31  }
0x2f3: {  	v62 =	vld.idx.msk [tilespmem:v20+s15+$0x0], $0xffff;
	[tilespmem:$0x1FC80] =	vst v8;
	v8 =	vor.u32 $0xD, v31;
	(erf) = vpow2.f32 v7;
	v7 =	vor.u32 $0x8, v9  }
0x2f4: {  	v3 =	vadd.f32 v13, v3;
	v5 =	vshll.u32 v5, $0x4;
	[tilespmem:$0x1FBC0] =	vst v4;
	v4 =	vor.u32 $0x5, v31;
	v45 =	vld.idx.msk [tilespmem:v2+s15+$0x0], $0xffff  }
0x2f5: {  	(erf) = vpow2.f32 v0;
	v0 =	vmov s28;
	[tilespmem:$0x1FBB0] =	vst v4;
	v4 =	vor.u32 $0x6, v31;
	v2 =	vld [tilespmem:$0x1FD90]  }
0x2f6: {  	[tilespmem:$0x1FCA0] =	vst v8;
	v12 =	vadd.f32 v18, v3;
	v3 =	vor.u32 $0x4, v9;
	v0 =	vshll.u32 v0, $0x4;
	v59 =	vld.idx.msk [tilespmem:v10+s15+$0x0], $0xffff  }
0x2f7: {  	s8 =	sadd.s32 $0xFFFFFFF0, s28;
	[tilespmem:$0x1FBD0] =	vst v4;
	v4 =	vor.u32 $0x8, v31;
	v50 =	vor.u32 v43, v0;
	v0 =	vor.u32 v43, v5;
	v46 =	vld.idx.msk [tilespmem:v6+s15+$0x0], $0xffff  }
0x2f8: {  	v1 =	vmov s8;
	vm0 =	veq.s32 v44, $0xFFFFFFFF;
	[tilespmem:$0x1FBE0] =	vst v4;
	v4 =	vor.u32 $0x3, v31;
	v52 =	vld.idx.msk [tilespmem:v11+s15+$0x0], $0xffff  }
0x2f9: {  	v12 =	vmul.f32 $2.500000000e-01, v12;
	v44 =	vor.u32 $0x3, v0;
	[tilespmem:$0x1FC20] =	vst v4;
	v4 =	vor.u32 $0x9, v31;
	v54 =	vld.idx.msk [tilespmem:v7+s15+$0x0], $0xffff  }
0x2fa: {  	v8 =	vor.u32 $0xB, v31;
	v10 =	vshll.u32 v1, $0x4;
	v5 =	vor.u32 $0x6, v0;
	[tilespmem:$0x1FC00] =	vst v4;
	v4 =	vld.idx.msk [tilespmem:v9+s15+$0x0], $0xffff  }
0x2fb: {  	[tilespmem:$0x1FCC0] =	vst v8;
	v6 =	vor.u32 v43, v10;
	v12 =	vsel vm1, $0x0, v12;
	v20 =	vld.idx.msk [tilespmem:v3+s15+$0x0], $0xffff  }
0x2fc: {  	v8 =	vor.u32 $0xE, v31;
	v7 =	vor.u32 $0xD, v0;
	[tilespmem:s30+$0x0] =	vst v12;
	v23 =	vld.idx.msk [tilespmem:v0+s15+$0x0], $0xffff  }
0x2fd: {  	v38 =	vor.u32 $0xA, v31;
	[tilespmem:$0x1FCE0] =	vst v8;
	v8 =	vor.u32 $0xF, v31;
	v9 =	vor.u32 $0x5, v9;
	v31 =	vld.idx.msk [tilespmem:v31+s15+$0x0], $0xffff  }
0x2fe: {  	v10 =	vor.u32 $0xF, v6;
	v44 =	vld.idx.msk [tilespmem:v44+s15+$0x0], $0xffff  }
0x2ff: {  	v11 =	vor.u32 $0xB, v6;
	v5 =	vld.idx.msk [tilespmem:v5+s15+$0x0], $0xffff  }
0x300: {  	v39 =	vor.u32 $0x3, v6;
	v22 =	vld.idx.msk [tilespmem:v6+s15+$0x0], $0xffff  }
0x301: {  	v40 =	vor.u32 $0x7, v6;
	v7 =	vld.idx.msk [tilespmem:v7+s15+$0x0], $0xffff  }
0x302: {  	v41 =	vor.u32 $0xA, v6;
	v18 =	vld.idx.msk [tilespmem:v9+s15+$0x0], $0xffff  }
0x303: {  	v42 =	vor.u32 $0xC, v6;
	v24 =	vld.idx.msk [tilespmem:v10+s15+$0x0], $0xffff  }
0x304: {  	v26 =	vor.u32 $0xD, v6;
	v25 =	vld.idx.msk [tilespmem:v11+s15+$0x0], $0xffff  }
0x305: {  	[tilespmem:$0x1FC60] =	vst v38;
	v1 =	vor.u32 $0x8, v50;
	v29 =	vor.u32 $0x2, v6;
	v30 =	vld.idx.msk [tilespmem:v39+s15+$0x0], $0xffff  }
0x306: {  	[tilespmem:$0x1FBF0] =	vst v1;
	v1 =	vor.u32 $0x3, v50;
	v32 =	vor.u32 $0x6, v6;
	v33 =	vld.idx.msk [tilespmem:v40+s15+$0x0], $0xffff  }
0x307: {  	[tilespmem:$0x1FC30] =	vst v1;
	v1 =	vor.u32 $0x9, v50;
	v34 =	vor.u32 $0x8, v6;
	v35 =	vld.idx.msk [tilespmem:v41+s15+$0x0], $0xffff  }
0x308: {  	v36 =	vor.u32 $0x9, v6;
	[tilespmem:$0x1FC10] =	vst v1;
	v1 =	vor.u32 $0x7, v50;
	v14 =	vpop (erf);
	v38 =	vld.idx.msk [tilespmem:v42+s15+$0x0], $0xffff  }
0x309: {  	v3 =	vor.u32 $0x1, v0;
	[tilespmem:$0x1FC50] =	vst v1;
	v1 =	vor.u32 $0xA, v50;
	v19 =	vpop (erf);
	v40 =	vld.idx.msk [tilespmem:v26+s15+$0x0], $0xffff  }
0x30a: {  	[tilespmem:$0x1FC70] =	vst v1;
	v1 =	vor.u32 $0xC, v50;
	v21 =	vpop (erf);
	(erf) = vpow2.f32 v37;
	v37 =	vor.u32 $0xB, v0;
	v29 =	vld.idx.msk [tilespmem:v29+s15+$0x0], $0xffff  }
0x30b: {  	s9 =	sadd.s32 $0x10, s28;
	[tilespmem:$0x1FC90] =	vst v1;
	v1 =	vor.u32 $0xD, v50;
	v9 =	vor.u32 $0xE, v6;
	v32 =	vld.idx.msk [tilespmem:v32+s15+$0x0], $0xffff  }
0x30c: {  	[tilespmem:$0x1FCB0] =	vst v1;
	v10 =	vmov s9;
	v1 =	vor.u32 $0xB, v50;
	v39 =	vor.u32 $0x1, v6;
	v34 =	vld.idx.msk [tilespmem:v34+s15+$0x0], $0xffff  }
0x30d: {  	v41 =	vor.u32 $0x4, v6;
	v36 =	vld.idx.msk [tilespmem:v36+s15+$0x0], $0xffff;
	[tilespmem:$0x1FCD0] =	vst v1;
	v10 =	vshll.u32 v10, $0x4;
	v1 =	vor.u32 $0xE, v50  }
0x30e: {  	v42 =	vor.u32 $0xF, v0;
	v3 =	vld.idx.msk [tilespmem:v3+s15+$0x0], $0xffff;
	[tilespmem:$0x1FCF0] =	vst v1;
	v28 =	vor.u32 v43, v10;
	v1 =	vor.u32 $0xF, v50  }
0x30f: {  	[tilespmem:$0x1FD10] =	vst v1;
	v1 =	vor.u32 $0x8, v28;
	v37 =	vld.idx.msk [tilespmem:v37+s15+$0x0], $0xffff  }
0x310: {  	v61 =	vor.u32 $0x4, v50;
	[tilespmem:$0x1FD20] =	vst v1;
	v1 =	vor.u32 $0xA, v28;
	v27 =	vld.idx.msk [tilespmem:v9+s15+$0x0], $0xffff  }
0x311: {  	v14 =	vadd.f32 v19, v14;
	[tilespmem:$0x1FD30] =	vst v1;
	v1 =	vor.u32 $0xC, v28;
	v19 =	vld.idx.msk [tilespmem:v39+s15+$0x0], $0xffff  }
0x312: {  	v41 =	vld.idx.msk [tilespmem:v41+s15+$0x0], $0xffff;
	[tilespmem:$0x1FD40] =	vst v1;
	v1 =	vor.u32 $0xD, v28  }
0x313: {  	v11 =	vor.u32 $0x4, v28;
	v10 =	vor.u32 $0x5, v28;
	v42 =	vld.idx.msk [tilespmem:v42+s15+$0x0], $0xffff;
	[tilespmem:$0x1FD50] =	vst v1;
	v1 =	vor.u32 $0xB, v28  }
0x314: {  	v7 =	vsub.f32 v62, v7;
	v40 =	vsub.f32 v62, v40;
	v62 =	vld [tilespmem:$0x1FBA0];
	[tilespmem:$0x1FD60] =	vst v1;
	v1 =	vor.u32 $0xE, v28  }
0x315: {  	v5 =	vsub.f32 v46, v5;
	v32 =	vsub.f32 v46, v32;
	v46 =	vld.idx.msk [tilespmem:v61+s15+$0x0], $0xffff;
	[tilespmem:$0x1FD70] =	vst v1;
	v1 =	vor.u32 $0xF, v28  }
0x316: {  	v23 =	vsub.f32 v4, v23;
	v22 =	vsub.f32 v4, v22;
	v4 =	vor.u32 $0x4, v0;
	[tilespmem:$0x1FD80] =	vst v1;
	v1 =	vld [tilespmem:$0x1FDA0]  }
0x317: {  	v6 =	vor.u32 $0x5, v6;
	v44 =	vsub.f32 v56, v44;
	v30 =	vsub.f32 v56, v30;
	v56 =	vld.idx.msk [tilespmem:v50+s15+$0x0], $0xffff  }
0x318: {  	v61 =	vld [tilespmem:$0x1FC30]  }
0x319: {  	v47 =	vor.u32 $0x1, v50;
	v39 =	vor.u32 $0xE, v0;
	v11 =	vld.idx.msk [tilespmem:v11+s15+$0x0], $0xffff  }
0x31a: {  	v49 =	vor.u32 $0x2, v50;
	v57 =	vor.u32 $0x5, v50;
	v13 =	vor.u32 $0x2, v28;
	v10 =	vld.idx.msk [tilespmem:v10+s15+$0x0], $0xffff  }
0x31b: {  	v15 =	vor.u32 $0x6, v28;
	v4 =	vld.idx.msk [tilespmem:v4+s15+$0x0], $0xffff;
	v43 =	vadd.f32 v2, v1;
	v1 =	vadd.f32 v21, v14  }
0x31c: {  	v17 =	vor.u32 $0x3, v28;
	v16 =	vor.u32 $0x9, v28;
	v14 =	vld.idx.msk [tilespmem:v6+s15+$0x0], $0xffff;
	v6 =	vor.u32 $0xC, v0  }
0x31d: {  	v26 =	vor.u32 $0x7, v28;
	v9 =	vor.u32 $0x1, v28;
	v28 =	vld.idx.msk [tilespmem:v28+s15+$0x0], $0xffff;
	v2 =	vpop (erf);
	[tilespmem:$0x1FDA0] =	vst v1;
	v1 =	vor.u32 $0x2, v0  }
0x31e: {  	v48 =	vor.u32 $0x6, v50;
	v3 =	vsub.f32 v45, v3;
	v39 =	vld.idx.msk [tilespmem:v39+s15+$0x0], $0xffff;
	[tilespmem:$0x1FD90] =	vst v2;
	v2 =	vor.u32 $0x5, v0  }
0x31f: {  	v19 =	vsub.f32 v45, v19;
	v45 =	vld.idx.msk [tilespmem:v47+s15+$0x0], $0xffff;
	v12 =	vmul.f32 $2.500000000e-01, v43;
	v43 =	vor.u32 $0xA, v0  }
0x320: {  	v25 =	vsub.f32 v53, v25;
	v24 =	vsub.f32 v51, v24;
	v47 =	vld [tilespmem:$0x1FBB0];
	v21 =	vor.u32 $0x7, v0  }
0x321: {  	v23 =	vmul.f32 v23, v23;
	v33 =	vsub.f32 v58, v33;
	v35 =	vsub.f32 v60, v35;
	v6 =	vld.idx.msk [tilespmem:v6+s15+$0x0], $0xffff  }
0x322: {  	[tilespmem:$0x1FD00] =	vst v8;
	v38 =	vsub.f32 v59, v38;
	v29 =	vsub.f32 v63, v29;
	v8 =	vld.idx.msk [tilespmem:v1+s15+$0x0], $0xffff;
	v1 =	vor.u32 $0x8, v0  }
0x323: {  	v34 =	vsub.f32 v54, v34;
	v5 =	vmul.f32 v5, v5;
	v2 =	vld.idx.msk [tilespmem:v2+s15+$0x0], $0xffff;
	v0 =	vor.u32 $0x9, v0  }
0x324: {  	v3 =	vmul.f32 v3, v3;
	v37 =	vsub.f32 v53, v37;
	v27 =	vsub.f32 v55, v27;
	v43 =	vld.idx.msk [tilespmem:v43+s15+$0x0], $0xffff  }
0x325: {  	v7 =	vmul.f32 v7, v7;
	v41 =	vsub.f32 v20, v41;
	v51 =	vsub.f32 v51, v42;
	v21 =	vld.idx.msk [tilespmem:v21+s15+$0x0], $0xffff  }
0x326: {  	v53 =	vmul.f32 v30, v30;
	v3 =	vadd.f32 v3, v23;
	v9 =	vld.idx.msk [tilespmem:v9+s15+$0x0], $0xffff;
	v14 =	vsub.f32 v18, v14  }
0x327: {  	v30 =	vmul.f32 v38, v38;
	v4 =	vsub.f32 v20, v4;
	v39 =	vsub.f32 v55, v39;
	v1 =	vld.idx.msk [tilespmem:v1+s15+$0x0], $0xffff  }
0x328: {  	v14 =	vmul.f32 v14, v14;
	v6 =	vsub.f32 v59, v6;
	v2 =	vsub.f32 v18, v2;
	v0 =	vld.idx.msk [tilespmem:v0+s15+$0x0], $0xffff  }
0x329: {  	v59 =	vld [tilespmem:$0x1FB90];
	v43 =	vsub.f32 v60, v43;
	v8 =	vsub.f32 v63, v8;
	v60 =	vmul.f32 v41, v41  }
0x32a: {  	v4 =	vmul.f32 v4, v4;
	v38 =	vld.idx.msk [tilespmem:v47+s15+$0x0], $0xffff;
	v21 =	vsub.f32 v58, v21;
	v2 =	vmul.f32 v2, v2  }
0x32b: {  	v58 =	vmul.f32 v40, v40;
	v40 =	vld.idx.msk [tilespmem:v62+s15+$0x0], $0xffff;
	v8 =	vmul.f32 v8, v8;
	v14 =	vadd.f32 v14, v60  }
0x32c: {  	v6 =	vmul.f32 v6, v6;
	v2 =	vadd.f32 v2, v4;
	v1 =	vsub.f32 v54, v1;
	v54 =	vld.idx.msk [tilespmem:v57+s15+$0x0], $0xffff  }
0x32d: {  	v44 =	vmul.f32 v44, v44;
	v3 =	vadd.f32 v8, v3;
	v0 =	vsub.f32 v52, v0;
	v57 =	vld [tilespmem:$0x1FBC0]  }
0x32e: {  	v63 =	vmul.f32 v21, v21;
	v2 =	vadd.f32 v5, v2;
	v5 =	vadd.f32 v7, v6;
	v7 =	vld [tilespmem:$0x1FBD0]  }
0x32f: {  	v4 =	vadd.f32 v58, v30;
	v58 =	vld.idx.msk [tilespmem:v49+s15+$0x0], $0xffff;
	v6 =	vmul.f32 v39, v39;
	v3 =	vadd.f32 v44, v3  }
0x330: {  	v39 =	vld [tilespmem:$0x1FC70];
	v1 =	vmul.f32 v1, v1;
	v0 =	vmul.f32 v0, v0;
	v2 =	vadd.f32 v63, v2  }
0x331: {  	v42 =	vld.idx.msk [tilespmem:v59+s15+$0x0], $0xffff;
	v5 =	vadd.f32 v6, v5;
	v3 =	vsub.f32 $0.0e+00, v3  }
0x332: {  	v59 =	vld.idx.msk [tilespmem:v48+s15+$0x0], $0xffff;
	v6 =	vmul.f32 v51, v51;
	v0 =	vadd.f32 v0, v1;
	v1 =	vmul.f32 v43, v43  }
0x333: {  	v21 =	vsub.f32 v40, v46;
	v2 =	vsub.f32 $0.0e+00, v2;
	v60 =	vmul.f32 $1.442695020e+00, v3;
	v3 =	vld [tilespmem:$0x1FC00]  }
0x334: {  	v55 =	vmul.f32 v29, v29;
	v5 =	vadd.f32 v6, v5;
	v0 =	vadd.f32 v1, v0;
	v1 =	vld [tilespmem:$0x1FBE0]  }
0x335: {  	v21 =	vmul.f32 v21, v21;
	v2 =	vmul.f32 $1.442695020e+00, v2;
	v30 =	vld.idx.msk [tilespmem:v57+s15+$0x0], $0xffff  }
0x336: {  	v48 =	vsub.f32 v38, v54;
	v5 =	vsub.f32 $0.0e+00, v5;
	(erf) = vpow2.f32 v60;
	v29 =	vld.idx.msk [tilespmem:v7+s15+$0x0], $0xffff  }
0x337: {  	v7 =	vmul.f32 v37, v37;
	(erf) = vpow2.f32 v2;
	v2 =	vld [tilespmem:$0x1FC40]  }
0x338: {  	v63 =	vmul.f32 $1.442695020e+00, v5;
	v5 =	vld [tilespmem:$0x1FC50];
	v57 =	vmul.f32 v48, v48  }
0x339: {  	v0 =	vadd.f32 v7, v0;
	v7 =	vld [tilespmem:$0x1FBF0]  }
0x33a: {  	v21 =	vadd.f32 v57, v21;
	v57 =	vld [tilespmem:$0x1FD50]  }
0x33b: {  	v6 =	vsub.f32 $0.0e+00, v0;
	v0 =	vld [tilespmem:$0x1FC10]  }
0x33c: {  	s29 =	sadd.s32 $0x40, s29;
	v3 =	vld.idx.msk [tilespmem:v3+s15+$0x0], $0xffff  }
0x33d: {  	v36 =	vsub.f32 v52, v36;
	v22 =	vmul.f32 v22, v22;
	v18 =	vsub.f32 v29, v59;
	v59 =	vld [tilespmem:s29+$0xFFFFFFE0]  }
0x33e: {  	v32 =	vmul.f32 v32, v32;
	v34 =	vmul.f32 v34, v34;
	v1 =	vld.idx.msk [tilespmem:v1+s15+$0x0], $0xffff  }
0x33f: {  	v36 =	vmul.f32 v36, v36;
	v23 =	vsub.f32 v31, v56;
	v19 =	vmul.f32 v19, v19;
	v2 =	vld.idx.msk [tilespmem:v2+s15+$0x0], $0xffff  }
0x340: {  	v62 =	vmul.f32 v27, v27;
	v14 =	vadd.f32 v32, v14;
	v6 =	vmul.f32 $1.442695020e+00, v6;
	v32 =	vld.idx.msk [tilespmem:v5+s15+$0x0], $0xffff  }
0x341: {  	v8 =	vadd.f32 v36, v34;
	v45 =	vsub.f32 v42, v45;
	v37 =	vmul.f32 v24, v24;
	v5 =	vld [tilespmem:$0x1FC60]  }
0x342: {  	(erf) = vpow2.f32 v6;
	v6 =	vadd.f32 v62, v4;
	v36 =	vld.idx.msk [tilespmem:v7+s15+$0x0], $0xffff;
	v7 =	vadd.f32 v19, v22  }
0x343: {  	v23 =	vmul.f32 v23, v23;
	v52 =	vmul.f32 v45, v45;
	v19 =	vld.idx.msk [tilespmem:v61+s15+$0x0], $0xffff  }
0x344: {  	v6 =	vadd.f32 v37, v6;
	v61 =	vld [tilespmem:$0x1FCF0];
	v7 =	vadd.f32 v55, v7  }
0x345: {  	v33 =	vmul.f32 v33, v33;
	v35 =	vmul.f32 v35, v35;
	v22 =	vadd.f32 v52, v23;
	v52 =	vld [tilespmem:$0x1FD20]  }
0x346: {  	v20 =	vld.idx.msk [tilespmem:v0+s15+$0x0], $0xffff;
	v6 =	vsub.f32 $0.0e+00, v6;
	v7 =	vadd.f32 v53, v7  }
0x347: {  	v25 =	vmul.f32 v25, v25;
	v8 =	vadd.f32 v35, v8;
	v14 =	vadd.f32 v33, v14;
	v0 =	vld [tilespmem:$0x1FC20]  }
0x348: {  	v55 =	vmul.f32 $1.442695020e+00, v6;
	v6 =	vld [tilespmem:$0x1FCD0];
	v4 =	vsub.f32 $0.0e+00, v7  }
0x349: {  	v5 =	vld.idx.msk [tilespmem:v5+s15+$0x0], $0xffff;
	v7 =	vadd.f32 v25, v8;
	v8 =	vsub.f32 $0.0e+00, v14  }
0x34a: {  	v44 =	vmul.f32 $1.442695020e+00, v4;
	v4 =	vld [tilespmem:$0x1FC80]  }
0x34b: {  	(erf) = vpow2.f32 v63;
	v46 =	vmul.f32 $1.442695020e+00, v8;
	v8 =	vld [tilespmem:$0x1FC90]  }
0x34c: {  	v14 =	vld.idx.msk [tilespmem:v39+s15+$0x0], $0xffff;
	v7 =	vsub.f32 $0.0e+00, v7  }
0x34d: {  	v25 =	vld.idx.msk [tilespmem:v61+s15+$0x0], $0xffff  }
0x34e: {  	v49 =	vmul.f32 $1.442695020e+00, v7;
	v7 =	vld [tilespmem:$0x1FCB0]  }
0x34f: {  	v51 =	vpop (erf);
	v0 =	vld.idx.msk [tilespmem:v0+s15+$0x0], $0xffff;
	(erf) = vpow2.f32 v44  }
0x350: {  	v54 =	vpop (erf);
	(erf) = vpow2.f32 v46;
	v46 =	vld [tilespmem:$0x1FD00]  }
0x351: {  	v34 =	vadd.f32 v54, v51;
	v56 =	vld.idx.msk [tilespmem:v6+s15+$0x0], $0xffff  }
0x352: {  	v53 =	vsub.f32 v30, v58;
	v58 =	vpop (erf);
	v4 =	vld.idx.msk [tilespmem:v4+s15+$0x0], $0xffff  }
0x353: {  	v33 =	vadd.f32 v58, v34;
	v47 =	vld.idx.msk [tilespmem:v8+s15+$0x0], $0xffff  }
0x354: {  	v62 =	vpop (erf);
	v6 =	vld [tilespmem:$0x1FCE0]  }
0x355: {  	v33 =	vadd.f32 v62, v33;
	v8 =	vld [tilespmem:$0x1FCA0]  }
0x356: {  	(erf) = vpow2.f32 v49;
	v50 =	vld.idx.msk [tilespmem:v7+s15+$0x0], $0xffff  }
0x357: {  	v10 =	vsub.f32 v38, v10;
	v11 =	vsub.f32 v40, v11;
	v33 =	vmul.f32 $2.500000000e-01, v33;
	v7 =	vld [tilespmem:$0x1FCC0]  }
0x358: {  	vm14 =	veq.s32 v59, $0xFFFFFFFF;
	(erf) = vpow2.f32 v55;
	v27 =	vsub.f32 v4, v47;
	v47 =	vld [tilespmem:$0x1FD10]  }
0x359: {  	s30 =	sadd.s32 $0x40, s30;
	v10 =	vmul.f32 v10, v10;
	v11 =	vmul.f32 v11, v11;
	v58 =	vld [tilespmem:$0x1FD60];
	v33 =	vsel vm14, $0x0, v33  }
0x35a: {  	v55 =	vld [tilespmem:$0x1FD30];
	[tilespmem:s30+$0xFFFFFFE0] =	vst v33  }
0x35b: {  	v10 =	vadd.f32 v10, v11;
	v9 =	vsub.f32 v42, v9;
	v18 =	vmul.f32 v18, v18;
	v33 =	vld [tilespmem:s29+$0xFFFFFFF0]  }
0x35c: {  	v12 =	vsel vm0, $0x0, v12;
	v32 =	vsub.f32 v2, v32;
	v36 =	vsub.f32 v1, v36;
	v41 =	vpop (erf);
	v23 =	vld.idx.msk [tilespmem:v46+s15+$0x0], $0xffff  }
0x35d: {  	v18 =	vadd.f32 v18, v21;
	v60 =	vmul.f32 v53, v53;
	v19 =	vsub.f32 v0, v19;
	v6 =	vld.idx.msk [tilespmem:v6+s15+$0x0], $0xffff;
	v45 =	vpop (erf)  }
0x35e: {  	v32 =	vmul.f32 v32, v32;
	v63 =	vmul.f32 v36, v36;
	v36 =	vadd.f32 v45, v41;
	v8 =	vld.idx.msk [tilespmem:v8+s15+$0x0], $0xffff  }
0x35f: {  	v20 =	vsub.f32 v3, v20;
	v22 =	vadd.f32 v60, v22;
	v19 =	vmul.f32 v19, v19;
	v48 =	vpop (erf);
	v7 =	vld.idx.msk [tilespmem:v7+s15+$0x0], $0xffff  }
0x360: {  	v54 =	vsub.f32 v31, v28;
	v24 =	vadd.f32 v48, v36;
	v21 =	vld.idx.msk [tilespmem:v47+s15+$0x0], $0xffff;
	[tilespmem:s26+$0x10] =	vst v12  }
0x361: {  	v18 =	vadd.f32 v32, v18;
	v20 =	vmul.f32 v20, v20;
	v19 =	vadd.f32 v19, v22;
	v51 =	vpop (erf);
	v12 =	vld.idx.msk [tilespmem:v13+s15+$0x0], $0xffff  }
0x362: {  	v14 =	vsub.f32 v5, v14;
	v24 =	vadd.f32 v51, v24;
	v15 =	vld.idx.msk [tilespmem:v15+s15+$0x0], $0xffff  }
0x363: {  	v9 =	vmul.f32 v9, v9;
	v20 =	vadd.f32 v20, v63;
	v19 =	vsub.f32 $0.0e+00, v19;
	v22 =	vld.idx.msk [tilespmem:v52+s15+$0x0], $0xffff  }
0x364: {  	v49 =	vmul.f32 v14, v14;
	vm15 =	veq.s32 v33, $0xFFFFFFFF;
	v24 =	vmul.f32 $2.500000000e-01, v24;
	v16 =	vld.idx.msk [tilespmem:v16+s15+$0x0], $0xffff  }
0x365: {  	v27 =	vmul.f32 v27, v27;
	v19 =	vmul.f32 $1.442695020e+00, v19;
	v44 =	vsub.f32 v8, v50;
	v17 =	vld.idx.msk [tilespmem:v17+s15+$0x0], $0xffff  }
0x366: {  	v25 =	vsub.f32 v6, v25;
	v24 =	vsel vm15, $0x0, v24;
	v50 =	vsub.f32 v7, v56;
	v56 =	vld [tilespmem:$0x1FD40]  }
0x367: {  	v18 =	vsub.f32 $0.0e+00, v18;
	v26 =	vld.idx.msk [tilespmem:v26+s15+$0x0], $0xffff;
	[tilespmem:s30+$0xFFFFFFF0] =	vst v24;
	v24 =	vmul.f32 v54, v54;
	v34 =	vmul.f32 v44, v44  }
0x368: {  	v13 =	vadd.f32 v49, v20;
	v14 =	vmul.f32 v50, v50;
	v22 =	vsub.f32 v1, v22;
	v1 =	vld [tilespmem:$0x1FD70]  }
0x369: {  	v60 =	vld [tilespmem:$0x1FD80];
	v25 =	vmul.f32 v25, v25;
	v9 =	vadd.f32 v9, v24;
	v53 =	vadd.f32 v34, v27  }
0x36a: {  	v18 =	vmul.f32 $1.442695020e+00, v18;
	v27 =	vld.idx.msk [tilespmem:v55+s15+$0x0], $0xffff;
	v21 =	vsub.f32 v23, v21;
	v13 =	vadd.f32 v14, v13  }
0x36b: {  	(erf) = vpow2.f32 v19;
	v20 =	vadd.f32 v25, v53;
	v12 =	vsub.f32 v30, v12  }
0x36c: {  	(erf) = vpow2.f32 v18;
	v14 =	vld.idx.msk [tilespmem:v57+s15+$0x0], $0xffff;
	v15 =	vsub.f32 v29, v15;
	v3 =	vsub.f32 v3, v16  }
0x36d: {  	v25 =	vld.idx.msk [tilespmem:v58+s15+$0x0], $0xffff;
	v0 =	vsub.f32 v0, v17;
	v2 =	vsub.f32 v2, v26;
	v12 =	vmul.f32 v12, v12  }
0x36e: {  	v13 =	vsub.f32 $0.0e+00, v13;
	v11 =	vmul.f32 v15, v15;
	v61 =	vmul.f32 v22, v22;
	v28 =	vld.idx.msk [tilespmem:v56+s15+$0x0], $0xffff  }
0x36f: {  	v3 =	vmul.f32 v3, v3;
	v0 =	vmul.f32 v0, v0;
	v5 =	vsub.f32 v5, v27  }
0x370: {  	v9 =	vadd.f32 v12, v9;
	v10 =	vadd.f32 v11, v10;
	v59 =	vld.idx.msk [tilespmem:v1+s15+$0x0], $0xffff;
	v1 =	vmul.f32 v21, v21  }
0x371: {  	v2 =	vmul.f32 v2, v2;
	v3 =	vadd.f32 v3, v61;
	v8 =	vsub.f32 v8, v14  }
0x372: {  	s1 =	sadd.s32 $0x2, s1;
	v16 =	vld.idx.msk [tilespmem:v60+s15+$0x0], $0xffff;
	v62 =	vmul.f32 $1.442695020e+00, v13;
	v7 =	vsub.f32 v7, v25;
	v20 =	vadd.f32 v1, v20  }
0x373: {  	p0 =	slt.u32 s1, $0xE;
	v5 =	vmul.f32 v5, v5;
	v9 =	vadd.f32 v0, v9;
	v4 =	vsub.f32 v4, v28  }
.Ltmp7:
0x374: {  	v10 =	vadd.f32 v2, v10;
	v8 =	vmul.f32 v8, v8;
	v63 =	vsub.f32 $0.0e+00, v20;
	(pc) =	sbr.rel @p0 .LBB2_8-.Ltmp7, $4  }
0x375: {  	v0 =	vadd.f32 v5, v3;
	v5 =	vmul.f32 v7, v7;
	v4 =	vmul.f32 v4, v4  }
0x376: {  	v43 =	vld [tilespmem:$0x1FFF0];
	v7 =	vsub.f32 $0.0e+00, v10;
	v6 =	vsub.f32 v6, v59;
	v11 =	vmul.f32 $1.442695020e+00, v63  }
0x377: {  	v44 =	vld [tilespmem:s0+$0x10];
	(erf) = vpow2.f32 v62;
	v2 =	vadd.f32 v8, v4;
	v4 =	vsub.f32 v23, v16  }
0x378: {  	s26 =	smov.u32 s31;
	s31 =	smov.u32 s30;
	s0 =	smov.u32 s29;
	v3 =	vpop (erf);
	v1 =	vld [tilespmem:s29+$0x0];
	v8 =	vmul.f32 v6, v6;
	v6 =	vsub.f32 $0.0e+00, v9;
	(erf) = vpow2.f32 v11  }
0x379: {  	_ =	sdelay $0x1  }
0x37a: {  	v4 =	vmul.f32 v4, v4;
	v2 =	vadd.f32 v8, v2  }
0x37b: {  	v0 =	vadd.f32 v5, v0  }
0x37c: {  	v50 =	vmul.f32 $1.442695020e+00, v6;
	v2 =	vadd.f32 v4, v2  }
0x37d: {  	v51 =	vmul.f32 $1.442695020e+00, v7;
	v52 =	vpop (erf);
	v0 =	vsub.f32 $0.0e+00, v0  }
0x37e: {  	v3 =	vadd.f32 v52, v3;
	(erf) = vpow2.f32 v50;
	v2 =	vsub.f32 $0.0e+00, v2  }
0x37f: {  	v0 =	vmul.f32 $1.442695020e+00, v0;
	(erf) = vpow2.f32 v51;
	v54 =	vpop (erf)  }
0x380: {  	v53 =	vmul.f32 $1.442695020e+00, v2;
	v2 =	vadd.f32 v54, v3  }
0x381: {  	(erf) = vpow2.f32 v0;
	v55 =	vpop (erf)  }
0x382: {  	v0 =	vadd.f32 v55, v2  }
0x383: {  	(erf) = vpow2.f32 v53  }
0x384: {  	v0 =	vmul.f32 $2.500000000e-01, v0  }
0x385: {  	vm0 =	veq.s32 v1, $0xFFFFFFFF  }
0x386: {  	v0 =	vsel vm0, $0x0, v0  }
0x387: {  	v56 =	vpop (erf);
	[tilespmem:s30+$0x0] =	vst v0  }
0x388: {  	v57 =	vpop (erf);
	v61 =	vld [tilespmem:$0x1FDA0]  }
0x389: {  	v1 =	vadd.f32 v57, v56;
	v62 =	vld [tilespmem:$0x1FD90]  }
0x38a: {  	v58 =	vpop (erf)  }
0x38b: {  	v59 =	vadd.f32 v58, v1;
	v60 =	vld [tilespmem:s0+$0x10]  }
0x38c: {  	v63 =	vpop (erf)  }
0x38d: {  	v0 =	vadd.f32 v63, v59  }
0x38e: {  	v2 =	vadd.f32 v62, v61  }
0x38f: {  	v0 =	vmul.f32 $2.500000000e-01, v0  }
0x390: {  	s30 =	sshll.u32 s25, $0x9;
	vm15 =	veq.s32 v60, $0xFFFFFFFF;
	v2 =	vmul.f32 $2.500000000e-01, v2  }
0x391: {  	vm14 =	veq.s32 v44, $0xFFFFFFFF;
	s0 =	sadd.s32 s10, s30;
	v0 =	vsel vm15, $0x0, v0  }
0x392: {  	s0 =	sshrl.u32 s0, $0x3;
	[tilespmem:s31+$0x10] =	vst v0;
	v2 =	vsel vm14, $0x0, v2  }
0x393: {  	s0 =	sadd.s32 s6, s0;
	[tilespmem:s26+$0x10] =	vst v2  }
0x394: {  	[hbm4b:s0+s3] =	stream.linear.scatter [tilespmem:s19], [sflag:$0x4], $0x200, $0x38;
	[tilespmem:$0x4A20] =	vst v63  }
0x395: {  	s0 =	sadd.s32 $0x3, s24  }
0x396: {  	p0 =	sge.u32 s0, s7  }
0x397: {  	s0 =	sshll.u32 @!p0 s0, $0x4  }
0x398: {  	s0 =	sadd.s32 @!p0 s5, s0  }
0x399: {  	s1 =	sshll.u32 @!p0 s0, $0x2  }
0x39a: {  	s1 =	sand.u32 @!p0 $0x1FFFFFC0, s1  }
0x39b: {  	s8 =	simm.s32 @!p0 $0x0;
	s9 =	simm.s32 @!p0 $0x210;
	s1 =	sadd.s32 @!p0 s2, s1  }
0x39c: {  	[tilespmem:s9], [sflag:$0x5] =	stream.linear.gather @!p0 [hbm4b:s1+s8], $0x200, $0x38;
	[tilespmem:$0x4A20] =	vst v63  }
0x39d: {  	s1 =	simm.s32 @!p0 $0x5  }
.Ltmp8:
0x39e: {  	_ =	swait.ge @!p0 [sflag:s1], $0x200;
	(pc) =	sbr.rel .LBB2_10-.Ltmp8, $4  }
0x39f: {  	v0 =	vlaneseq.u32 @!p0;
	[sflag:s1] =	ssyncset.done @!p0 $0x0  }
0x3a0: {  	v0 =	vor.u32 @!p0 s0, v0;
	[sflag:s1] =	ssyncadd.s32 @!p0 $0xFFFFFE00  }
0x3a1: {  	s0 =	simm.s32 @!p0 $0x2520;
	[tilespmem:$0x410] =	vst @!p0 v0  }
0x3a2: {  	[tilespmem:s0], [sflag:$0x2] =	stream.indirect.gather @!p0 [hbm4b:s4+s9], $0x10, s9, s9, $0xb8;
	[tilespmem:$0x4A20] =	vst v63  }
.LBB2_12:
0x3a3: {  	_ =	sfence.sel $0x180000  }
0x3a4: {  	[bflag:$0x0] =	sbarrier.arrive $0xFFFF  }
0x3a5: {  	_ =	strace $0x90000047  }
0x3a6: {  	s0 =	stileid.u32;
	[bflag:$0x2] =	sbarrier.arrive $0xFFFF  }
0x3a7: {  	p0 =	sne.s32 s0, $0x0;
	s0 =	rddreg [dreg:$0x2]  }
0x3a8: {  	s0 =	sadd.s32 @!p0 $0x100000, s0  }
0x3a9: {  	[sflag:s0] =	ssyncadd.tile.s32 @!p0 $0x1;
	_ =	shalt  }
.Lfunc_end2:
_tile_overlayer_lowered:
.L_overlay_start_2:
0x3aa: {  	(tag) =	ssettag $0x2  }
0x3ab: {  	s0 =	rddreg [dreg:$0x0];
	s2 =	stileid.u32  }
0x3ac: {  	s1 =	rddreg [dreg:$0x1];
	p0 =	sne.s32 s2, $0x0  }
0x3ad: {  	s3 =	rddreg [dreg:$0x2];
	[bflag:$0x3] =	sbarrier.arrive $0xFFFF;
	s2 =	simm.s32 @!p0 $0x1C05  }
0x3ae: {  	[timem:s3], [sflag:s2] =	dma.local @!p0 [hbm:s0], s1  }
0x3af: {  	s0 =	simm.s32 @!p0 $0x5  }
0x3b0: {  	_ =	swait.ge @!p0 [sflag:s0], s1  }
0x3b1: {  	s1 =	ssub.s32 @!p0 $0x0, s1;
	[sflag:s0] =	ssyncset.done @!p0 $0x0  }
0x3b2: {  	[sflag:s0] =	ssyncadd.s32 @!p0 s1  }
0x3b3: {  	[bflag:$0x3] =	sbarrier.arrive $0xFFFF  }
0x3b4: {  	_ =	shalt  }

</sc_bundles>
